<compile_context>
chip_gen: v7x
topology: tpu7x:2x2x1
jax: 0.10.2.dev20260603
libtpu: 0.0.44.dev20260713+nightly
codegen_flags: <defaults>
</compile_context>

<pallas_src>
import functools

import jax
import jax.numpy as jnp
from jax import lax
from jax.experimental import pallas as pl
from jax.experimental.pallas import tpu as pltpu
from jax.experimental.pallas import tpu_sc as plsc

F32 = jnp.float32
EPS_LN = 1e-5
EPS_MEAN = 1e-10
HIGH = lax.Precision.HIGHEST

BATCH = 80
GRP = 5


def _pq_body(nf_ref, ws_ref, wt_ref, p_ref, q_ref):
    nf = nf_ref[...]
    p_ref[...] = jnp.dot(nf, ws_ref[...], preferred_element_type=F32,
                         precision=HIGH)
    q_ref[...] = jnp.dot(nf, wt_ref[...], preferred_element_type=F32,
                         precision=HIGH)


def _edge_body(ef_ref, g_ref, wbd_ref, am_ref, b_ref, gam_ref, bet_ref,
               out_ref):
    x = ef_ref[...]
    y = x + jnp.dot(x, wbd_ref[...], preferred_element_type=F32,
                    precision=HIGH) + b_ref[...] + g_ref[...]
    mu = jnp.dot(y, am_ref[...], preferred_element_type=F32, precision=HIGH)
    d = y - mu
    var = jnp.dot(d * d, am_ref[...], preferred_element_type=F32,
                  precision=HIGH)
    out_ref[...] = d * lax.rsqrt(var + EPS_LN) * gam_ref[...] + bet_ref[...]


def _node_body(nf_ref, s_ref, c_ref, wn1_ref, wn2_ref, bn_ref, gn_ref,
               btn_ref, out_ref):
    nf = nf_ref[...]
    s = jnp.sum(s_ref[...], axis=0)
    c = jnp.sum(c_ref[...], axis=0)
    mean = s / (c + EPS_MEAN)
    y = (nf
         + jnp.dot(nf, wn1_ref[...], preferred_element_type=F32,
                   precision=HIGH)
         + jnp.dot(mean, wn2_ref[...], preferred_element_type=F32,
                   precision=HIGH)
         + bn_ref[...])
    mu = jnp.mean(y, axis=-1, keepdims=True)
    d = y - mu
    var = jnp.mean(d * d, axis=-1, keepdims=True)
    out_ref[...] = d * lax.rsqrt(var + EPS_LN) * gn_ref[...] + btn_ref[...]


def _make_sc_gather(N, E, de, NC, NS):
    NW = NC * NS
    EW = E // NW
    NB = EW // BATCH
    NG = NB // GRP
    assert EW * NW == E and NB * BATCH == EW and NG * GRP == NB
    mesh = plsc.VectorSubcoreMesh(core_axis_name="c", subcore_axis_name="s")

    @functools.partial(
        pl.kernel,
        out_type=jax.ShapeDtypeStruct((E, de), F32),
        mesh=mesh,
        scratch_types=[
            pltpu.VMEM((GRP, BATCH), jnp.int32),
            pltpu.VMEM((GRP, BATCH), jnp.int32),
            pltpu.VMEM((GRP, BATCH, de), F32),
            pltpu.SemaphoreType.DMA,
            pltpu.SemaphoreType.DMA,
            pltpu.SemaphoreType.DMA,
        ],
        compiler_params=pltpu.CompilerParams(use_tc_tiling_on_sc=False),
    )
    def sc_gather(p_hbm, q_hbm, src_hbm, tgt_hbm, g_hbm,
                  sidx, tidx, rows, semi, semg, semo):
        wid = lax.axis_index("s") * NC + lax.axis_index("c")
        base = wid * EW

        def group(g, carry):
            gb = base + g * (GRP * BATCH)
            ds = []
            for b in range(GRP):
                off = gb + b * BATCH
                ds.append(pltpu.async_copy(src_hbm.at[pl.ds(off, BATCH)],
                                           sidx.at[b], semi))
                ds.append(pltpu.async_copy(tgt_hbm.at[pl.ds(off, BATCH)],
                                           tidx.at[b], semi))
            for d in ds:
                d.wait()
            ds = [pltpu.async_copy(q_hbm.at[tidx.at[b]], rows.at[b], semg)
                  for b in range(GRP)]
            for d in ds:
                d.wait()
            ds = [pltpu.async_copy(p_hbm.at[sidx.at[b]], rows.at[b], semg,
                                   add=True)
                  for b in range(GRP)]
            for d in ds:
                d.wait()
            ds = [pltpu.async_copy(rows.at[b],
                                   g_hbm.at[pl.ds(gb + b * BATCH, BATCH)],
                                   semo)
                  for b in range(GRP)]
            for d in ds:
                d.wait()
            return carry

        lax.fori_loop(0, NG, group, 0)

    return sc_gather


def _make_sc_scatter(N, E, de, NC, NS):
    NW = NC * NS
    EW = E // NW
    NB = EW // BATCH
    NG = NB // GRP
    NPS = N // NS
    assert NPS * NS == N
    mesh = plsc.VectorSubcoreMesh(core_axis_name="c", subcore_axis_name="s")

    @functools.partial(
        pl.kernel,
        out_type=(jax.ShapeDtypeStruct((NC * N, de), F32),
                  jax.ShapeDtypeStruct((NC * N, de), F32)),
        mesh=mesh,
        scratch_types=[
            pltpu.VMEM((GRP, BATCH), jnp.int32),
            pltpu.VMEM((GRP, BATCH), jnp.int32),
            pltpu.VMEM((GRP, BATCH, de), F32),
            pltpu.VMEM((BATCH, de), F32),
            pltpu.VMEM((NPS, de), F32),
            pltpu.VMEM_SHARED((N, de), F32),
            pltpu.VMEM_SHARED((N, de), F32),
            pltpu.SemaphoreType.DMA,
            pltpu.SemaphoreType.DMA,
        ],
        compiler_params=pltpu.CompilerParams(use_tc_tiling_on_sc=False),
    )
    def sc_scatter(ne_hbm, src_hbm, tgt_hbm, sums_hbm, cnts_hbm,
                   sidx, tidx, rows, ones_v, tmp_v, acc_s, cnt_s,
                   semi, sems):
        cid = lax.axis_index("c")
        sid = lax.axis_index("s")
        wid = sid * NC + cid
        base = wid * EW

        def zrow(r, carry):
            tmp_v[r, :] = jnp.zeros((de,), F32)
            return carry

        lax.fori_loop(0, NPS, zrow, 0)
        pltpu.sync_copy(tmp_v, acc_s.at[pl.ds(sid * NPS, NPS)])
        pltpu.sync_copy(tmp_v, cnt_s.at[pl.ds(sid * NPS, NPS)])

        def orow(r, carry):
            ones_v[r, :] = jnp.ones((de,), F32)
            return carry

        lax.fori_loop(0, BATCH, orow, 0)
        plsc.subcore_barrier()

        def group(g, carry):
            gb = base + g * (GRP * BATCH)
            ds = []
            for b in range(GRP):
                off = gb + b * BATCH
                ds.append(pltpu.async_copy(src_hbm.at[pl.ds(off, BATCH)],
                                           sidx.at[b], semi))
                ds.append(pltpu.async_copy(tgt_hbm.at[pl.ds(off, BATCH)],
                                           tidx.at[b], semi))
                ds.append(pltpu.async_copy(ne_hbm.at[pl.ds(off, BATCH)],
                                           rows.at[b], semi))
            for d in ds:
                d.wait()
            ds = []
            for b in range(GRP):
                ds.append(pltpu.async_copy(rows.at[b], acc_s.at[sidx.at[b]],
                                           sems, add=True))
                ds.append(pltpu.async_copy(rows.at[b], acc_s.at[tidx.at[b]],
                                           sems, add=True))
                ds.append(pltpu.async_copy(ones_v, cnt_s.at[sidx.at[b]],
                                           sems, add=True))
                ds.append(pltpu.async_copy(ones_v, cnt_s.at[tidx.at[b]],
                                           sems, add=True))
            for d in ds:
                d.wait()
            return carry

        lax.fori_loop(0, NG, group, 0)
        plsc.subcore_barrier()

        pltpu.sync_copy(acc_s.at[pl.ds(sid * NPS, NPS)], tmp_v)
        pltpu.sync_copy(tmp_v, sums_hbm.at[pl.ds(cid * N + sid * NPS, NPS)])
        pltpu.sync_copy(cnt_s.at[pl.ds(sid * NPS, NPS)], tmp_v)
        pltpu.sync_copy(tmp_v, cnts_hbm.at[pl.ds(cid * N + sid * NPS, NPS)])

    return sc_scatter


def kernel(node_features, edge_features, edge_index, W_e, b_e, g_e, bt_e,
           W_n, b_n, g_n, bt_n):
    N, dn = node_features.shape
    E, de = edge_features.shape
    info = plsc.get_sparse_core_info()
    NC, NS = info.num_cores, info.num_subcores

    src = edge_index[0]
    tgt = edge_index[1]
    W_self = W_e[:de]
    W_src = W_e[de:de + dn]
    W_tgt = W_e[de + dn:]

    BN = 2000
    pq = pl.pallas_call(
        _pq_body,
        grid=(N // BN,),
        in_specs=[
            pl.BlockSpec((BN, dn), lambda i: (i, 0)),
            pl.BlockSpec((dn, de), lambda i: (0, 0)),
            pl.BlockSpec((dn, de), lambda i: (0, 0)),
        ],
        out_specs=[
            pl.BlockSpec((BN, de), lambda i: (i, 0)),
            pl.BlockSpec((BN, de), lambda i: (i, 0)),
        ],
        out_shape=[
            jax.ShapeDtypeStruct((N, de), F32),
            jax.ShapeDtypeStruct((N, de), F32),
        ],
    )
    P, Q = pq(node_features, W_src, W_tgt)

    G = _make_sc_gather(N, E, de, NC, NS)(P, Q, src, tgt)

    R = 128 // de
    ef128 = edge_features.reshape(E // R, 128)
    g128 = G.reshape(E // R, 128)
    eye = jnp.eye(R, dtype=F32)
    wbd = jnp.kron(eye, W_self)
    amean = jnp.kron(eye, jnp.full((de, de), 1.0 / de, F32))
    b128 = jnp.tile(b_e, R)[None]
    gam128 = jnp.tile(g_e, R)[None]
    bet128 = jnp.tile(bt_e, R)[None]
    BE = 2000
    ne128 = pl.pallas_call(
        _edge_body,
        grid=((E // R) // BE,),
        in_specs=[
            pl.BlockSpec((BE, 128), lambda i: (i, 0)),
            pl.BlockSpec((BE, 128), lambda i: (i, 0)),
            pl.BlockSpec((128, 128), lambda i: (0, 0)),
            pl.BlockSpec((128, 128), lambda i: (0, 0)),
            pl.BlockSpec((1, 128), lambda i: (0, 0)),
            pl.BlockSpec((1, 128), lambda i: (0, 0)),
            pl.BlockSpec((1, 128), lambda i: (0, 0)),
        ],
        out_specs=pl.BlockSpec((BE, 128), lambda i: (i, 0)),
        out_shape=jax.ShapeDtypeStruct((E // R, 128), F32),
    )(ef128, g128, wbd, amean, b128, gam128, bet128)
    new_edges = ne128.reshape(E, de)

    sums, cnts = _make_sc_scatter(N, E, de, NC, NS)(new_edges, src, tgt)
    sums3 = sums.reshape(NC, N, de)
    cnts3 = cnts.reshape(NC, N, de)

    new_nodes = pl.pallas_call(
        _node_body,
        grid=(N // BN,),
        in_specs=[
            pl.BlockSpec((BN, dn), lambda i: (i, 0)),
            pl.BlockSpec((NC, BN, de), lambda i: (0, i, 0)),
            pl.BlockSpec((NC, BN, de), lambda i: (0, i, 0)),
            pl.BlockSpec((dn, dn), lambda i: (0, 0)),
            pl.BlockSpec((de, dn), lambda i: (0, 0)),
            pl.BlockSpec((1, dn), lambda i: (0, 0)),
            pl.BlockSpec((1, dn), lambda i: (0, 0)),
            pl.BlockSpec((1, dn), lambda i: (0, 0)),
        ],
        out_specs=pl.BlockSpec((BN, dn), lambda i: (i, 0)),
        out_shape=jax.ShapeDtypeStruct((N, dn), F32),
    )(node_features, sums3, cnts3, W_n[:dn], W_n[dn:], b_n[None], g_n[None],
      bt_n[None])

    return new_nodes, new_edges

# --- scband reference (transcript-rebuilt; emitter-appended) ---
"""Pipeline reference for scband-reconciliation-bridge-8521215115945 (READ-ONLY COPY).

The authoritative reference and input builder live on the scoring server;
editing this copy changes nothing except your own understanding.
"""

import jax, jax.numpy as jnp
import numpy as np


def layer_norm(x, gamma, beta, eps=1e-5):
    mu = jnp.mean(x, axis=-1, keepdims=True)
    var = jnp.mean((x - mu) ** 2, axis=-1, keepdims=True)
    return (x - mu) / jnp.sqrt(var + eps) * gamma + beta


def setup_inputs(seed: int = 0) -> dict:
    key = jax.random.key(seed)
    ks = jax.random.split(key, 8)
    N, E, d_node, d_edge = 10000, 320000, 128, 16
    node_features = jax.random.normal(ks[0], (N, d_node), jnp.float32)
    edge_features = jax.random.normal(ks[1], (E, d_edge), jnp.float32)
    edge_index = jax.random.randint(ks[2], (2, E), 0, N, jnp.int32)
    in_e = d_edge + 2 * d_node
    in_n = d_node + d_edge
    W_e = jax.random.normal(ks[3], (in_e, d_edge), jnp.float32) / np.sqrt(in_e)
    b_e = jnp.zeros((d_edge,), jnp.float32)
    g_e = jnp.ones((d_edge,), jnp.float32)
    bt_e = jnp.zeros((d_edge,), jnp.float32)
    W_n = jax.random.normal(ks[4], (in_n, d_node), jnp.float32) / np.sqrt(in_n)
    b_n = jnp.zeros((d_node,), jnp.float32)
    g_n = jnp.ones((d_node,), jnp.float32)
    bt_n = jnp.zeros((d_node,), jnp.float32)
    return {"node_features": node_features, "edge_features": edge_features,
            "edge_index": edge_index, "W_e": W_e, "b_e": b_e, "g_e": g_e, "bt_e": bt_e,
            "W_n": W_n, "b_n": b_n, "g_n": g_n, "bt_n": bt_n}


def reference(node_features, edge_features, edge_index, W_e, b_e, g_e, bt_e, W_n, b_n, g_n, bt_n):
    src = edge_index[0]
    tgt = edge_index[1]
    edge_ctx = jnp.concatenate([edge_features, node_features[src], node_features[tgt]], axis=-1)
    new_edges = layer_norm(edge_features + edge_ctx @ W_e + b_e, g_e, bt_e)
    N = node_features.shape[0]
    all_nodes = jnp.concatenate([src, tgt], axis=0)
    all_edges = jnp.concatenate([new_edges, new_edges], axis=0)
    edge_sum = jax.ops.segment_sum(all_edges, all_nodes, num_segments=N)
    ones = jnp.ones((all_nodes.shape[0], 1), jnp.float32)
    edge_count = jax.ops.segment_sum(ones, all_nodes, num_segments=N)
    edge_mean = edge_sum / (edge_count + 1e-10)
    node_ctx = jnp.concatenate([node_features, edge_mean], axis=-1)
    new_nodes = layer_norm(node_features + node_ctx @ W_n + b_n, g_n, bt_n)
    return (new_nodes, new_edges)

if __name__ == "__main__":
    import jax
    _d = setup_inputs()
    print(jax.jit(kernel)(*tuple(_d.values())))

</pallas_src>

<mosaic_0001>
#map = affine_map<(d0, d1) -> (0, 0)>
#map1 = affine_map<(d0, d1) -> (0)>
module attributes {stable_mosaic.version = 14 : i64} {
  func.func @sc_scatter(%arg0: i32, %arg1: i32, %arg2: memref<320000x16xf32, #tpu.memory_space<hbm>>, %arg3: memref<320000xi32, #tpu.memory_space<hbm>>, %arg4: memref<320000xi32, #tpu.memory_space<hbm>>, %arg5: memref<20000x16xf32, #tpu.memory_space<hbm>>, %arg6: memref<20000x16xf32, #tpu.memory_space<hbm>>, %arg7: memref<5x80xi32, #tpu.memory_space<vmem>>, %arg8: memref<5x80xi32, #tpu.memory_space<vmem>>, %arg9: memref<5x80x16xf32, #tpu.memory_space<vmem>>, %arg10: memref<80x16xf32, #tpu.memory_space<vmem>>, %arg11: memref<625x16xf32, #tpu.memory_space<vmem>>, %arg12: memref<10000x16xf32, #tpu.memory_space<vmem_shared>>, %arg13: memref<10000x16xf32, #tpu.memory_space<vmem_shared>>, %arg14: memref<!tpu.dma_semaphore, #tpu.memory_space<semaphore_mem>>, %arg15: memref<!tpu.dma_semaphore, #tpu.memory_space<semaphore_mem>>) attributes {dimension_semantics = [#tpu.dimension_semantics<core_parallel>, #tpu.dimension_semantics<subcore_parallel>], iteration_bounds = array<i64: 2, 16>, scalar_prefetch = 0 : i64, scratch_operands = 9 : i64, tpu.core_type = #tpu.core_type<sc_vector_subcore>, window_params = [{transform_indices = #map}, {transform_indices = #map1}, {transform_indices = #map1}, {transform_indices = #map}, {transform_indices = #map}]} {
    %mul3A = arith.constant 2 : i32
    %mul3A_0 = arith.muli %arg1, %mul3A : i32
    %add3A = arith.addi %mul3A_0, %arg0 : i32
    %mul3A_1 = arith.constant 10000 : i32
    %mul3A_2 = arith.muli %add3A, %mul3A_1 : i32
    %scan3A = arith.constant 0 : i32
    %scan3A_3 = arith.constant 0 : i32
    %scan3A_4 = arith.constant 625 : i32
    %scan3A_5 = arith.addi %scan3A_3, %scan3A_4 : i32
    %scan3A_6 = arith.constant 1 : i32
    scf.for %scan3A_39 = %scan3A_3 to %scan3A_5 step %scan3A_6  : i32 {
      %broadcast_in_dim3A = arith.constant 0.000000e+00 : f32
      %broadcast_in_dim3A_40 = vector.broadcast %broadcast_in_dim3A : f32 to vector<16xf32>
      %swap3A = arith.index_cast %scan3A_39 : i32 to index
      %swap3A_41 = arith.constant 0 : index
      %swap3A_42 = tpu.vector_load %arg11[%swap3A, %swap3A_41] {strides = array<i32>} : memref<625x16xf32, #tpu.memory_space<vmem>>, vector<1x16xf32>,
      %swap3A_43 = vector.shape_cast %swap3A_42 : vector<1x16xf32> to vector<16xf32>
      %swap3A_44 = vector.shape_cast %broadcast_in_dim3A_40 : vector<16xf32> to vector<1x16xf32>
      tpu.vector_store %arg11[%swap3A, %swap3A_41], %swap3A_44 {strides = array<i32>} : memref<625x16xf32, #tpu.memory_space<vmem>>, vector<1x16xf32>,
    }
    %scan3A_7 = arith.constant 625 : i32
    %mul3A_8 = arith.constant 625 : i32
    %mul3A_9 = arith.muli %arg1, %mul3A_8 : i32
    "tpu.region"() ({
      %run_scoped3A = tpu.sem_alloc : memref<!tpu.dma_semaphore, #tpu.memory_space<semaphore_mem>>
      %dma_start3A = arith.constant 0 : i32
      %dma_start3A_39 = tpu.memref_slice %arg12[%mul3A_9, %dma_start3A] : memref<10000x16xf32, #tpu.memory_space<vmem_shared>> -> memref<625x16xf32, #tpu.memory_space<vmem_shared>>
      %dma_start3A_40 = arith.constant 0 : i32
      %dma_start3A_41 = tpu.memref_slice %arg12[%mul3A_9, %dma_start3A_40] : memref<10000x16xf32, #tpu.memory_space<vmem_shared>> -> memref<625x16xf32, #tpu.memory_space<vmem_shared>>
      tpu.enqueue_dma source(%arg11 : memref<625x16xf32, #tpu.memory_space<vmem>>) target(%dma_start3A_41 : memref<625x16xf32, #tpu.memory_space<vmem_shared>>) target_semaphore(%run_scoped3A : memref<!tpu.dma_semaphore, #tpu.memory_space<semaphore_mem>>)
      %dma_wait3A = arith.constant 0 : i32
      %dma_wait3A_42 = tpu.memref_slice %arg12[%mul3A_9, %dma_wait3A] : memref<10000x16xf32, #tpu.memory_space<vmem_shared>> -> memref<625x16xf32, #tpu.memory_space<vmem_shared>>
      %dma_wait3A_43 = arith.constant 0 : i32
      %dma_wait3A_44 = tpu.memref_slice %arg12[%mul3A_9, %dma_wait3A_43] : memref<10000x16xf32, #tpu.memory_space<vmem_shared>> -> memref<625x16xf32, #tpu.memory_space<vmem_shared>>
      tpu.wait_dma2 semaphore(%run_scoped3A : memref<!tpu.dma_semaphore, #tpu.memory_space<semaphore_mem>>) src(%arg11 : memref<625x16xf32, #tpu.memory_space<vmem>>) dst(%dma_wait3A_44 : memref<625x16xf32, #tpu.memory_space<vmem_shared>>)
      tpu.yield
    }) : () -> ()
    %mul3A_10 = arith.constant 625 : i32
    %mul3A_11 = arith.muli %arg1, %mul3A_10 : i32
    "tpu.region"() ({
      %run_scoped3A = tpu.sem_alloc : memref<!tpu.dma_semaphore, #tpu.memory_space<semaphore_mem>>
      %dma_start3A = arith.constant 0 : i32
      %dma_start3A_39 = tpu.memref_slice %arg13[%mul3A_11, %dma_start3A] : memref<10000x16xf32, #tpu.memory_space<vmem_shared>> -> memref<625x16xf32, #tpu.memory_space<vmem_shared>>
      %dma_start3A_40 = arith.constant 0 : i32
      %dma_start3A_41 = tpu.memref_slice %arg13[%mul3A_11, %dma_start3A_40] : memref<10000x16xf32, #tpu.memory_space<vmem_shared>> -> memref<625x16xf32, #tpu.memory_space<vmem_shared>>
      tpu.enqueue_dma source(%arg11 : memref<625x16xf32, #tpu.memory_space<vmem>>) target(%dma_start3A_41 : memref<625x16xf32, #tpu.memory_space<vmem_shared>>) target_semaphore(%run_scoped3A : memref<!tpu.dma_semaphore, #tpu.memory_space<semaphore_mem>>)
      %dma_wait3A = arith.constant 0 : i32
      %dma_wait3A_42 = tpu.memref_slice %arg13[%mul3A_11, %dma_wait3A] : memref<10000x16xf32, #tpu.memory_space<vmem_shared>> -> memref<625x16xf32, #tpu.memory_space<vmem_shared>>
      %dma_wait3A_43 = arith.constant 0 : i32
      %dma_wait3A_44 = tpu.memref_slice %arg13[%mul3A_11, %dma_wait3A_43] : memref<10000x16xf32, #tpu.memory_space<vmem_shared>> -> memref<625x16xf32, #tpu.memory_space<vmem_shared>>
      tpu.wait_dma2 semaphore(%run_scoped3A : memref<!tpu.dma_semaphore, #tpu.memory_space<semaphore_mem>>) src(%arg11 : memref<625x16xf32, #tpu.memory_space<vmem>>) dst(%dma_wait3A_44 : memref<625x16xf32, #tpu.memory_space<vmem_shared>>)
      tpu.yield
    }) : () -> ()
    %scan3A_12 = arith.constant 0 : i32
    %scan3A_13 = arith.constant 0 : i32
    %scan3A_14 = arith.constant 80 : i32
    %scan3A_15 = arith.addi %scan3A_13, %scan3A_14 : i32
    %scan3A_16 = arith.constant 1 : i32
    scf.for %scan3A_39 = %scan3A_13 to %scan3A_15 step %scan3A_16  : i32 {
      %broadcast_in_dim3A = arith.constant 1.000000e+00 : f32
      %broadcast_in_dim3A_40 = vector.broadcast %broadcast_in_dim3A : f32 to vector<16xf32>
      %swap3A = arith.index_cast %scan3A_39 : i32 to index
      %swap3A_41 = arith.constant 0 : index
      %swap3A_42 = tpu.vector_load %arg10[%swap3A, %swap3A_41] {strides = array<i32>} : memref<80x16xf32, #tpu.memory_space<vmem>>, vector<1x16xf32>,
      %swap3A_43 = vector.shape_cast %swap3A_42 : vector<1x16xf32> to vector<16xf32>
      %swap3A_44 = vector.shape_cast %broadcast_in_dim3A_40 : vector<16xf32> to vector<1x16xf32>
      tpu.vector_store %arg10[%swap3A, %swap3A_41], %swap3A_44 {strides = array<i32>} : memref<80x16xf32, #tpu.memory_space<vmem>>, vector<1x16xf32>,
    }
    %scan3A_17 = arith.constant 80 : i32
    %barrier3A = arith.constant 0 : index
    tpu.barrier barrier_id(%barrier3A)
    %scan3A_18 = arith.constant 0 : i32
    %scan3A_19 = arith.constant 0 : i32
    %scan3A_20 = arith.constant 25 : i32
    %scan3A_21 = arith.addi %scan3A_19, %scan3A_20 : i32
    %scan3A_22 = arith.constant 1 : i32
    scf.for %scan3A_39 = %scan3A_19 to %scan3A_21 step %scan3A_22  : i32 {
      %mul3A_40 = arith.constant 400 : i32
      %mul3A_41 = arith.muli %scan3A_39, %mul3A_40 : i32
      %add3A_42 = arith.addi %mul3A_2, %mul3A_41 : i32
      %add3A_43 = arith.constant 0 : i32
      %add3A_44 = arith.addi %add3A_42, %add3A_43 : i32
      %dma_start3A = arith.constant 0 : i32
      %dma_start3A_45 = arith.constant 0 : i32
      %dma_start3A_46 = tpu.memref_slice %arg7[%dma_start3A, %dma_start3A_45] : memref<5x80xi32, #tpu.memory_space<vmem>> -> memref<1x80xi32, #tpu.memory_space<vmem>>
      %dma_start3A_47 = tpu.memref_squeeze %dma_start3A_46 : memref<1x80xi32, #tpu.memory_space<vmem>> -> memref<80xi32, #tpu.memory_space<vmem>>
      %dma_start3A_48 = tpu.memref_slice %arg3[%add3A_44] : memref<320000xi32, #tpu.memory_space<hbm>> -> memref<80xi32, #tpu.memory_space<hbm>>
      %dma_start3A_49 = arith.constant 0 : i32
      %dma_start3A_50 = tpu.memref_slice %arg7[%dma_start3A, %dma_start3A_49] : memref<5x80xi32, #tpu.memory_space<vmem>> -> memref<1x80xi32, #tpu.memory_space<vmem>>
      %dma_start3A_51 = tpu.memref_squeeze %dma_start3A_50 : memref<1x80xi32, #tpu.memory_space<vmem>> -> memref<80xi32, #tpu.memory_space<vmem>>
      %dma_start3A_52 = tpu.memref_slice %arg3[%add3A_44] : memref<320000xi32, #tpu.memory_space<hbm>> -> memref<80xi32, #tpu.memory_space<hbm>>
      tpu.enqueue_dma source(%dma_start3A_52 : memref<80xi32, #tpu.memory_space<hbm>>) target(%dma_start3A_51 : memref<80xi32, #tpu.memory_space<vmem>>) target_semaphore(%arg14 : memref<!tpu.dma_semaphore, #tpu.memory_space<semaphore_mem>>)
      %dma_start3A_53 = arith.constant 0 : i32
      %dma_start3A_54 = arith.constant 0 : i32
      %dma_start3A_55 = tpu.memref_slice %arg8[%dma_start3A_53, %dma_start3A_54] : memref<5x80xi32, #tpu.memory_space<vmem>> -> memref<1x80xi32, #tpu.memory_space<vmem>>
      %dma_start3A_56 = tpu.memref_squeeze %dma_start3A_55 : memref<1x80xi32, #tpu.memory_space<vmem>> -> memref<80xi32, #tpu.memory_space<vmem>>
      %dma_start3A_57 = tpu.memref_slice %arg4[%add3A_44] : memref<320000xi32, #tpu.memory_space<hbm>> -> memref<80xi32, #tpu.memory_space<hbm>>
      %dma_start3A_58 = arith.constant 0 : i32
      %dma_start3A_59 = tpu.memref_slice %arg8[%dma_start3A_53, %dma_start3A_58] : memref<5x80xi32, #tpu.memory_space<vmem>> -> memref<1x80xi32, #tpu.memory_space<vmem>>
      %dma_start3A_60 = tpu.memref_squeeze %dma_start3A_59 : memref<1x80xi32, #tpu.memory_space<vmem>> -> memref<80xi32, #tpu.memory_space<vmem>>
      %dma_start3A_61 = tpu.memref_slice %arg4[%add3A_44] : memref<320000xi32, #tpu.memory_space<hbm>> -> memref<80xi32, #tpu.memory_space<hbm>>
      tpu.enqueue_dma source(%dma_start3A_61 : memref<80xi32, #tpu.memory_space<hbm>>) target(%dma_start3A_60 : memref<80xi32, #tpu.memory_space<vmem>>) target_semaphore(%arg14 : memref<!tpu.dma_semaphore, #tpu.memory_space<semaphore_mem>>)
      %dma_start3A_62 = arith.constant 0 : i32
      %dma_start3A_63 = arith.constant 0 : i32
      %dma_start3A_64 = arith.constant 0 : i32
      %dma_start3A_65 = tpu.memref_slice %arg9[%dma_start3A_62, %dma_start3A_63, %dma_start3A_64] : memref<5x80x16xf32, #tpu.memory_space<vmem>> -> memref<1x80x16xf32, #tpu.memory_space<vmem>>
      %dma_start3A_66 = tpu.memref_squeeze %dma_start3A_65 : memref<1x80x16xf32, #tpu.memory_space<vmem>> -> memref<80x16xf32, #tpu.memory_space<vmem>>
      %dma_start3A_67 = arith.constant 0 : i32
      %dma_start3A_68 = tpu.memref_slice %arg2[%add3A_44, %dma_start3A_67] : memref<320000x16xf32, #tpu.memory_space<hbm>> -> memref<80x16xf32, #tpu.memory_space<hbm>>
      %dma_start3A_69 = arith.constant 0 : i32
      %dma_start3A_70 = arith.constant 0 : i32
      %dma_start3A_71 = tpu.memref_slice %arg9[%dma_start3A_62, %dma_start3A_69, %dma_start3A_70] : memref<5x80x16xf32, #tpu.memory_space<vmem>> -> memref<1x80x16xf32, #tpu.memory_space<vmem>>
      %dma_start3A_72 = tpu.memref_squeeze %dma_start3A_71 : memref<1x80x16xf32, #tpu.memory_space<vmem>> -> memref<80x16xf32, #tpu.memory_space<vmem>>
      %dma_start3A_73 = arith.constant 0 : i32
      %dma_start3A_74 = tpu.memref_slice %arg2[%add3A_44, %dma_start3A_73] : memref<320000x16xf32, #tpu.memory_space<hbm>> -> memref<80x16xf32, #tpu.memory_space<hbm>>
      tpu.enqueue_dma source(%dma_start3A_74 : memref<80x16xf32, #tpu.memory_space<hbm>>) target(%dma_start3A_72 : memref<80x16xf32, #tpu.memory_space<vmem>>) target_semaphore(%arg14 : memref<!tpu.dma_semaphore, #tpu.memory_space<semaphore_mem>>)
      %add3A_75 = arith.constant 80 : i32
      %add3A_76 = arith.addi %add3A_42, %add3A_75 : i32
      %dma_start3A_77 = arith.constant 1 : i32
      %dma_start3A_78 = arith.constant 0 : i32
      %dma_start3A_79 = tpu.memref_slice %arg7[%dma_start3A_77, %dma_start3A_78] : memref<5x80xi32, #tpu.memory_space<vmem>> -> memref<1x80xi32, #tpu.memory_space<vmem>>
      %dma_start3A_80 = tpu.memref_squeeze %dma_start3A_79 : memref<1x80xi32, #tpu.memory_space<vmem>> -> memref<80xi32, #tpu.memory_space<vmem>>
      %dma_start3A_81 = tpu.memref_slice %arg3[%add3A_76] : memref<320000xi32, #tpu.memory_space<hbm>> -> memref<80xi32, #tpu.memory_space<hbm>>
      %dma_start3A_82 = arith.constant 0 : i32
      %dma_start3A_83 = tpu.memref_slice %arg7[%dma_start3A_77, %dma_start3A_82] : memref<5x80xi32, #tpu.memory_space<vmem>> -> memref<1x80xi32, #tpu.memory_space<vmem>>
      %dma_start3A_84 = tpu.memref_squeeze %dma_start3A_83 : memref<1x80xi32, #tpu.memory_space<vmem>> -> memref<80xi32, #tpu.memory_space<vmem>>
      %dma_start3A_85 = tpu.memref_slice %arg3[%add3A_76] : memref<320000xi32, #tpu.memory_space<hbm>> -> memref<80xi32, #tpu.memory_space<hbm>>
      tpu.enqueue_dma source(%dma_start3A_85 : memref<80xi32, #tpu.memory_space<hbm>>) target(%dma_start3A_84 : memref<80xi32, #tpu.memory_space<vmem>>) target_semaphore(%arg14 : memref<!tpu.dma_semaphore, #tpu.memory_space<semaphore_mem>>)
      %dma_start3A_86 = arith.constant 1 : i32
      %dma_start3A_87 = arith.constant 0 : i32
      %dma_start3A_88 = tpu.memref_slice %arg8[%dma_start3A_86, %dma_start3A_87] : memref<5x80xi32, #tpu.memory_space<vmem>> -> memref<1x80xi32, #tpu.memory_space<vmem>>
      %dma_start3A_89 = tpu.memref_squeeze %dma_start3A_88 : memref<1x80xi32, #tpu.memory_space<vmem>> -> memref<80xi32, #tpu.memory_space<vmem>>
      %dma_start3A_90 = tpu.memref_slice %arg4[%add3A_76] : memref<320000xi32, #tpu.memory_space<hbm>> -> memref<80xi32, #tpu.memory_space<hbm>>
      %dma_start3A_91 = arith.constant 0 : i32
      %dma_start3A_92 = tpu.memref_slice %arg8[%dma_start3A_86, %dma_start3A_91] : memref<5x80xi32, #tpu.memory_space<vmem>> -> memref<1x80xi32, #tpu.memory_space<vmem>>
      %dma_start3A_93 = tpu.memref_squeeze %dma_start3A_92 : memref<1x80xi32, #tpu.memory_space<vmem>> -> memref<80xi32, #tpu.memory_space<vmem>>
      %dma_start3A_94 = tpu.memref_slice %arg4[%add3A_76] : memref<320000xi32, #tpu.memory_space<hbm>> -> memref<80xi32, #tpu.memory_space<hbm>>
      tpu.enqueue_dma source(%dma_start3A_94 : memref<80xi32, #tpu.memory_space<hbm>>) target(%dma_start3A_93 : memref<80xi32, #tpu.memory_space<vmem>>) target_semaphore(%arg14 : memref<!tpu.dma_semaphore, #tpu.memory_space<semaphore_mem>>)
      %dma_start3A_95 = arith.constant 1 : i32
      %dma_start3A_96 = arith.constant 0 : i32
      %dma_start3A_97 = arith.constant 0 : i32
      %dma_start3A_98 = tpu.memref_slice %arg9[%dma_start3A_95, %dma_start3A_96, %dma_start3A_97] : memref<5x80x16xf32, #tpu.memory_space<vmem>> -> memref<1x80x16xf32, #tpu.memory_space<vmem>>
      %dma_start3A_99 = tpu.memref_squeeze %dma_start3A_98 : memref<1x80x16xf32, #tpu.memory_space<vmem>> -> memref<80x16xf32, #tpu.memory_space<vmem>>
      %dma_start3A_100 = arith.constant 0 : i32
      %dma_start3A_101 = tpu.memref_slice %arg2[%add3A_76, %dma_start3A_100] : memref<320000x16xf32, #tpu.memory_space<hbm>> -> memref<80x16xf32, #tpu.memory_space<hbm>>
      %dma_start3A_102 = arith.constant 0 : i32
      %dma_start3A_103 = arith.constant 0 : i32
      %dma_start3A_104 = tpu.memref_slice %arg9[%dma_start3A_95, %dma_start3A_102, %dma_start3A_103] : memref<5x80x16xf32, #tpu.memory_space<vmem>> -> memref<1x80x16xf32, #tpu.memory_space<vmem>>
      %dma_start3A_105 = tpu.memref_squeeze %dma_start3A_104 : memref<1x80x16xf32, #tpu.memory_space<vmem>> -> memref<80x16xf32, #tpu.memory_space<vmem>>
      %dma_start3A_106 = arith.constant 0 : i32
      %dma_start3A_107 = tpu.memref_slice %arg2[%add3A_76, %dma_start3A_106] : memref<320000x16xf32, #tpu.memory_space<hbm>> -> memref<80x16xf32, #tpu.memory_space<hbm>>
      tpu.enqueue_dma source(%dma_start3A_107 : memref<80x16xf32, #tpu.memory_space<hbm>>) target(%dma_start3A_105 : memref<80x16xf32, #tpu.memory_space<vmem>>) target_semaphore(%arg14 : memref<!tpu.dma_semaphore, #tpu.memory_space<semaphore_mem>>)
      %add3A_108 = arith.constant 160 : i32
      %add3A_109 = arith.addi %add3A_42, %add3A_108 : i32
      %dma_start3A_110 = arith.constant 2 : i32
      %dma_start3A_111 = arith.constant 0 : i32
      %dma_start3A_112 = tpu.memref_slice %arg7[%dma_start3A_110, %dma_start3A_111] : memref<5x80xi32, #tpu.memory_space<vmem>> -> memref<1x80xi32, #tpu.memory_space<vmem>>
      %dma_start3A_113 = tpu.memref_squeeze %dma_start3A_112 : memref<1x80xi32, #tpu.memory_space<vmem>> -> memref<80xi32, #tpu.memory_space<vmem>>
      %dma_start3A_114 = tpu.memref_slice %arg3[%add3A_109] : memref<320000xi32, #tpu.memory_space<hbm>> -> memref<80xi32, #tpu.memory_space<hbm>>
      %dma_start3A_115 = arith.constant 0 : i32
      %dma_start3A_116 = tpu.memref_slice %arg7[%dma_start3A_110, %dma_start3A_115] : memref<5x80xi32, #tpu.memory_space<vmem>> -> memref<1x80xi32, #tpu.memory_space<vmem>>
      %dma_start3A_117 = tpu.memref_squeeze %dma_start3A_116 : memref<1x80xi32, #tpu.memory_space<vmem>> -> memref<80xi32, #tpu.memory_space<vmem>>
      %dma_start3A_118 = tpu.memref_slice %arg3[%add3A_109] : memref<320000xi32, #tpu.memory_space<hbm>> -> memref<80xi32, #tpu.memory_space<hbm>>
      tpu.enqueue_dma source(%dma_start3A_118 : memref<80xi32, #tpu.memory_space<hbm>>) target(%dma_start3A_117 : memref<80xi32, #tpu.memory_space<vmem>>) target_semaphore(%arg14 : memref<!tpu.dma_semaphore, #tpu.memory_space<semaphore_mem>>)
      %dma_start3A_119 = arith.constant 2 : i32
      %dma_start3A_120 = arith.constant 0 : i32
      %dma_start3A_121 = tpu.memref_slice %arg8[%dma_start3A_119, %dma_start3A_120] : memref<5x80xi32, #tpu.memory_space<vmem>> -> memref<1x80xi32, #tpu.memory_space<vmem>>
      %dma_start3A_122 = tpu.memref_squeeze %dma_start3A_121 : memref<1x80xi32, #tpu.memory_space<vmem>> -> memref<80xi32, #tpu.memory_space<vmem>>
      %dma_start3A_123 = tpu.memref_slice %arg4[%add3A_109] : memref<320000xi32, #tpu.memory_space<hbm>> -> memref<80xi32, #tpu.memory_space<hbm>>
      %dma_start3A_124 = arith.constant 0 : i32
      %dma_start3A_125 = tpu.memref_slice %arg8[%dma_start3A_119, %dma_start3A_124] : memref<5x80xi32, #tpu.memory_space<vmem>> -> memref<1x80xi32, #tpu.memory_space<vmem>>
      %dma_start3A_126 = tpu.memref_squeeze %dma_start3A_125 : memref<1x80xi32, #tpu.memory_space<vmem>> -> memref<80xi32, #tpu.memory_space<vmem>>
      %dma_start3A_127 = tpu.memref_slice %arg4[%add3A_109] : memref<320000xi32, #tpu.memory_space<hbm>> -> memref<80xi32, #tpu.memory_space<hbm>>
      tpu.enqueue_dma source(%dma_start3A_127 : memref<80xi32, #tpu.memory_space<hbm>>) target(%dma_start3A_126 : memref<80xi32, #tpu.memory_space<vmem>>) target_semaphore(%arg14 : memref<!tpu.dma_semaphore, #tpu.memory_space<semaphore_mem>>)
      %dma_start3A_128 = arith.constant 2 : i32
      %dma_start3A_129 = arith.constant 0 : i32
      %dma_start3A_130 = arith.constant 0 : i32
      %dma_start3A_131 = tpu.memref_slice %arg9[%dma_start3A_128, %dma_start3A_129, %dma_start3A_130] : memref<5x80x16xf32, #tpu.memory_space<vmem>> -> memref<1x80x16xf32, #tpu.memory_space<vmem>>
      %dma_start3A_132 = tpu.memref_squeeze %dma_start3A_131 : memref<1x80x16xf32, #tpu.memory_space<vmem>> -> memref<80x16xf32, #tpu.memory_space<vmem>>
      %dma_start3A_133 = arith.constant 0 : i32
      %dma_start3A_134 = tpu.memref_slice %arg2[%add3A_109, %dma_start3A_133] : memref<320000x16xf32, #tpu.memory_space<hbm>> -> memref<80x16xf32, #tpu.memory_space<hbm>>
      %dma_start3A_135 = arith.constant 0 : i32
      %dma_start3A_136 = arith.constant 0 : i32
      %dma_start3A_137 = tpu.memref_slice %arg9[%dma_start3A_128, %dma_start3A_135, %dma_start3A_136] : memref<5x80x16xf32, #tpu.memory_space<vmem>> -> memref<1x80x16xf32, #tpu.memory_space<vmem>>
      %dma_start3A_138 = tpu.memref_squeeze %dma_start3A_137 : memref<1x80x16xf32, #tpu.memory_space<vmem>> -> memref<80x16xf32, #tpu.memory_space<vmem>>
      %dma_start3A_139 = arith.constant 0 : i32
      %dma_start3A_140 = tpu.memref_slice %arg2[%add3A_109, %dma_start3A_139] : memref<320000x16xf32, #tpu.memory_space<hbm>> -> memref<80x16xf32, #tpu.memory_space<hbm>>
      tpu.enqueue_dma source(%dma_start3A_140 : memref<80x16xf32, #tpu.memory_space<hbm>>) target(%dma_start3A_138 : memref<80x16xf32, #tpu.memory_space<vmem>>) target_semaphore(%arg14 : memref<!tpu.dma_semaphore, #tpu.memory_space<semaphore_mem>>)
      %add3A_141 = arith.constant 240 : i32
      %add3A_142 = arith.addi %add3A_42, %add3A_141 : i32
      %dma_start3A_143 = arith.constant 3 : i32
      %dma_start3A_144 = arith.constant 0 : i32
      %dma_start3A_145 = tpu.memref_slice %arg7[%dma_start3A_143, %dma_start3A_144] : memref<5x80xi32, #tpu.memory_space<vmem>> -> memref<1x80xi32, #tpu.memory_space<vmem>>
      %dma_start3A_146 = tpu.memref_squeeze %dma_start3A_145 : memref<1x80xi32, #tpu.memory_space<vmem>> -> memref<80xi32, #tpu.memory_space<vmem>>
      %dma_start3A_147 = tpu.memref_slice %arg3[%add3A_142] : memref<320000xi32, #tpu.memory_space<hbm>> -> memref<80xi32, #tpu.memory_space<hbm>>
      %dma_start3A_148 = arith.constant 0 : i32
      %dma_start3A_149 = tpu.memref_slice %arg7[%dma_start3A_143, %dma_start3A_148] : memref<5x80xi32, #tpu.memory_space<vmem>> -> memref<1x80xi32, #tpu.memory_space<vmem>>
      %dma_start3A_150 = tpu.memref_squeeze %dma_start3A_149 : memref<1x80xi32, #tpu.memory_space<vmem>> -> memref<80xi32, #tpu.memory_space<vmem>>
      %dma_start3A_151 = tpu.memref_slice %arg3[%add3A_142] : memref<320000xi32, #tpu.memory_space<hbm>> -> memref<80xi32, #tpu.memory_space<hbm>>
      tpu.enqueue_dma source(%dma_start3A_151 : memref<80xi32, #tpu.memory_space<hbm>>) target(%dma_start3A_150 : memref<80xi32, #tpu.memory_space<vmem>>) target_semaphore(%arg14 : memref<!tpu.dma_semaphore, #tpu.memory_space<semaphore_mem>>)
      %dma_start3A_152 = arith.constant 3 : i32
      %dma_start3A_153 = arith.constant 0 : i32
      %dma_start3A_154 = tpu.memref_slice %arg8[%dma_start3A_152, %dma_start3A_153] : memref<5x80xi32, #tpu.memory_space<vmem>> -> memref<1x80xi32, #tpu.memory_space<vmem>>
      %dma_start3A_155 = tpu.memref_squeeze %dma_start3A_154 : memref<1x80xi32, #tpu.memory_space<vmem>> -> memref<80xi32, #tpu.memory_space<vmem>>
      %dma_start3A_156 = tpu.memref_slice %arg4[%add3A_142] : memref<320000xi32, #tpu.memory_space<hbm>> -> memref<80xi32, #tpu.memory_space<hbm>>
      %dma_start3A_157 = arith.constant 0 : i32
      %dma_start3A_158 = tpu.memref_slice %arg8[%dma_start3A_152, %dma_start3A_157] : memref<5x80xi32, #tpu.memory_space<vmem>> -> memref<1x80xi32, #tpu.memory_space<vmem>>
      %dma_start3A_159 = tpu.memref_squeeze %dma_start3A_158 : memref<1x80xi32, #tpu.memory_space<vmem>> -> memref<80xi32, #tpu.memory_space<vmem>>
      %dma_start3A_160 = tpu.memref_slice %arg4[%add3A_142] : memref<320000xi32, #tpu.memory_space<hbm>> -> memref<80xi32, #tpu.memory_space<hbm>>
      tpu.enqueue_dma source(%dma_start3A_160 : memref<80xi32, #tpu.memory_space<hbm>>) target(%dma_start3A_159 : memref<80xi32, #tpu.memory_space<vmem>>) target_semaphore(%arg14 : memref<!tpu.dma_semaphore, #tpu.memory_space<semaphore_mem>>)
      %dma_start3A_161 = arith.constant 3 : i32
      %dma_start3A_162 = arith.constant 0 : i32
      %dma_start3A_163 = arith.constant 0 : i32
      %dma_start3A_164 = tpu.memref_slice %arg9[%dma_start3A_161, %dma_start3A_162, %dma_start3A_163] : memref<5x80x16xf32, #tpu.memory_space<vmem>> -> memref<1x80x16xf32, #tpu.memory_space<vmem>>
      %dma_start3A_165 = tpu.memref_squeeze %dma_start3A_164 : memref<1x80x16xf32, #tpu.memory_space<vmem>> -> memref<80x16xf32, #tpu.memory_space<vmem>>
      %dma_start3A_166 = arith.constant 0 : i32
      %dma_start3A_167 = tpu.memref_slice %arg2[%add3A_142, %dma_start3A_166] : memref<320000x16xf32, #tpu.memory_space<hbm>> -> memref<80x16xf32, #tpu.memory_space<hbm>>
      %dma_start3A_168 = arith.constant 0 : i32
      %dma_start3A_169 = arith.constant 0 : i32
      %dma_start3A_170 = tpu.memref_slice %arg9[%dma_start3A_161, %dma_start3A_168, %dma_start3A_169] : memref<5x80x16xf32, #tpu.memory_space<vmem>> -> memref<1x80x16xf32, #tpu.memory_space<vmem>>
      %dma_start3A_171 = tpu.memref_squeeze %dma_start3A_170 : memref<1x80x16xf32, #tpu.memory_space<vmem>> -> memref<80x16xf32, #tpu.memory_space<vmem>>
      %dma_start3A_172 = arith.constant 0 : i32
      %dma_start3A_173 = tpu.memref_slice %arg2[%add3A_142, %dma_start3A_172] : memref<320000x16xf32, #tpu.memory_space<hbm>> -> memref<80x16xf32, #tpu.memory_space<hbm>>
      tpu.enqueue_dma source(%dma_start3A_173 : memref<80x16xf32, #tpu.memory_space<hbm>>) target(%dma_start3A_171 : memref<80x16xf32, #tpu.memory_space<vmem>>) target_semaphore(%arg14 : memref<!tpu.dma_semaphore, #tpu.memory_space<semaphore_mem>>)
      %add3A_174 = arith.constant 320 : i32
      %add3A_175 = arith.addi %add3A_42, %add3A_174 : i32
      %dma_start3A_176 = arith.constant 4 : i32
      %dma_start3A_177 = arith.constant 0 : i32
      %dma_start3A_178 = tpu.memref_slice %arg7[%dma_start3A_176, %dma_start3A_177] : memref<5x80xi32, #tpu.memory_space<vmem>> -> memref<1x80xi32, #tpu.memory_space<vmem>>
      %dma_start3A_179 = tpu.memref_squeeze %dma_start3A_178 : memref<1x80xi32, #tpu.memory_space<vmem>> -> memref<80xi32, #tpu.memory_space<vmem>>
      %dma_start3A_180 = tpu.memref_slice %arg3[%add3A_175] : memref<320000xi32, #tpu.memory_space<hbm>> -> memref<80xi32, #tpu.memory_space<hbm>>
      %dma_start3A_181 = arith.constant 0 : i32
      %dma_start3A_182 = tpu.memref_slice %arg7[%dma_start3A_176, %dma_start3A_181] : memref<5x80xi32, #tpu.memory_space<vmem>> -> memref<1x80xi32, #tpu.memory_space<vmem>>
      %dma_start3A_183 = tpu.memref_squeeze %dma_start3A_182 : memref<1x80xi32, #tpu.memory_space<vmem>> -> memref<80xi32, #tpu.memory_space<vmem>>
      %dma_start3A_184 = tpu.memref_slice %arg3[%add3A_175] : memref<320000xi32, #tpu.memory_space<hbm>> -> memref<80xi32, #tpu.memory_space<hbm>>
      tpu.enqueue_dma source(%dma_start3A_184 : memref<80xi32, #tpu.memory_space<hbm>>) target(%dma_start3A_183 : memref<80xi32, #tpu.memory_space<vmem>>) target_semaphore(%arg14 : memref<!tpu.dma_semaphore, #tpu.memory_space<semaphore_mem>>)
      %dma_start3A_185 = arith.constant 4 : i32
      %dma_start3A_186 = arith.constant 0 : i32
      %dma_start3A_187 = tpu.memref_slice %arg8[%dma_start3A_185, %dma_start3A_186] : memref<5x80xi32, #tpu.memory_space<vmem>> -> memref<1x80xi32, #tpu.memory_space<vmem>>
      %dma_start3A_188 = tpu.memref_squeeze %dma_start3A_187 : memref<1x80xi32, #tpu.memory_space<vmem>> -> memref<80xi32, #tpu.memory_space<vmem>>
      %dma_start3A_189 = tpu.memref_slice %arg4[%add3A_175] : memref<320000xi32, #tpu.memory_space<hbm>> -> memref<80xi32, #tpu.memory_space<hbm>>
      %dma_start3A_190 = arith.constant 0 : i32
      %dma_start3A_191 = tpu.memref_slice %arg8[%dma_start3A_185, %dma_start3A_190] : memref<5x80xi32, #tpu.memory_space<vmem>> -> memref<1x80xi32, #tpu.memory_space<vmem>>
      %dma_start3A_192 = tpu.memref_squeeze %dma_start3A_191 : memref<1x80xi32, #tpu.memory_space<vmem>> -> memref<80xi32, #tpu.memory_space<vmem>>
      %dma_start3A_193 = tpu.memref_slice %arg4[%add3A_175] : memref<320000xi32, #tpu.memory_space<hbm>> -> memref<80xi32, #tpu.memory_space<hbm>>
      tpu.enqueue_dma source(%dma_start3A_193 : memref<80xi32, #tpu.memory_space<hbm>>) target(%dma_start3A_192 : memref<80xi32, #tpu.memory_space<vmem>>) target_semaphore(%arg14 : memref<!tpu.dma_semaphore, #tpu.memory_space<semaphore_mem>>)
      %dma_start3A_194 = arith.constant 4 : i32
      %dma_start3A_195 = arith.constant 0 : i32
      %dma_start3A_196 = arith.constant 0 : i32
      %dma_start3A_197 = tpu.memref_slice %arg9[%dma_start3A_194, %dma_start3A_195, %dma_start3A_196] : memref<5x80x16xf32, #tpu.memory_space<vmem>> -> memref<1x80x16xf32, #tpu.memory_space<vmem>>
      %dma_start3A_198 = tpu.memref_squeeze %dma_start3A_197 : memref<1x80x16xf32, #tpu.memory_space<vmem>> -> memref<80x16xf32, #tpu.memory_space<vmem>>
      %dma_start3A_199 = arith.constant 0 : i32
      %dma_start3A_200 = tpu.memref_slice %arg2[%add3A_175, %dma_start3A_199] : memref<320000x16xf32, #tpu.memory_space<hbm>> -> memref<80x16xf32, #tpu.memory_space<hbm>>
      %dma_start3A_201 = arith.constant 0 : i32
      %dma_start3A_202 = arith.constant 0 : i32
      %dma_start3A_203 = tpu.memref_slice %arg9[%dma_start3A_194, %dma_start3A_201, %dma_start3A_202] : memref<5x80x16xf32, #tpu.memory_space<vmem>> -> memref<1x80x16xf32, #tpu.memory_space<vmem>>
      %dma_start3A_204 = tpu.memref_squeeze %dma_start3A_203 : memref<1x80x16xf32, #tpu.memory_space<vmem>> -> memref<80x16xf32, #tpu.memory_space<vmem>>
      %dma_start3A_205 = arith.constant 0 : i32
      %dma_start3A_206 = tpu.memref_slice %arg2[%add3A_175, %dma_start3A_205] : memref<320000x16xf32, #tpu.memory_space<hbm>> -> memref<80x16xf32, #tpu.memory_space<hbm>>
      tpu.enqueue_dma source(%dma_start3A_206 : memref<80x16xf32, #tpu.memory_space<hbm>>) target(%dma_start3A_204 : memref<80x16xf32, #tpu.memory_space<vmem>>) target_semaphore(%arg14 : memref<!tpu.dma_semaphore, #tpu.memory_space<semaphore_mem>>)
      %dma_wait3A = arith.constant 0 : i32
      %dma_wait3A_207 = arith.constant 0 : i32
      %dma_wait3A_208 = tpu.memref_slice %arg7[%dma_wait3A, %dma_wait3A_207] : memref<5x80xi32, #tpu.memory_space<vmem>> -> memref<1x80xi32, #tpu.memory_space<vmem>>
      %dma_wait3A_209 = tpu.memref_squeeze %dma_wait3A_208 : memref<1x80xi32, #tpu.memory_space<vmem>> -> memref<80xi32, #tpu.memory_space<vmem>>
      %dma_wait3A_210 = tpu.memref_slice %arg3[%add3A_44] : memref<320000xi32, #tpu.memory_space<hbm>> -> memref<80xi32, #tpu.memory_space<hbm>>
      %dma_wait3A_211 = arith.constant 0 : i32
      %dma_wait3A_212 = tpu.memref_slice %arg7[%dma_wait3A, %dma_wait3A_211] : memref<5x80xi32, #tpu.memory_space<vmem>> -> memref<1x80xi32, #tpu.memory_space<vmem>>
      %dma_wait3A_213 = tpu.memref_squeeze %dma_wait3A_212 : memref<1x80xi32, #tpu.memory_space<vmem>> -> memref<80xi32, #tpu.memory_space<vmem>>
      %dma_wait3A_214 = tpu.memref_slice %arg3[%add3A_44] : memref<320000xi32, #tpu.memory_space<hbm>> -> memref<80xi32, #tpu.memory_space<hbm>>
      tpu.wait_dma2 semaphore(%arg14 : memref<!tpu.dma_semaphore, #tpu.memory_space<semaphore_mem>>) src(%dma_wait3A_214 : memref<80xi32, #tpu.memory_space<hbm>>) dst(%dma_wait3A_213 : memref<80xi32, #tpu.memory_space<vmem>>)
      %dma_wait3A_215 = arith.constant 0 : i32
      %dma_wait3A_216 = arith.constant 0 : i32
      %dma_wait3A_217 = tpu.memref_slice %arg8[%dma_wait3A_215, %dma_wait3A_216] : memref<5x80xi32, #tpu.memory_space<vmem>> -> memref<1x80xi32, #tpu.memory_space<vmem>>
      %dma_wait3A_218 = tpu.memref_squeeze %dma_wait3A_217 : memref<1x80xi32, #tpu.memory_space<vmem>> -> memref<80xi32, #tpu.memory_space<vmem>>
      %dma_wait3A_219 = tpu.memref_slice %arg4[%add3A_44] : memref<320000xi32, #tpu.memory_space<hbm>> -> memref<80xi32, #tpu.memory_space<hbm>>
      %dma_wait3A_220 = arith.constant 0 : i32
      %dma_wait3A_221 = tpu.memref_slice %arg8[%dma_wait3A_215, %dma_wait3A_220] : memref<5x80xi32, #tpu.memory_space<vmem>> -> memref<1x80xi32, #tpu.memory_space<vmem>>
      %dma_wait3A_222 = tpu.memref_squeeze %dma_wait3A_221 : memref<1x80xi32, #tpu.memory_space<vmem>> -> memref<80xi32, #tpu.memory_space<vmem>>
      %dma_wait3A_223 = tpu.memref_slice %arg4[%add3A_44] : memref<320000xi32, #tpu.memory_space<hbm>> -> memref<80xi32, #tpu.memory_space<hbm>>
      tpu.wait_dma2 semaphore(%arg14 : memref<!tpu.dma_semaphore, #tpu.memory_space<semaphore_mem>>) src(%dma_wait3A_223 : memref<80xi32, #tpu.memory_space<hbm>>) dst(%dma_wait3A_222 : memref<80xi32, #tpu.memory_space<vmem>>)
      %dma_wait3A_224 = arith.constant 0 : i32
      %dma_wait3A_225 = arith.constant 0 : i32
      %dma_wait3A_226 = arith.constant 0 : i32
      %dma_wait3A_227 = tpu.memref_slice %arg9[%dma_wait3A_224, %dma_wait3A_225, %dma_wait3A_226] : memref<5x80x16xf32, #tpu.memory_space<vmem>> -> memref<1x80x16xf32, #tpu.memory_space<vmem>>
      %dma_wait3A_228 = tpu.memref_squeeze %dma_wait3A_227 : memref<1x80x16xf32, #tpu.memory_space<vmem>> -> memref<80x16xf32, #tpu.memory_space<vmem>>
      %dma_wait3A_229 = arith.constant 0 : i32
      %dma_wait3A_230 = tpu.memref_slice %arg2[%add3A_44, %dma_wait3A_229] : memref<320000x16xf32, #tpu.memory_space<hbm>> -> memref<80x16xf32, #tpu.memory_space<hbm>>
      %dma_wait3A_231 = arith.constant 0 : i32
      %dma_wait3A_232 = arith.constant 0 : i32
      %dma_wait3A_233 = tpu.memref_slice %arg9[%dma_wait3A_224, %dma_wait3A_231, %dma_wait3A_232] : memref<5x80x16xf32, #tpu.memory_space<vmem>> -> memref<1x80x16xf32, #tpu.memory_space<vmem>>
      %dma_wait3A_234 = tpu.memref_squeeze %dma_wait3A_233 : memref<1x80x16xf32, #tpu.memory_space<vmem>> -> memref<80x16xf32, #tpu.memory_space<vmem>>
      %dma_wait3A_235 = arith.constant 0 : i32
      %dma_wait3A_236 = tpu.memref_slice %arg2[%add3A_44, %dma_wait3A_235] : memref<320000x16xf32, #tpu.memory_space<hbm>> -> memref<80x16xf32, #tpu.memory_space<hbm>>
      tpu.wait_dma2 semaphore(%arg14 : memref<!tpu.dma_semaphore, #tpu.memory_space<semaphore_mem>>) src(%dma_wait3A_236 : memref<80x16xf32, #tpu.memory_space<hbm>>) dst(%dma_wait3A_234 : memref<80x16xf32, #tpu.memory_space<vmem>>)
      %dma_wait3A_237 = arith.constant 1 : i32
      %dma_wait3A_238 = arith.constant 0 : i32
      %dma_wait3A_239 = tpu.memref_slice %arg7[%dma_wait3A_237, %dma_wait3A_238] : memref<5x80xi32, #tpu.memory_space<vmem>> -> memref<1x80xi32, #tpu.memory_space<vmem>>
      %dma_wait3A_240 = tpu.memref_squeeze %dma_wait3A_239 : memref<1x80xi32, #tpu.memory_space<vmem>> -> memref<80xi32, #tpu.memory_space<vmem>>
      %dma_wait3A_241 = tpu.memref_slice %arg3[%add3A_76] : memref<320000xi32, #tpu.memory_space<hbm>> -> memref<80xi32, #tpu.memory_space<hbm>>
      %dma_wait3A_242 = arith.constant 0 : i32
      %dma_wait3A_243 = tpu.memref_slice %arg7[%dma_wait3A_237, %dma_wait3A_242] : memref<5x80xi32, #tpu.memory_space<vmem>> -> memref<1x80xi32, #tpu.memory_space<vmem>>
      %dma_wait3A_244 = tpu.memref_squeeze %dma_wait3A_243 : memref<1x80xi32, #tpu.memory_space<vmem>> -> memref<80xi32, #tpu.memory_space<vmem>>
      %dma_wait3A_245 = tpu.memref_slice %arg3[%add3A_76] : memref<320000xi32, #tpu.memory_space<hbm>> -> memref<80xi32, #tpu.memory_space<hbm>>
      tpu.wait_dma2 semaphore(%arg14 : memref<!tpu.dma_semaphore, #tpu.memory_space<semaphore_mem>>) src(%dma_wait3A_245 : memref<80xi32, #tpu.memory_space<hbm>>) dst(%dma_wait3A_244 : memref<80xi32, #tpu.memory_space<vmem>>)
      %dma_wait3A_246 = arith.constant 1 : i32
      %dma_wait3A_247 = arith.constant 0 : i32
      %dma_wait3A_248 = tpu.memref_slice %arg8[%dma_wait3A_246, %dma_wait3A_247] : memref<5x80xi32, #tpu.memory_space<vmem>> -> memref<1x80xi32, #tpu.memory_space<vmem>>
      %dma_wait3A_249 = tpu.memref_squeeze %dma_wait3A_248 : memref<1x80xi32, #tpu.memory_space<vmem>> -> memref<80xi32, #tpu.memory_space<vmem>>
      %dma_wait3A_250 = tpu.memref_slice %arg4[%add3A_76] : memref<320000xi32, #tpu.memory_space<hbm>> -> memref<80xi32, #tpu.memory_space<hbm>>
      %dma_wait3A_251 = arith.constant 0 : i32
      %dma_wait3A_252 = tpu.memref_slice %arg8[%dma_wait3A_246, %dma_wait3A_251] : memref<5x80xi32, #tpu.memory_space<vmem>> -> memref<1x80xi32, #tpu.memory_space<vmem>>
      %dma_wait3A_253 = tpu.memref_squeeze %dma_wait3A_252 : memref<1x80xi32, #tpu.memory_space<vmem>> -> memref<80xi32, #tpu.memory_space<vmem>>
      %dma_wait3A_254 = tpu.memref_slice %arg4[%add3A_76] : memref<320000xi32, #tpu.memory_space<hbm>> -> memref<80xi32, #tpu.memory_space<hbm>>
      tpu.wait_dma2 semaphore(%arg14 : memref<!tpu.dma_semaphore, #tpu.memory_space<semaphore_mem>>) src(%dma_wait3A_254 : memref<80xi32, #tpu.memory_space<hbm>>) dst(%dma_wait3A_253 : memref<80xi32, #tpu.memory_space<vmem>>)
      %dma_wait3A_255 = arith.constant 1 : i32
      %dma_wait3A_256 = arith.constant 0 : i32
      %dma_wait3A_257 = arith.constant 0 : i32
      %dma_wait3A_258 = tpu.memref_slice %arg9[%dma_wait3A_255, %dma_wait3A_256, %dma_wait3A_257] : memref<5x80x16xf32, #tpu.memory_space<vmem>> -> memref<1x80x16xf32, #tpu.memory_space<vmem>>
      %dma_wait3A_259 = tpu.memref_squeeze %dma_wait3A_258 : memref<1x80x16xf32, #tpu.memory_space<vmem>> -> memref<80x16xf32, #tpu.memory_space<vmem>>
      %dma_wait3A_260 = arith.constant 0 : i32
      %dma_wait3A_261 = tpu.memref_slice %arg2[%add3A_76, %dma_wait3A_260] : memref<320000x16xf32, #tpu.memory_space<hbm>> -> memref<80x16xf32, #tpu.memory_space<hbm>>
      %dma_wait3A_262 = arith.constant 0 : i32
      %dma_wait3A_263 = arith.constant 0 : i32
      %dma_wait3A_264 = tpu.memref_slice %arg9[%dma_wait3A_255, %dma_wait3A_262, %dma_wait3A_263] : memref<5x80x16xf32, #tpu.memory_space<vmem>> -> memref<1x80x16xf32, #tpu.memory_space<vmem>>
      %dma_wait3A_265 = tpu.memref_squeeze %dma_wait3A_264 : memref<1x80x16xf32, #tpu.memory_space<vmem>> -> memref<80x16xf32, #tpu.memory_space<vmem>>
      %dma_wait3A_266 = arith.constant 0 : i32
      %dma_wait3A_267 = tpu.memref_slice %arg2[%add3A_76, %dma_wait3A_266] : memref<320000x16xf32, #tpu.memory_space<hbm>> -> memref<80x16xf32, #tpu.memory_space<hbm>>
      tpu.wait_dma2 semaphore(%arg14 : memref<!tpu.dma_semaphore, #tpu.memory_space<semaphore_mem>>) src(%dma_wait3A_267 : memref<80x16xf32, #tpu.memory_space<hbm>>) dst(%dma_wait3A_265 : memref<80x16xf32, #tpu.memory_space<vmem>>)
      %dma_wait3A_268 = arith.constant 2 : i32
      %dma_wait3A_269 = arith.constant 0 : i32
      %dma_wait3A_270 = tpu.memref_slice %arg7[%dma_wait3A_268, %dma_wait3A_269] : memref<5x80xi32, #tpu.memory_space<vmem>> -> memref<1x80xi32, #tpu.memory_space<vmem>>
      %dma_wait3A_271 = tpu.memref_squeeze %dma_wait3A_270 : memref<1x80xi32, #tpu.memory_space<vmem>> -> memref<80xi32, #tpu.memory_space<vmem>>
      %dma_wait3A_272 = tpu.memref_slice %arg3[%add3A_109] : memref<320000xi32, #tpu.memory_space<hbm>> -> memref<80xi32, #tpu.memory_space<hbm>>
      %dma_wait3A_273 = arith.constant 0 : i32
      %dma_wait3A_274 = tpu.memref_slice %arg7[%dma_wait3A_268, %dma_wait3A_273] : memref<5x80xi32, #tpu.memory_space<vmem>> -> memref<1x80xi32, #tpu.memory_space<vmem>>
      %dma_wait3A_275 = tpu.memref_squeeze %dma_wait3A_274 : memref<1x80xi32, #tpu.memory_space<vmem>> -> memref<80xi32, #tpu.memory_space<vmem>>
      %dma_wait3A_276 = tpu.memref_slice %arg3[%add3A_109] : memref<320000xi32, #tpu.memory_space<hbm>> -> memref<80xi32, #tpu.memory_space<hbm>>
      tpu.wait_dma2 semaphore(%arg14 : memref<!tpu.dma_semaphore, #tpu.memory_space<semaphore_mem>>) src(%dma_wait3A_276 : memref<80xi32, #tpu.memory_space<hbm>>) dst(%dma_wait3A_275 : memref<80xi32, #tpu.memory_space<vmem>>)
      %dma_wait3A_277 = arith.constant 2 : i32
      %dma_wait3A_278 = arith.constant 0 : i32
      %dma_wait3A_279 = tpu.memref_slice %arg8[%dma_wait3A_277, %dma_wait3A_278] : memref<5x80xi32, #tpu.memory_space<vmem>> -> memref<1x80xi32, #tpu.memory_space<vmem>>
      %dma_wait3A_280 = tpu.memref_squeeze %dma_wait3A_279 : memref<1x80xi32, #tpu.memory_space<vmem>> -> memref<80xi32, #tpu.memory_space<vmem>>
      %dma_wait3A_281 = tpu.memref_slice %arg4[%add3A_109] : memref<320000xi32, #tpu.memory_space<hbm>> -> memref<80xi32, #tpu.memory_space<hbm>>
      %dma_wait3A_282 = arith.constant 0 : i32
      %dma_wait3A_283 = tpu.memref_slice %arg8[%dma_wait3A_277, %dma_wait3A_282] : memref<5x80xi32, #tpu.memory_space<vmem>> -> memref<1x80xi32, #tpu.memory_space<vmem>>
      %dma_wait3A_284 = tpu.memref_squeeze %dma_wait3A_283 : memref<1x80xi32, #tpu.memory_space<vmem>> -> memref<80xi32, #tpu.memory_space<vmem>>
      %dma_wait3A_285 = tpu.memref_slice %arg4[%add3A_109] : memref<320000xi32, #tpu.memory_space<hbm>> -> memref<80xi32, #tpu.memory_space<hbm>>
      tpu.wait_dma2 semaphore(%arg14 : memref<!tpu.dma_semaphore, #tpu.memory_space<semaphore_mem>>) src(%dma_wait3A_285 : memref<80xi32, #tpu.memory_space<hbm>>) dst(%dma_wait3A_284 : memref<80xi32, #tpu.memory_space<vmem>>)
      %dma_wait3A_286 = arith.constant 2 : i32
      %dma_wait3A_287 = arith.constant 0 : i32
      %dma_wait3A_288 = arith.constant 0 : i32
      %dma_wait3A_289 = tpu.memref_slice %arg9[%dma_wait3A_286, %dma_wait3A_287, %dma_wait3A_288] : memref<5x80x16xf32, #tpu.memory_space<vmem>> -> memref<1x80x16xf32, #tpu.memory_space<vmem>>
      %dma_wait3A_290 = tpu.memref_squeeze %dma_wait3A_289 : memref<1x80x16xf32, #tpu.memory_space<vmem>> -> memref<80x16xf32, #tpu.memory_space<vmem>>
      %dma_wait3A_291 = arith.constant 0 : i32
      %dma_wait3A_292 = tpu.memref_slice %arg2[%add3A_109, %dma_wait3A_291] : memref<320000x16xf32, #tpu.memory_space<hbm>> -> memref<80x16xf32, #tpu.memory_space<hbm>>
      %dma_wait3A_293 = arith.constant 0 : i32
      %dma_wait3A_294 = arith.constant 0 : i32
      %dma_wait3A_295 = tpu.memref_slice %arg9[%dma_wait3A_286, %dma_wait3A_293, %dma_wait3A_294] : memref<5x80x16xf32, #tpu.memory_space<vmem>> -> memref<1x80x16xf32, #tpu.memory_space<vmem>>
      %dma_wait3A_296 = tpu.memref_squeeze %dma_wait3A_295 : memref<1x80x16xf32, #tpu.memory_space<vmem>> -> memref<80x16xf32, #tpu.memory_space<vmem>>
      %dma_wait3A_297 = arith.constant 0 : i32
      %dma_wait3A_298 = tpu.memref_slice %arg2[%add3A_109, %dma_wait3A_297] : memref<320000x16xf32, #tpu.memory_space<hbm>> -> memref<80x16xf32, #tpu.memory_space<hbm>>
      tpu.wait_dma2 semaphore(%arg14 : memref<!tpu.dma_semaphore, #tpu.memory_space<semaphore_mem>>) src(%dma_wait3A_298 : memref<80x16xf32, #tpu.memory_space<hbm>>) dst(%dma_wait3A_296 : memref<80x16xf32, #tpu.memory_space<vmem>>)
      %dma_wait3A_299 = arith.constant 3 : i32
      %dma_wait3A_300 = arith.constant 0 : i32
      %dma_wait3A_301 = tpu.memref_slice %arg7[%dma_wait3A_299, %dma_wait3A_300] : memref<5x80xi32, #tpu.memory_space<vmem>> -> memref<1x80xi32, #tpu.memory_space<vmem>>
      %dma_wait3A_302 = tpu.memref_squeeze %dma_wait3A_301 : memref<1x80xi32, #tpu.memory_space<vmem>> -> memref<80xi32, #tpu.memory_space<vmem>>
      %dma_wait3A_303 = tpu.memref_slice %arg3[%add3A_142] : memref<320000xi32, #tpu.memory_space<hbm>> -> memref<80xi32, #tpu.memory_space<hbm>>
      %dma_wait3A_304 = arith.constant 0 : i32
      %dma_wait3A_305 = tpu.memref_slice %arg7[%dma_wait3A_299, %dma_wait3A_304] : memref<5x80xi32, #tpu.memory_space<vmem>> -> memref<1x80xi32, #tpu.memory_space<vmem>>
      %dma_wait3A_306 = tpu.memref_squeeze %dma_wait3A_305 : memref<1x80xi32, #tpu.memory_space<vmem>> -> memref<80xi32, #tpu.memory_space<vmem>>
      %dma_wait3A_307 = tpu.memref_slice %arg3[%add3A_142] : memref<320000xi32, #tpu.memory_space<hbm>> -> memref<80xi32, #tpu.memory_space<hbm>>
      tpu.wait_dma2 semaphore(%arg14 : memref<!tpu.dma_semaphore, #tpu.memory_space<semaphore_mem>>) src(%dma_wait3A_307 : memref<80xi32, #tpu.memory_space<hbm>>) dst(%dma_wait3A_306 : memref<80xi32, #tpu.memory_space<vmem>>)
      %dma_wait3A_308 = arith.constant 3 : i32
      %dma_wait3A_309 = arith.constant 0 : i32
      %dma_wait3A_310 = tpu.memref_slice %arg8[%dma_wait3A_308, %dma_wait3A_309] : memref<5x80xi32, #tpu.memory_space<vmem>> -> memref<1x80xi32, #tpu.memory_space<vmem>>
      %dma_wait3A_311 = tpu.memref_squeeze %dma_wait3A_310 : memref<1x80xi32, #tpu.memory_space<vmem>> -> memref<80xi32, #tpu.memory_space<vmem>>
      %dma_wait3A_312 = tpu.memref_slice %arg4[%add3A_142] : memref<320000xi32, #tpu.memory_space<hbm>> -> memref<80xi32, #tpu.memory_space<hbm>>
      %dma_wait3A_313 = arith.constant 0 : i32
      %dma_wait3A_314 = tpu.memref_slice %arg8[%dma_wait3A_308, %dma_wait3A_313] : memref<5x80xi32, #tpu.memory_space<vmem>> -> memref<1x80xi32, #tpu.memory_space<vmem>>
      %dma_wait3A_315 = tpu.memref_squeeze %dma_wait3A_314 : memref<1x80xi32, #tpu.memory_space<vmem>> -> memref<80xi32, #tpu.memory_space<vmem>>
      %dma_wait3A_316 = tpu.memref_slice %arg4[%add3A_142] : memref<320000xi32, #tpu.memory_space<hbm>> -> memref<80xi32, #tpu.memory_space<hbm>>
      tpu.wait_dma2 semaphore(%arg14 : memref<!tpu.dma_semaphore, #tpu.memory_space<semaphore_mem>>) src(%dma_wait3A_316 : memref<80xi32, #tpu.memory_space<hbm>>) dst(%dma_wait3A_315 : memref<80xi32, #tpu.memory_space<vmem>>)
      %dma_wait3A_317 = arith.constant 3 : i32
      %dma_wait3A_318 = arith.constant 0 : i32
      %dma_wait3A_319 = arith.constant 0 : i32
      %dma_wait3A_320 = tpu.memref_slice %arg9[%dma_wait3A_317, %dma_wait3A_318, %dma_wait3A_319] : memref<5x80x16xf32, #tpu.memory_space<vmem>> -> memref<1x80x16xf32, #tpu.memory_space<vmem>>
      %dma_wait3A_321 = tpu.memref_squeeze %dma_wait3A_320 : memref<1x80x16xf32, #tpu.memory_space<vmem>> -> memref<80x16xf32, #tpu.memory_space<vmem>>
      %dma_wait3A_322 = arith.constant 0 : i32
      %dma_wait3A_323 = tpu.memref_slice %arg2[%add3A_142, %dma_wait3A_322] : memref<320000x16xf32, #tpu.memory_space<hbm>> -> memref<80x16xf32, #tpu.memory_space<hbm>>
      %dma_wait3A_324 = arith.constant 0 : i32
      %dma_wait3A_325 = arith.constant 0 : i32
      %dma_wait3A_326 = tpu.memref_slice %arg9[%dma_wait3A_317, %dma_wait3A_324, %dma_wait3A_325] : memref<5x80x16xf32, #tpu.memory_space<vmem>> -> memref<1x80x16xf32, #tpu.memory_space<vmem>>
      %dma_wait3A_327 = tpu.memref_squeeze %dma_wait3A_326 : memref<1x80x16xf32, #tpu.memory_space<vmem>> -> memref<80x16xf32, #tpu.memory_space<vmem>>
      %dma_wait3A_328 = arith.constant 0 : i32
      %dma_wait3A_329 = tpu.memref_slice %arg2[%add3A_142, %dma_wait3A_328] : memref<320000x16xf32, #tpu.memory_space<hbm>> -> memref<80x16xf32, #tpu.memory_space<hbm>>
      tpu.wait_dma2 semaphore(%arg14 : memref<!tpu.dma_semaphore, #tpu.memory_space<semaphore_mem>>) src(%dma_wait3A_329 : memref<80x16xf32, #tpu.memory_space<hbm>>) dst(%dma_wait3A_327 : memref<80x16xf32, #tpu.memory_space<vmem>>)
      %dma_wait3A_330 = arith.constant 4 : i32
      %dma_wait3A_331 = arith.constant 0 : i32
      %dma_wait3A_332 = tpu.memref_slice %arg7[%dma_wait3A_330, %dma_wait3A_331] : memref<5x80xi32, #tpu.memory_space<vmem>> -> memref<1x80xi32, #tpu.memory_space<vmem>>
      %dma_wait3A_333 = tpu.memref_squeeze %dma_wait3A_332 : memref<1x80xi32, #tpu.memory_space<vmem>> -> memref<80xi32, #tpu.memory_space<vmem>>
      %dma_wait3A_334 = tpu.memref_slice %arg3[%add3A_175] : memref<320000xi32, #tpu.memory_space<hbm>> -> memref<80xi32, #tpu.memory_space<hbm>>
      %dma_wait3A_335 = arith.constant 0 : i32
      %dma_wait3A_336 = tpu.memref_slice %arg7[%dma_wait3A_330, %dma_wait3A_335] : memref<5x80xi32, #tpu.memory_space<vmem>> -> memref<1x80xi32, #tpu.memory_space<vmem>>
      %dma_wait3A_337 = tpu.memref_squeeze %dma_wait3A_336 : memref<1x80xi32, #tpu.memory_space<vmem>> -> memref<80xi32, #tpu.memory_space<vmem>>
      %dma_wait3A_338 = tpu.memref_slice %arg3[%add3A_175] : memref<320000xi32, #tpu.memory_space<hbm>> -> memref<80xi32, #tpu.memory_space<hbm>>
      tpu.wait_dma2 semaphore(%arg14 : memref<!tpu.dma_semaphore, #tpu.memory_space<semaphore_mem>>) src(%dma_wait3A_338 : memref<80xi32, #tpu.memory_space<hbm>>) dst(%dma_wait3A_337 : memref<80xi32, #tpu.memory_space<vmem>>)
      %dma_wait3A_339 = arith.constant 4 : i32
      %dma_wait3A_340 = arith.constant 0 : i32
      %dma_wait3A_341 = tpu.memref_slice %arg8[%dma_wait3A_339, %dma_wait3A_340] : memref<5x80xi32, #tpu.memory_space<vmem>> -> memref<1x80xi32, #tpu.memory_space<vmem>>
      %dma_wait3A_342 = tpu.memref_squeeze %dma_wait3A_341 : memref<1x80xi32, #tpu.memory_space<vmem>> -> memref<80xi32, #tpu.memory_space<vmem>>
      %dma_wait3A_343 = tpu.memref_slice %arg4[%add3A_175] : memref<320000xi32, #tpu.memory_space<hbm>> -> memref<80xi32, #tpu.memory_space<hbm>>
      %dma_wait3A_344 = arith.constant 0 : i32
      %dma_wait3A_345 = tpu.memref_slice %arg8[%dma_wait3A_339, %dma_wait3A_344] : memref<5x80xi32, #tpu.memory_space<vmem>> -> memref<1x80xi32, #tpu.memory_space<vmem>>
      %dma_wait3A_346 = tpu.memref_squeeze %dma_wait3A_345 : memref<1x80xi32, #tpu.memory_space<vmem>> -> memref<80xi32, #tpu.memory_space<vmem>>
      %dma_wait3A_347 = tpu.memref_slice %arg4[%add3A_175] : memref<320000xi32, #tpu.memory_space<hbm>> -> memref<80xi32, #tpu.memory_space<hbm>>
      tpu.wait_dma2 semaphore(%arg14 : memref<!tpu.dma_semaphore, #tpu.memory_space<semaphore_mem>>) src(%dma_wait3A_347 : memref<80xi32, #tpu.memory_space<hbm>>) dst(%dma_wait3A_346 : memref<80xi32, #tpu.memory_space<vmem>>)
      %dma_wait3A_348 = arith.constant 4 : i32
      %dma_wait3A_349 = arith.constant 0 : i32
      %dma_wait3A_350 = arith.constant 0 : i32
      %dma_wait3A_351 = tpu.memref_slice %arg9[%dma_wait3A_348, %dma_wait3A_349, %dma_wait3A_350] : memref<5x80x16xf32, #tpu.memory_space<vmem>> -> memref<1x80x16xf32, #tpu.memory_space<vmem>>
      %dma_wait3A_352 = tpu.memref_squeeze %dma_wait3A_351 : memref<1x80x16xf32, #tpu.memory_space<vmem>> -> memref<80x16xf32, #tpu.memory_space<vmem>>
      %dma_wait3A_353 = arith.constant 0 : i32
      %dma_wait3A_354 = tpu.memref_slice %arg2[%add3A_175, %dma_wait3A_353] : memref<320000x16xf32, #tpu.memory_space<hbm>> -> memref<80x16xf32, #tpu.memory_space<hbm>>
      %dma_wait3A_355 = arith.constant 0 : i32
      %dma_wait3A_356 = arith.constant 0 : i32
      %dma_wait3A_357 = tpu.memref_slice %arg9[%dma_wait3A_348, %dma_wait3A_355, %dma_wait3A_356] : memref<5x80x16xf32, #tpu.memory_space<vmem>> -> memref<1x80x16xf32, #tpu.memory_space<vmem>>
      %dma_wait3A_358 = tpu.memref_squeeze %dma_wait3A_357 : memref<1x80x16xf32, #tpu.memory_space<vmem>> -> memref<80x16xf32, #tpu.memory_space<vmem>>
      %dma_wait3A_359 = arith.constant 0 : i32
      %dma_wait3A_360 = tpu.memref_slice %arg2[%add3A_175, %dma_wait3A_359] : memref<320000x16xf32, #tpu.memory_space<hbm>> -> memref<80x16xf32, #tpu.memory_space<hbm>>
      tpu.wait_dma2 semaphore(%arg14 : memref<!tpu.dma_semaphore, #tpu.memory_space<semaphore_mem>>) src(%dma_wait3A_360 : memref<80x16xf32, #tpu.memory_space<hbm>>) dst(%dma_wait3A_358 : memref<80x16xf32, #tpu.memory_space<vmem>>)
      %dma_start3A_361 = arith.constant 0 : i32
      %dma_start3A_362 = arith.constant 0 : i32
      %dma_start3A_363 = arith.constant 0 : i32
      %dma_start3A_364 = arith.constant 0 : i32
      %dma_start3A_365 = tpu.memref_slice %arg9[%dma_start3A_361, %dma_start3A_363, %dma_start3A_364] : memref<5x80x16xf32, #tpu.memory_space<vmem>> -> memref<1x80x16xf32, #tpu.memory_space<vmem>>
      %dma_start3A_366 = tpu.memref_squeeze %dma_start3A_365 : memref<1x80x16xf32, #tpu.memory_space<vmem>> -> memref<80x16xf32, #tpu.memory_space<vmem>>
      %dma_start3A_367 = arith.constant 0 : i32
      %dma_start3A_368 = tpu.memref_slice %arg7[%dma_start3A_362, %dma_start3A_367] : memref<5x80xi32, #tpu.memory_space<vmem>> -> memref<1x80xi32, #tpu.memory_space<vmem>>
      %dma_start3A_369 = tpu.memref_squeeze %dma_start3A_368 : memref<1x80xi32, #tpu.memory_space<vmem>> -> memref<80xi32, #tpu.memory_space<vmem>>
      %dma_start3A_370 = arith.constant 0 : i32
      %dma_start3A_371 = arith.constant 0 : i32
      %dma_start3A_372 = tpu.memref_slice %arg12[%dma_start3A_370, %dma_start3A_371] : memref<10000x16xf32, #tpu.memory_space<vmem_shared>> -> memref<10000x16xf32, #tpu.memory_space<vmem_shared>>
      tpu.enqueue_indirect_dma source(%dma_start3A_366 : memref<80x16xf32, #tpu.memory_space<vmem>>) target(%dma_start3A_372 : memref<10000x16xf32, #tpu.memory_space<vmem_shared>>) offsets(%dma_start3A_369 : memref<80xi32, #tpu.memory_space<vmem>>) semaphore(%arg15 : memref<!tpu.dma_semaphore, #tpu.memory_space<semaphore_mem>>) {add = true}
      %dma_start3A_373 = arith.constant 0 : i32
      %dma_start3A_374 = arith.constant 0 : i32
      %dma_start3A_375 = arith.constant 0 : i32
      %dma_start3A_376 = arith.constant 0 : i32
      %dma_start3A_377 = tpu.memref_slice %arg9[%dma_start3A_373, %dma_start3A_375, %dma_start3A_376] : memref<5x80x16xf32, #tpu.memory_space<vmem>> -> memref<1x80x16xf32, #tpu.memory_space<vmem>>
      %dma_start3A_378 = tpu.memref_squeeze %dma_start3A_377 : memref<1x80x16xf32, #tpu.memory_space<vmem>> -> memref<80x16xf32, #tpu.memory_space<vmem>>
      %dma_start3A_379 = arith.constant 0 : i32
      %dma_start3A_380 = tpu.memref_slice %arg8[%dma_start3A_374, %dma_start3A_379] : memref<5x80xi32, #tpu.memory_space<vmem>> -> memref<1x80xi32, #tpu.memory_space<vmem>>
      %dma_start3A_381 = tpu.memref_squeeze %dma_start3A_380 : memref<1x80xi32, #tpu.memory_space<vmem>> -> memref<80xi32, #tpu.memory_space<vmem>>
      %dma_start3A_382 = arith.constant 0 : i32
      %dma_start3A_383 = arith.constant 0 : i32
      %dma_start3A_384 = tpu.memref_slice %arg12[%dma_start3A_382, %dma_start3A_383] : memref<10000x16xf32, #tpu.memory_space<vmem_shared>> -> memref<10000x16xf32, #tpu.memory_space<vmem_shared>>
      tpu.enqueue_indirect_dma source(%dma_start3A_378 : memref<80x16xf32, #tpu.memory_space<vmem>>) target(%dma_start3A_384 : memref<10000x16xf32, #tpu.memory_space<vmem_shared>>) offsets(%dma_start3A_381 : memref<80xi32, #tpu.memory_space<vmem>>) semaphore(%arg15 : memref<!tpu.dma_semaphore, #tpu.memory_space<semaphore_mem>>) {add = true}
      %dma_start3A_385 = arith.constant 0 : i32
      %dma_start3A_386 = arith.constant 0 : i32
      %dma_start3A_387 = tpu.memref_slice %arg7[%dma_start3A_385, %dma_start3A_386] : memref<5x80xi32, #tpu.memory_space<vmem>> -> memref<1x80xi32, #tpu.memory_space<vmem>>
      %dma_start3A_388 = tpu.memref_squeeze %dma_start3A_387 : memref<1x80xi32, #tpu.memory_space<vmem>> -> memref<80xi32, #tpu.memory_space<vmem>>
      %dma_start3A_389 = arith.constant 0 : i32
      %dma_start3A_390 = arith.constant 0 : i32
      %dma_start3A_391 = tpu.memref_slice %arg13[%dma_start3A_389, %dma_start3A_390] : memref<10000x16xf32, #tpu.memory_space<vmem_shared>> -> memref<10000x16xf32, #tpu.memory_space<vmem_shared>>
      tpu.enqueue_indirect_dma source(%arg10 : memref<80x16xf32, #tpu.memory_space<vmem>>) target(%dma_start3A_391 : memref<10000x16xf32, #tpu.memory_space<vmem_shared>>) offsets(%dma_start3A_388 : memref<80xi32, #tpu.memory_space<vmem>>) semaphore(%arg15 : memref<!tpu.dma_semaphore, #tpu.memory_space<semaphore_mem>>) {add = true}
      %dma_start3A_392 = arith.constant 0 : i32
      %dma_start3A_393 = arith.constant 0 : i32
      %dma_start3A_394 = tpu.memref_slice %arg8[%dma_start3A_392, %dma_start3A_393] : memref<5x80xi32, #tpu.memory_space<vmem>> -> memref<1x80xi32, #tpu.memory_space<vmem>>
      %dma_start3A_395 = tpu.memref_squeeze %dma_start3A_394 : memref<1x80xi32, #tpu.memory_space<vmem>> -> memref<80xi32, #tpu.memory_space<vmem>>
      %dma_start3A_396 = arith.constant 0 : i32
      %dma_start3A_397 = arith.constant 0 : i32
      %dma_start3A_398 = tpu.memref_slice %arg13[%dma_start3A_396, %dma_start3A_397] : memref<10000x16xf32, #tpu.memory_space<vmem_shared>> -> memref<10000x16xf32, #tpu.memory_space<vmem_shared>>
      tpu.enqueue_indirect_dma source(%arg10 : memref<80x16xf32, #tpu.memory_space<vmem>>) target(%dma_start3A_398 : memref<10000x16xf32, #tpu.memory_space<vmem_shared>>) offsets(%dma_start3A_395 : memref<80xi32, #tpu.memory_space<vmem>>) semaphore(%arg15 : memref<!tpu.dma_semaphore, #tpu.memory_space<semaphore_mem>>) {add = true}
      %dma_start3A_399 = arith.constant 1 : i32
      %dma_start3A_400 = arith.constant 1 : i32
      %dma_start3A_401 = arith.constant 0 : i32
      %dma_start3A_402 = arith.constant 0 : i32
      %dma_start3A_403 = tpu.memref_slice %arg9[%dma_start3A_399, %dma_start3A_401, %dma_start3A_402] : memref<5x80x16xf32, #tpu.memory_space<vmem>> -> memref<1x80x16xf32, #tpu.memory_space<vmem>>
      %dma_start3A_404 = tpu.memref_squeeze %dma_start3A_403 : memref<1x80x16xf32, #tpu.memory_space<vmem>> -> memref<80x16xf32, #tpu.memory_space<vmem>>
      %dma_start3A_405 = arith.constant 0 : i32
      %dma_start3A_406 = tpu.memref_slice %arg7[%dma_start3A_400, %dma_start3A_405] : memref<5x80xi32, #tpu.memory_space<vmem>> -> memref<1x80xi32, #tpu.memory_space<vmem>>
      %dma_start3A_407 = tpu.memref_squeeze %dma_start3A_406 : memref<1x80xi32, #tpu.memory_space<vmem>> -> memref<80xi32, #tpu.memory_space<vmem>>
      %dma_start3A_408 = arith.constant 0 : i32
      %dma_start3A_409 = arith.constant 0 : i32
      %dma_start3A_410 = tpu.memref_slice %arg12[%dma_start3A_408, %dma_start3A_409] : memref<10000x16xf32, #tpu.memory_space<vmem_shared>> -> memref<10000x16xf32, #tpu.memory_space<vmem_shared>>
      tpu.enqueue_indirect_dma source(%dma_start3A_404 : memref<80x16xf32, #tpu.memory_space<vmem>>) target(%dma_start3A_410 : memref<10000x16xf32, #tpu.memory_space<vmem_shared>>) offsets(%dma_start3A_407 : memref<80xi32, #tpu.memory_space<vmem>>) semaphore(%arg15 : memref<!tpu.dma_semaphore, #tpu.memory_space<semaphore_mem>>) {add = true}
      %dma_start3A_411 = arith.constant 1 : i32
      %dma_start3A_412 = arith.constant 1 : i32
      %dma_start3A_413 = arith.constant 0 : i32
      %dma_start3A_414 = arith.constant 0 : i32
      %dma_start3A_415 = tpu.memref_slice %arg9[%dma_start3A_411, %dma_start3A_413, %dma_start3A_414] : memref<5x80x16xf32, #tpu.memory_space<vmem>> -> memref<1x80x16xf32, #tpu.memory_space<vmem>>
      %dma_start3A_416 = tpu.memref_squeeze %dma_start3A_415 : memref<1x80x16xf32, #tpu.memory_space<vmem>> -> memref<80x16xf32, #tpu.memory_space<vmem>>
      %dma_start3A_417 = arith.constant 0 : i32
      %dma_start3A_418 = tpu.memref_slice %arg8[%dma_start3A_412, %dma_start3A_417] : memref<5x80xi32, #tpu.memory_space<vmem>> -> memref<1x80xi32, #tpu.memory_space<vmem>>
      %dma_start3A_419 = tpu.memref_squeeze %dma_start3A_418 : memref<1x80xi32, #tpu.memory_space<vmem>> -> memref<80xi32, #tpu.memory_space<vmem>>
      %dma_start3A_420 = arith.constant 0 : i32
      %dma_start3A_421 = arith.constant 0 : i32
      %dma_start3A_422 = tpu.memref_slice %arg12[%dma_start3A_420, %dma_start3A_421] : memref<10000x16xf32, #tpu.memory_space<vmem_shared>> -> memref<10000x16xf32, #tpu.memory_space<vmem_shared>>
      tpu.enqueue_indirect_dma source(%dma_start3A_416 : memref<80x16xf32, #tpu.memory_space<vmem>>) target(%dma_start3A_422 : memref<10000x16xf32, #tpu.memory_space<vmem_shared>>) offsets(%dma_start3A_419 : memref<80xi32, #tpu.memory_space<vmem>>) semaphore(%arg15 : memref<!tpu.dma_semaphore, #tpu.memory_space<semaphore_mem>>) {add = true}
      %dma_start3A_423 = arith.constant 1 : i32
      %dma_start3A_424 = arith.constant 0 : i32
      %dma_start3A_425 = tpu.memref_slice %arg7[%dma_start3A_423, %dma_start3A_424] : memref<5x80xi32, #tpu.memory_space<vmem>> -> memref<1x80xi32, #tpu.memory_space<vmem>>
      %dma_start3A_426 = tpu.memref_squeeze %dma_start3A_425 : memref<1x80xi32, #tpu.memory_space<vmem>> -> memref<80xi32, #tpu.memory_space<vmem>>
      %dma_start3A_427 = arith.constant 0 : i32
      %dma_start3A_428 = arith.constant 0 : i32
      %dma_start3A_429 = tpu.memref_slice %arg13[%dma_start3A_427, %dma_start3A_428] : memref<10000x16xf32, #tpu.memory_space<vmem_shared>> -> memref<10000x16xf32, #tpu.memory_space<vmem_shared>>
      tpu.enqueue_indirect_dma source(%arg10 : memref<80x16xf32, #tpu.memory_space<vmem>>) target(%dma_start3A_429 : memref<10000x16xf32, #tpu.memory_space<vmem_shared>>) offsets(%dma_start3A_426 : memref<80xi32, #tpu.memory_space<vmem>>) semaphore(%arg15 : memref<!tpu.dma_semaphore, #tpu.memory_space<semaphore_mem>>) {add = true}
      %dma_start3A_430 = arith.constant 1 : i32
      %dma_start3A_431 = arith.constant 0 : i32
      %dma_start3A_432 = tpu.memref_slice %arg8[%dma_start3A_430, %dma_start3A_431] : memref<5x80xi32, #tpu.memory_space<vmem>> -> memref<1x80xi32, #tpu.memory_space<vmem>>
      %dma_start3A_433 = tpu.memref_squeeze %dma_start3A_432 : memref<1x80xi32, #tpu.memory_space<vmem>> -> memref<80xi32, #tpu.memory_space<vmem>>
      %dma_start3A_434 = arith.constant 0 : i32
      %dma_start3A_435 = arith.constant 0 : i32
      %dma_start3A_436 = tpu.memref_slice %arg13[%dma_start3A_434, %dma_start3A_435] : memref<10000x16xf32, #tpu.memory_space<vmem_shared>> -> memref<10000x16xf32, #tpu.memory_space<vmem_shared>>
      tpu.enqueue_indirect_dma source(%arg10 : memref<80x16xf32, #tpu.memory_space<vmem>>) target(%dma_start3A_436 : memref<10000x16xf32, #tpu.memory_space<vmem_shared>>) offsets(%dma_start3A_433 : memref<80xi32, #tpu.memory_space<vmem>>) semaphore(%arg15 : memref<!tpu.dma_semaphore, #tpu.memory_space<semaphore_mem>>) {add = true}
      %dma_start3A_437 = arith.constant 2 : i32
      %dma_start3A_438 = arith.constant 2 : i32
      %dma_start3A_439 = arith.constant 0 : i32
      %dma_start3A_440 = arith.constant 0 : i32
      %dma_start3A_441 = tpu.memref_slice %arg9[%dma_start3A_437, %dma_start3A_439, %dma_start3A_440] : memref<5x80x16xf32, #tpu.memory_space<vmem>> -> memref<1x80x16xf32, #tpu.memory_space<vmem>>
      %dma_start3A_442 = tpu.memref_squeeze %dma_start3A_441 : memref<1x80x16xf32, #tpu.memory_space<vmem>> -> memref<80x16xf32, #tpu.memory_space<vmem>>
      %dma_start3A_443 = arith.constant 0 : i32
      %dma_start3A_444 = tpu.memref_slice %arg7[%dma_start3A_438, %dma_start3A_443] : memref<5x80xi32, #tpu.memory_space<vmem>> -> memref<1x80xi32, #tpu.memory_space<vmem>>
      %dma_start3A_445 = tpu.memref_squeeze %dma_start3A_444 : memref<1x80xi32, #tpu.memory_space<vmem>> -> memref<80xi32, #tpu.memory_space<vmem>>
      %dma_start3A_446 = arith.constant 0 : i32
      %dma_start3A_447 = arith.constant 0 : i32
      %dma_start3A_448 = tpu.memref_slice %arg12[%dma_start3A_446, %dma_start3A_447] : memref<10000x16xf32, #tpu.memory_space<vmem_shared>> -> memref<10000x16xf32, #tpu.memory_space<vmem_shared>>
      tpu.enqueue_indirect_dma source(%dma_start3A_442 : memref<80x16xf32, #tpu.memory_space<vmem>>) target(%dma_start3A_448 : memref<10000x16xf32, #tpu.memory_space<vmem_shared>>) offsets(%dma_start3A_445 : memref<80xi32, #tpu.memory_space<vmem>>) semaphore(%arg15 : memref<!tpu.dma_semaphore, #tpu.memory_space<semaphore_mem>>) {add = true}
      %dma_start3A_449 = arith.constant 2 : i32
      %dma_start3A_450 = arith.constant 2 : i32
      %dma_start3A_451 = arith.constant 0 : i32
      %dma_start3A_452 = arith.constant 0 : i32
      %dma_start3A_453 = tpu.memref_slice %arg9[%dma_start3A_449, %dma_start3A_451, %dma_start3A_452] : memref<5x80x16xf32, #tpu.memory_space<vmem>> -> memref<1x80x16xf32, #tpu.memory_space<vmem>>
      %dma_start3A_454 = tpu.memref_squeeze %dma_start3A_453 : memref<1x80x16xf32, #tpu.memory_space<vmem>> -> memref<80x16xf32, #tpu.memory_space<vmem>>
      %dma_start3A_455 = arith.constant 0 : i32
      %dma_start3A_456 = tpu.memref_slice %arg8[%dma_start3A_450, %dma_start3A_455] : memref<5x80xi32, #tpu.memory_space<vmem>> -> memref<1x80xi32, #tpu.memory_space<vmem>>
      %dma_start3A_457 = tpu.memref_squeeze %dma_start3A_456 : memref<1x80xi32, #tpu.memory_space<vmem>> -> memref<80xi32, #tpu.memory_space<vmem>>
      %dma_start3A_458 = arith.constant 0 : i32
      %dma_start3A_459 = arith.constant 0 : i32
      %dma_start3A_460 = tpu.memref_slice %arg12[%dma_start3A_458, %dma_start3A_459] : memref<10000x16xf32, #tpu.memory_space<vmem_shared>> -> memref<10000x16xf32, #tpu.memory_space<vmem_shared>>
      tpu.enqueue_indirect_dma source(%dma_start3A_454 : memref<80x16xf32, #tpu.memory_space<vmem>>) target(%dma_start3A_460 : memref<10000x16xf32, #tpu.memory_space<vmem_shared>>) offsets(%dma_start3A_457 : memref<80xi32, #tpu.memory_space<vmem>>) semaphore(%arg15 : memref<!tpu.dma_semaphore, #tpu.memory_space<semaphore_mem>>) {add = true}
      %dma_start3A_461 = arith.constant 2 : i32
      %dma_start3A_462 = arith.constant 0 : i32
      %dma_start3A_463 = tpu.memref_slice %arg7[%dma_start3A_461, %dma_start3A_462] : memref<5x80xi32, #tpu.memory_space<vmem>> -> memref<1x80xi32, #tpu.memory_space<vmem>>
      %dma_start3A_464 = tpu.memref_squeeze %dma_start3A_463 : memref<1x80xi32, #tpu.memory_space<vmem>> -> memref<80xi32, #tpu.memory_space<vmem>>
      %dma_start3A_465 = arith.constant 0 : i32
      %dma_start3A_466 = arith.constant 0 : i32
      %dma_start3A_467 = tpu.memref_slice %arg13[%dma_start3A_465, %dma_start3A_466] : memref<10000x16xf32, #tpu.memory_space<vmem_shared>> -> memref<10000x16xf32, #tpu.memory_space<vmem_shared>>
      tpu.enqueue_indirect_dma source(%arg10 : memref<80x16xf32, #tpu.memory_space<vmem>>) target(%dma_start3A_467 : memref<10000x16xf32, #tpu.memory_space<vmem_shared>>) offsets(%dma_start3A_464 : memref<80xi32, #tpu.memory_space<vmem>>) semaphore(%arg15 : memref<!tpu.dma_semaphore, #tpu.memory_space<semaphore_mem>>) {add = true}
      %dma_start3A_468 = arith.constant 2 : i32
      %dma_start3A_469 = arith.constant 0 : i32
      %dma_start3A_470 = tpu.memref_slice %arg8[%dma_start3A_468, %dma_start3A_469] : memref<5x80xi32, #tpu.memory_space<vmem>> -> memref<1x80xi32, #tpu.memory_space<vmem>>
      %dma_start3A_471 = tpu.memref_squeeze %dma_start3A_470 : memref<1x80xi32, #tpu.memory_space<vmem>> -> memref<80xi32, #tpu.memory_space<vmem>>
      %dma_start3A_472 = arith.constant 0 : i32
      %dma_start3A_473 = arith.constant 0 : i32
      %dma_start3A_474 = tpu.memref_slice %arg13[%dma_start3A_472, %dma_start3A_473] : memref<10000x16xf32, #tpu.memory_space<vmem_shared>> -> memref<10000x16xf32, #tpu.memory_space<vmem_shared>>
      tpu.enqueue_indirect_dma source(%arg10 : memref<80x16xf32, #tpu.memory_space<vmem>>) target(%dma_start3A_474 : memref<10000x16xf32, #tpu.memory_space<vmem_shared>>) offsets(%dma_start3A_471 : memref<80xi32, #tpu.memory_space<vmem>>) semaphore(%arg15 : memref<!tpu.dma_semaphore, #tpu.memory_space<semaphore_mem>>) {add = true}
      %dma_start3A_475 = arith.constant 3 : i32
      %dma_start3A_476 = arith.constant 3 : i32
      %dma_start3A_477 = arith.constant 0 : i32
      %dma_start3A_478 = arith.constant 0 : i32
      %dma_start3A_479 = tpu.memref_slice %arg9[%dma_start3A_475, %dma_start3A_477, %dma_start3A_478] : memref<5x80x16xf32, #tpu.memory_space<vmem>> -> memref<1x80x16xf32, #tpu.memory_space<vmem>>
      %dma_start3A_480 = tpu.memref_squeeze %dma_start3A_479 : memref<1x80x16xf32, #tpu.memory_space<vmem>> -> memref<80x16xf32, #tpu.memory_space<vmem>>
      %dma_start3A_481 = arith.constant 0 : i32
      %dma_start3A_482 = tpu.memref_slice %arg7[%dma_start3A_476, %dma_start3A_481] : memref<5x80xi32, #tpu.memory_space<vmem>> -> memref<1x80xi32, #tpu.memory_space<vmem>>
      %dma_start3A_483 = tpu.memref_squeeze %dma_start3A_482 : memref<1x80xi32, #tpu.memory_space<vmem>> -> memref<80xi32, #tpu.memory_space<vmem>>
      %dma_start3A_484 = arith.constant 0 : i32
      %dma_start3A_485 = arith.constant 0 : i32
      %dma_start3A_486 = tpu.memref_slice %arg12[%dma_start3A_484, %dma_start3A_485] : memref<10000x16xf32, #tpu.memory_space<vmem_shared>> -> memref<10000x16xf32, #tpu.memory_space<vmem_shared>>
      tpu.enqueue_indirect_dma source(%dma_start3A_480 : memref<80x16xf32, #tpu.memory_space<vmem>>) target(%dma_start3A_486 : memref<10000x16xf32, #tpu.memory_space<vmem_shared>>) offsets(%dma_start3A_483 : memref<80xi32, #tpu.memory_space<vmem>>) semaphore(%arg15 : memref<!tpu.dma_semaphore, #tpu.memory_space<semaphore_mem>>) {add = true}
      %dma_start3A_487 = arith.constant 3 : i32
      %dma_start3A_488 = arith.constant 3 : i32
      %dma_start3A_489 = arith.constant 0 : i32
      %dma_start3A_490 = arith.constant 0 : i32
      %dma_start3A_491 = tpu.memref_slice %arg9[%dma_start3A_487, %dma_start3A_489, %dma_start3A_490] : memref<5x80x16xf32, #tpu.memory_space<vmem>> -> memref<1x80x16xf32, #tpu.memory_space<vmem>>
      %dma_start3A_492 = tpu.memref_squeeze %dma_start3A_491 : memref<1x80x16xf32, #tpu.memory_space<vmem>> -> memref<80x16xf32, #tpu.memory_space<vmem>>
      %dma_start3A_493 = arith.constant 0 : i32
      %dma_start3A_494 = tpu.memref_slice %arg8[%dma_start3A_488, %dma_start3A_493] : memref<5x80xi32, #tpu.memory_space<vmem>> -> memref<1x80xi32, #tpu.memory_space<vmem>>
      %dma_start3A_495 = tpu.memref_squeeze %dma_start3A_494 : memref<1x80xi32, #tpu.memory_space<vmem>> -> memref<80xi32, #tpu.memory_space<vmem>>
      %dma_start3A_496 = arith.constant 0 : i32
      %dma_start3A_497 = arith.constant 0 : i32
      %dma_start3A_498 = tpu.memref_slice %arg12[%dma_start3A_496, %dma_start3A_497] : memref<10000x16xf32, #tpu.memory_space<vmem_shared>> -> memref<10000x16xf32, #tpu.memory_space<vmem_shared>>
      tpu.enqueue_indirect_dma source(%dma_start3A_492 : memref<80x16xf32, #tpu.memory_space<vmem>>) target(%dma_start3A_498 : memref<10000x16xf32, #tpu.memory_space<vmem_shared>>) offsets(%dma_start3A_495 : memref<80xi32, #tpu.memory_space<vmem>>) semaphore(%arg15 : memref<!tpu.dma_semaphore, #tpu.memory_space<semaphore_mem>>) {add = true}
      %dma_start3A_499 = arith.constant 3 : i32
      %dma_start3A_500 = arith.constant 0 : i32
      %dma_start3A_501 = tpu.memref_slice %arg7[%dma_start3A_499, %dma_start3A_500] : memref<5x80xi32, #tpu.memory_space<vmem>> -> memref<1x80xi32, #tpu.memory_space<vmem>>
      %dma_start3A_502 = tpu.memref_squeeze %dma_start3A_501 : memref<1x80xi32, #tpu.memory_space<vmem>> -> memref<80xi32, #tpu.memory_space<vmem>>
      %dma_start3A_503 = arith.constant 0 : i32
      %dma_start3A_504 = arith.constant 0 : i32
      %dma_start3A_505 = tpu.memref_slice %arg13[%dma_start3A_503, %dma_start3A_504] : memref<10000x16xf32, #tpu.memory_space<vmem_shared>> -> memref<10000x16xf32, #tpu.memory_space<vmem_shared>>
      tpu.enqueue_indirect_dma source(%arg10 : memref<80x16xf32, #tpu.memory_space<vmem>>) target(%dma_start3A_505 : memref<10000x16xf32, #tpu.memory_space<vmem_shared>>) offsets(%dma_start3A_502 : memref<80xi32, #tpu.memory_space<vmem>>) semaphore(%arg15 : memref<!tpu.dma_semaphore, #tpu.memory_space<semaphore_mem>>) {add = true}
      %dma_start3A_506 = arith.constant 3 : i32
      %dma_start3A_507 = arith.constant 0 : i32
      %dma_start3A_508 = tpu.memref_slice %arg8[%dma_start3A_506, %dma_start3A_507] : memref<5x80xi32, #tpu.memory_space<vmem>> -> memref<1x80xi32, #tpu.memory_space<vmem>>
      %dma_start3A_509 = tpu.memref_squeeze %dma_start3A_508 : memref<1x80xi32, #tpu.memory_space<vmem>> -> memref<80xi32, #tpu.memory_space<vmem>>
      %dma_start3A_510 = arith.constant 0 : i32
      %dma_start3A_511 = arith.constant 0 : i32
      %dma_start3A_512 = tpu.memref_slice %arg13[%dma_start3A_510, %dma_start3A_511] : memref<10000x16xf32, #tpu.memory_space<vmem_shared>> -> memref<10000x16xf32, #tpu.memory_space<vmem_shared>>
      tpu.enqueue_indirect_dma source(%arg10 : memref<80x16xf32, #tpu.memory_space<vmem>>) target(%dma_start3A_512 : memref<10000x16xf32, #tpu.memory_space<vmem_shared>>) offsets(%dma_start3A_509 : memref<80xi32, #tpu.memory_space<vmem>>) semaphore(%arg15 : memref<!tpu.dma_semaphore, #tpu.memory_space<semaphore_mem>>) {add = true}
      %dma_start3A_513 = arith.constant 4 : i32
      %dma_start3A_514 = arith.constant 4 : i32
      %dma_start3A_515 = arith.constant 0 : i32
      %dma_start3A_516 = arith.constant 0 : i32
      %dma_start3A_517 = tpu.memref_slice %arg9[%dma_start3A_513, %dma_start3A_515, %dma_start3A_516] : memref<5x80x16xf32, #tpu.memory_space<vmem>> -> memref<1x80x16xf32, #tpu.memory_space<vmem>>
      %dma_start3A_518 = tpu.memref_squeeze %dma_start3A_517 : memref<1x80x16xf32, #tpu.memory_space<vmem>> -> memref<80x16xf32, #tpu.memory_space<vmem>>
      %dma_start3A_519 = arith.constant 0 : i32
      %dma_start3A_520 = tpu.memref_slice %arg7[%dma_start3A_514, %dma_start3A_519] : memref<5x80xi32, #tpu.memory_space<vmem>> -> memref<1x80xi32, #tpu.memory_space<vmem>>
      %dma_start3A_521 = tpu.memref_squeeze %dma_start3A_520 : memref<1x80xi32, #tpu.memory_space<vmem>> -> memref<80xi32, #tpu.memory_space<vmem>>
      %dma_start3A_522 = arith.constant 0 : i32
      %dma_start3A_523 = arith.constant 0 : i32
      %dma_start3A_524 = tpu.memref_slice %arg12[%dma_start3A_522, %dma_start3A_523] : memref<10000x16xf32, #tpu.memory_space<vmem_shared>> -> memref<10000x16xf32, #tpu.memory_space<vmem_shared>>
      tpu.enqueue_indirect_dma source(%dma_start3A_518 : memref<80x16xf32, #tpu.memory_space<vmem>>) target(%dma_start3A_524 : memref<10000x16xf32, #tpu.memory_space<vmem_shared>>) offsets(%dma_start3A_521 : memref<80xi32, #tpu.memory_space<vmem>>) semaphore(%arg15 : memref<!tpu.dma_semaphore, #tpu.memory_space<semaphore_mem>>) {add = true}
      %dma_start3A_525 = arith.constant 4 : i32
      %dma_start3A_526 = arith.constant 4 : i32
      %dma_start3A_527 = arith.constant 0 : i32
      %dma_start3A_528 = arith.constant 0 : i32
      %dma_start3A_529 = tpu.memref_slice %arg9[%dma_start3A_525, %dma_start3A_527, %dma_start3A_528] : memref<5x80x16xf32, #tpu.memory_space<vmem>> -> memref<1x80x16xf32, #tpu.memory_space<vmem>>
      %dma_start3A_530 = tpu.memref_squeeze %dma_start3A_529 : memref<1x80x16xf32, #tpu.memory_space<vmem>> -> memref<80x16xf32, #tpu.memory_space<vmem>>
      %dma_start3A_531 = arith.constant 0 : i32
      %dma_start3A_532 = tpu.memref_slice %arg8[%dma_start3A_526, %dma_start3A_531] : memref<5x80xi32, #tpu.memory_space<vmem>> -> memref<1x80xi32, #tpu.memory_space<vmem>>
      %dma_start3A_533 = tpu.memref_squeeze %dma_start3A_532 : memref<1x80xi32, #tpu.memory_space<vmem>> -> memref<80xi32, #tpu.memory_space<vmem>>
      %dma_start3A_534 = arith.constant 0 : i32
      %dma_start3A_535 = arith.constant 0 : i32
      %dma_start3A_536 = tpu.memref_slice %arg12[%dma_start3A_534, %dma_start3A_535] : memref<10000x16xf32, #tpu.memory_space<vmem_shared>> -> memref<10000x16xf32, #tpu.memory_space<vmem_shared>>
      tpu.enqueue_indirect_dma source(%dma_start3A_530 : memref<80x16xf32, #tpu.memory_space<vmem>>) target(%dma_start3A_536 : memref<10000x16xf32, #tpu.memory_space<vmem_shared>>) offsets(%dma_start3A_533 : memref<80xi32, #tpu.memory_space<vmem>>) semaphore(%arg15 : memref<!tpu.dma_semaphore, #tpu.memory_space<semaphore_mem>>) {add = true}
      %dma_start3A_537 = arith.constant 4 : i32
      %dma_start3A_538 = arith.constant 0 : i32
      %dma_start3A_539 = tpu.memref_slice %arg7[%dma_start3A_537, %dma_start3A_538] : memref<5x80xi32, #tpu.memory_space<vmem>> -> memref<1x80xi32, #tpu.memory_space<vmem>>
      %dma_start3A_540 = tpu.memref_squeeze %dma_start3A_539 : memref<1x80xi32, #tpu.memory_space<vmem>> -> memref<80xi32, #tpu.memory_space<vmem>>
      %dma_start3A_541 = arith.constant 0 : i32
      %dma_start3A_542 = arith.constant 0 : i32
      %dma_start3A_543 = tpu.memref_slice %arg13[%dma_start3A_541, %dma_start3A_542] : memref<10000x16xf32, #tpu.memory_space<vmem_shared>> -> memref<10000x16xf32, #tpu.memory_space<vmem_shared>>
      tpu.enqueue_indirect_dma source(%arg10 : memref<80x16xf32, #tpu.memory_space<vmem>>) target(%dma_start3A_543 : memref<10000x16xf32, #tpu.memory_space<vmem_shared>>) offsets(%dma_start3A_540 : memref<80xi32, #tpu.memory_space<vmem>>) semaphore(%arg15 : memref<!tpu.dma_semaphore, #tpu.memory_space<semaphore_mem>>) {add = true}
      %dma_start3A_544 = arith.constant 4 : i32
      %dma_start3A_545 = arith.constant 0 : i32
      %dma_start3A_546 = tpu.memref_slice %arg8[%dma_start3A_544, %dma_start3A_545] : memref<5x80xi32, #tpu.memory_space<vmem>> -> memref<1x80xi32, #tpu.memory_space<vmem>>
      %dma_start3A_547 = tpu.memref_squeeze %dma_start3A_546 : memref<1x80xi32, #tpu.memory_space<vmem>> -> memref<80xi32, #tpu.memory_space<vmem>>
      %dma_start3A_548 = arith.constant 0 : i32
      %dma_start3A_549 = arith.constant 0 : i32
      %dma_start3A_550 = tpu.memref_slice %arg13[%dma_start3A_548, %dma_start3A_549] : memref<10000x16xf32, #tpu.memory_space<vmem_shared>> -> memref<10000x16xf32, #tpu.memory_space<vmem_shared>>
      tpu.enqueue_indirect_dma source(%arg10 : memref<80x16xf32, #tpu.memory_space<vmem>>) target(%dma_start3A_550 : memref<10000x16xf32, #tpu.memory_space<vmem_shared>>) offsets(%dma_start3A_547 : memref<80xi32, #tpu.memory_space<vmem>>) semaphore(%arg15 : memref<!tpu.dma_semaphore, #tpu.memory_space<semaphore_mem>>) {add = true}
      %dma_wait3A_551 = arith.constant 0 : i32
      %dma_wait3A_552 = arith.constant 0 : i32
      %dma_wait3A_553 = arith.constant 0 : i32
      %dma_wait3A_554 = arith.constant 0 : i32
      %dma_wait3A_555 = tpu.memref_slice %arg9[%dma_wait3A_551, %dma_wait3A_553, %dma_wait3A_554] : memref<5x80x16xf32, #tpu.memory_space<vmem>> -> memref<1x80x16xf32, #tpu.memory_space<vmem>>
      %dma_wait3A_556 = tpu.memref_squeeze %dma_wait3A_555 : memref<1x80x16xf32, #tpu.memory_space<vmem>> -> memref<80x16xf32, #tpu.memory_space<vmem>>
      %dma_wait3A_557 = arith.constant 0 : i32
      %dma_wait3A_558 = tpu.memref_slice %arg7[%dma_wait3A_552, %dma_wait3A_557] : memref<5x80xi32, #tpu.memory_space<vmem>> -> memref<1x80xi32, #tpu.memory_space<vmem>>
      %dma_wait3A_559 = tpu.memref_squeeze %dma_wait3A_558 : memref<1x80xi32, #tpu.memory_space<vmem>> -> memref<80xi32, #tpu.memory_space<vmem>>
      %dma_wait3A_560 = arith.constant 0 : i32
      %dma_wait3A_561 = arith.constant 0 : i32
      %dma_wait3A_562 = tpu.memref_slice %arg12[%dma_wait3A_560, %dma_wait3A_561] : memref<10000x16xf32, #tpu.memory_space<vmem_shared>> -> memref<10000x16xf32, #tpu.memory_space<vmem_shared>>
      tpu.wait_indirect_dma semaphore(%arg15 : memref<!tpu.dma_semaphore, #tpu.memory_space<semaphore_mem>>) src(%dma_wait3A_556 : memref<80x16xf32, #tpu.memory_space<vmem>>) dst(%dma_wait3A_562 : memref<10000x16xf32, #tpu.memory_space<vmem_shared>>)
      %dma_wait3A_563 = arith.constant 0 : i32
      %dma_wait3A_564 = arith.constant 0 : i32
      %dma_wait3A_565 = arith.constant 0 : i32
      %dma_wait3A_566 = arith.constant 0 : i32
      %dma_wait3A_567 = tpu.memref_slice %arg9[%dma_wait3A_563, %dma_wait3A_565, %dma_wait3A_566] : memref<5x80x16xf32, #tpu.memory_space<vmem>> -> memref<1x80x16xf32, #tpu.memory_space<vmem>>
      %dma_wait3A_568 = tpu.memref_squeeze %dma_wait3A_567 : memref<1x80x16xf32, #tpu.memory_space<vmem>> -> memref<80x16xf32, #tpu.memory_space<vmem>>
      %dma_wait3A_569 = arith.constant 0 : i32
      %dma_wait3A_570 = tpu.memref_slice %arg8[%dma_wait3A_564, %dma_wait3A_569] : memref<5x80xi32, #tpu.memory_space<vmem>> -> memref<1x80xi32, #tpu.memory_space<vmem>>
      %dma_wait3A_571 = tpu.memref_squeeze %dma_wait3A_570 : memref<1x80xi32, #tpu.memory_space<vmem>> -> memref<80xi32, #tpu.memory_space<vmem>>
      %dma_wait3A_572 = arith.constant 0 : i32
      %dma_wait3A_573 = arith.constant 0 : i32
      %dma_wait3A_574 = tpu.memref_slice %arg12[%dma_wait3A_572, %dma_wait3A_573] : memref<10000x16xf32, #tpu.memory_space<vmem_shared>> -> memref<10000x16xf32, #tpu.memory_space<vmem_shared>>
      tpu.wait_indirect_dma semaphore(%arg15 : memref<!tpu.dma_semaphore, #tpu.memory_space<semaphore_mem>>) src(%dma_wait3A_568 : memref<80x16xf32, #tpu.memory_space<vmem>>) dst(%dma_wait3A_574 : memref<10000x16xf32, #tpu.memory_space<vmem_shared>>)
      %dma_wait3A_575 = arith.constant 0 : i32
      %dma_wait3A_576 = arith.constant 0 : i32
      %dma_wait3A_577 = tpu.memref_slice %arg7[%dma_wait3A_575, %dma_wait3A_576] : memref<5x80xi32, #tpu.memory_space<vmem>> -> memref<1x80xi32, #tpu.memory_space<vmem>>
      %dma_wait3A_578 = tpu.memref_squeeze %dma_wait3A_577 : memref<1x80xi32, #tpu.memory_space<vmem>> -> memref<80xi32, #tpu.memory_space<vmem>>
      %dma_wait3A_579 = arith.constant 0 : i32
      %dma_wait3A_580 = arith.constant 0 : i32
      %dma_wait3A_581 = tpu.memref_slice %arg13[%dma_wait3A_579, %dma_wait3A_580] : memref<10000x16xf32, #tpu.memory_space<vmem_shared>> -> memref<10000x16xf32, #tpu.memory_space<vmem_shared>>
      tpu.wait_indirect_dma semaphore(%arg15 : memref<!tpu.dma_semaphore, #tpu.memory_space<semaphore_mem>>) src(%arg10 : memref<80x16xf32, #tpu.memory_space<vmem>>) dst(%dma_wait3A_581 : memref<10000x16xf32, #tpu.memory_space<vmem_shared>>)
      %dma_wait3A_582 = arith.constant 0 : i32
      %dma_wait3A_583 = arith.constant 0 : i32
      %dma_wait3A_584 = tpu.memref_slice %arg8[%dma_wait3A_582, %dma_wait3A_583] : memref<5x80xi32, #tpu.memory_space<vmem>> -> memref<1x80xi32, #tpu.memory_space<vmem>>
      %dma_wait3A_585 = tpu.memref_squeeze %dma_wait3A_584 : memref<1x80xi32, #tpu.memory_space<vmem>> -> memref<80xi32, #tpu.memory_space<vmem>>
      %dma_wait3A_586 = arith.constant 0 : i32
      %dma_wait3A_587 = arith.constant 0 : i32
      %dma_wait3A_588 = tpu.memref_slice %arg13[%dma_wait3A_586, %dma_wait3A_587] : memref<10000x16xf32, #tpu.memory_space<vmem_shared>> -> memref<10000x16xf32, #tpu.memory_space<vmem_shared>>
      tpu.wait_indirect_dma semaphore(%arg15 : memref<!tpu.dma_semaphore, #tpu.memory_space<semaphore_mem>>) src(%arg10 : memref<80x16xf32, #tpu.memory_space<vmem>>) dst(%dma_wait3A_588 : memref<10000x16xf32, #tpu.memory_space<vmem_shared>>)
      %dma_wait3A_589 = arith.constant 1 : i32
      %dma_wait3A_590 = arith.constant 1 : i32
      %dma_wait3A_591 = arith.constant 0 : i32
      %dma_wait3A_592 = arith.constant 0 : i32
      %dma_wait3A_593 = tpu.memref_slice %arg9[%dma_wait3A_589, %dma_wait3A_591, %dma_wait3A_592] : memref<5x80x16xf32, #tpu.memory_space<vmem>> -> memref<1x80x16xf32, #tpu.memory_space<vmem>>
      %dma_wait3A_594 = tpu.memref_squeeze %dma_wait3A_593 : memref<1x80x16xf32, #tpu.memory_space<vmem>> -> memref<80x16xf32, #tpu.memory_space<vmem>>
      %dma_wait3A_595 = arith.constant 0 : i32
      %dma_wait3A_596 = tpu.memref_slice %arg7[%dma_wait3A_590, %dma_wait3A_595] : memref<5x80xi32, #tpu.memory_space<vmem>> -> memref<1x80xi32, #tpu.memory_space<vmem>>
      %dma_wait3A_597 = tpu.memref_squeeze %dma_wait3A_596 : memref<1x80xi32, #tpu.memory_space<vmem>> -> memref<80xi32, #tpu.memory_space<vmem>>
      %dma_wait3A_598 = arith.constant 0 : i32
      %dma_wait3A_599 = arith.constant 0 : i32
      %dma_wait3A_600 = tpu.memref_slice %arg12[%dma_wait3A_598, %dma_wait3A_599] : memref<10000x16xf32, #tpu.memory_space<vmem_shared>> -> memref<10000x16xf32, #tpu.memory_space<vmem_shared>>
      tpu.wait_indirect_dma semaphore(%arg15 : memref<!tpu.dma_semaphore, #tpu.memory_space<semaphore_mem>>) src(%dma_wait3A_594 : memref<80x16xf32, #tpu.memory_space<vmem>>) dst(%dma_wait3A_600 : memref<10000x16xf32, #tpu.memory_space<vmem_shared>>)
      %dma_wait3A_601 = arith.constant 1 : i32
      %dma_wait3A_602 = arith.constant 1 : i32
      %dma_wait3A_603 = arith.constant 0 : i32
      %dma_wait3A_604 = arith.constant 0 : i32
      %dma_wait3A_605 = tpu.memref_slice %arg9[%dma_wait3A_601, %dma_wait3A_603, %dma_wait3A_604] : memref<5x80x16xf32, #tpu.memory_space<vmem>> -> memref<1x80x16xf32, #tpu.memory_space<vmem>>
      %dma_wait3A_606 = tpu.memref_squeeze %dma_wait3A_605 : memref<1x80x16xf32, #tpu.memory_space<vmem>> -> memref<80x16xf32, #tpu.memory_space<vmem>>
      %dma_wait3A_607 = arith.constant 0 : i32
      %dma_wait3A_608 = tpu.memref_slice %arg8[%dma_wait3A_602, %dma_wait3A_607] : memref<5x80xi32, #tpu.memory_space<vmem>> -> memref<1x80xi32, #tpu.memory_space<vmem>>
      %dma_wait3A_609 = tpu.memref_squeeze %dma_wait3A_608 : memref<1x80xi32, #tpu.memory_space<vmem>> -> memref<80xi32, #tpu.memory_space<vmem>>
      %dma_wait3A_610 = arith.constant 0 : i32
      %dma_wait3A_611 = arith.constant 0 : i32
      %dma_wait3A_612 = tpu.memref_slice %arg12[%dma_wait3A_610, %dma_wait3A_611] : memref<10000x16xf32, #tpu.memory_space<vmem_shared>> -> memref<10000x16xf32, #tpu.memory_space<vmem_shared>>
      tpu.wait_indirect_dma semaphore(%arg15 : memref<!tpu.dma_semaphore, #tpu.memory_space<semaphore_mem>>) src(%dma_wait3A_606 : memref<80x16xf32, #tpu.memory_space<vmem>>) dst(%dma_wait3A_612 : memref<10000x16xf32, #tpu.memory_space<vmem_shared>>)
      %dma_wait3A_613 = arith.constant 1 : i32
      %dma_wait3A_614 = arith.constant 0 : i32
      %dma_wait3A_615 = tpu.memref_slice %arg7[%dma_wait3A_613, %dma_wait3A_614] : memref<5x80xi32, #tpu.memory_space<vmem>> -> memref<1x80xi32, #tpu.memory_space<vmem>>
      %dma_wait3A_616 = tpu.memref_squeeze %dma_wait3A_615 : memref<1x80xi32, #tpu.memory_space<vmem>> -> memref<80xi32, #tpu.memory_space<vmem>>
      %dma_wait3A_617 = arith.constant 0 : i32
      %dma_wait3A_618 = arith.constant 0 : i32
      %dma_wait3A_619 = tpu.memref_slice %arg13[%dma_wait3A_617, %dma_wait3A_618] : memref<10000x16xf32, #tpu.memory_space<vmem_shared>> -> memref<10000x16xf32, #tpu.memory_space<vmem_shared>>
      tpu.wait_indirect_dma semaphore(%arg15 : memref<!tpu.dma_semaphore, #tpu.memory_space<semaphore_mem>>) src(%arg10 : memref<80x16xf32, #tpu.memory_space<vmem>>) dst(%dma_wait3A_619 : memref<10000x16xf32, #tpu.memory_space<vmem_shared>>)
      %dma_wait3A_620 = arith.constant 1 : i32
      %dma_wait3A_621 = arith.constant 0 : i32
      %dma_wait3A_622 = tpu.memref_slice %arg8[%dma_wait3A_620, %dma_wait3A_621] : memref<5x80xi32, #tpu.memory_space<vmem>> -> memref<1x80xi32, #tpu.memory_space<vmem>>
      %dma_wait3A_623 = tpu.memref_squeeze %dma_wait3A_622 : memref<1x80xi32, #tpu.memory_space<vmem>> -> memref<80xi32, #tpu.memory_space<vmem>>
      %dma_wait3A_624 = arith.constant 0 : i32
      %dma_wait3A_625 = arith.constant 0 : i32
      %dma_wait3A_626 = tpu.memref_slice %arg13[%dma_wait3A_624, %dma_wait3A_625] : memref<10000x16xf32, #tpu.memory_space<vmem_shared>> -> memref<10000x16xf32, #tpu.memory_space<vmem_shared>>
      tpu.wait_indirect_dma semaphore(%arg15 : memref<!tpu.dma_semaphore, #tpu.memory_space<semaphore_mem>>) src(%arg10 : memref<80x16xf32, #tpu.memory_space<vmem>>) dst(%dma_wait3A_626 : memref<10000x16xf32, #tpu.memory_space<vmem_shared>>)
      %dma_wait3A_627 = arith.constant 2 : i32
      %dma_wait3A_628 = arith.constant 2 : i32
      %dma_wait3A_629 = arith.constant 0 : i32
      %dma_wait3A_630 = arith.constant 0 : i32
      %dma_wait3A_631 = tpu.memref_slice %arg9[%dma_wait3A_627, %dma_wait3A_629, %dma_wait3A_630] : memref<5x80x16xf32, #tpu.memory_space<vmem>> -> memref<1x80x16xf32, #tpu.memory_space<vmem>>
      %dma_wait3A_632 = tpu.memref_squeeze %dma_wait3A_631 : memref<1x80x16xf32, #tpu.memory_space<vmem>> -> memref<80x16xf32, #tpu.memory_space<vmem>>
      %dma_wait3A_633 = arith.constant 0 : i32
      %dma_wait3A_634 = tpu.memref_slice %arg7[%dma_wait3A_628, %dma_wait3A_633] : memref<5x80xi32, #tpu.memory_space<vmem>> -> memref<1x80xi32, #tpu.memory_space<vmem>>
      %dma_wait3A_635 = tpu.memref_squeeze %dma_wait3A_634 : memref<1x80xi32, #tpu.memory_space<vmem>> -> memref<80xi32, #tpu.memory_space<vmem>>
      %dma_wait3A_636 = arith.constant 0 : i32
      %dma_wait3A_637 = arith.constant 0 : i32
      %dma_wait3A_638 = tpu.memref_slice %arg12[%dma_wait3A_636, %dma_wait3A_637] : memref<10000x16xf32, #tpu.memory_space<vmem_shared>> -> memref<10000x16xf32, #tpu.memory_space<vmem_shared>>
      tpu.wait_indirect_dma semaphore(%arg15 : memref<!tpu.dma_semaphore, #tpu.memory_space<semaphore_mem>>) src(%dma_wait3A_632 : memref<80x16xf32, #tpu.memory_space<vmem>>) dst(%dma_wait3A_638 : memref<10000x16xf32, #tpu.memory_space<vmem_shared>>)
      %dma_wait3A_639 = arith.constant 2 : i32
      %dma_wait3A_640 = arith.constant 2 : i32
      %dma_wait3A_641 = arith.constant 0 : i32
      %dma_wait3A_642 = arith.constant 0 : i32
      %dma_wait3A_643 = tpu.memref_slice %arg9[%dma_wait3A_639, %dma_wait3A_641, %dma_wait3A_642] : memref<5x80x16xf32, #tpu.memory_space<vmem>> -> memref<1x80x16xf32, #tpu.memory_space<vmem>>
      %dma_wait3A_644 = tpu.memref_squeeze %dma_wait3A_643 : memref<1x80x16xf32, #tpu.memory_space<vmem>> -> memref<80x16xf32, #tpu.memory_space<vmem>>
      %dma_wait3A_645 = arith.constant 0 : i32
      %dma_wait3A_646 = tpu.memref_slice %arg8[%dma_wait3A_640, %dma_wait3A_645] : memref<5x80xi32, #tpu.memory_space<vmem>> -> memref<1x80xi32, #tpu.memory_space<vmem>>
      %dma_wait3A_647 = tpu.memref_squeeze %dma_wait3A_646 : memref<1x80xi32, #tpu.memory_space<vmem>> -> memref<80xi32, #tpu.memory_space<vmem>>
      %dma_wait3A_648 = arith.constant 0 : i32
      %dma_wait3A_649 = arith.constant 0 : i32
      %dma_wait3A_650 = tpu.memref_slice %arg12[%dma_wait3A_648, %dma_wait3A_649] : memref<10000x16xf32, #tpu.memory_space<vmem_shared>> -> memref<10000x16xf32, #tpu.memory_space<vmem_shared>>
      tpu.wait_indirect_dma semaphore(%arg15 : memref<!tpu.dma_semaphore, #tpu.memory_space<semaphore_mem>>) src(%dma_wait3A_644 : memref<80x16xf32, #tpu.memory_space<vmem>>) dst(%dma_wait3A_650 : memref<10000x16xf32, #tpu.memory_space<vmem_shared>>)
      %dma_wait3A_651 = arith.constant 2 : i32
      %dma_wait3A_652 = arith.constant 0 : i32
      %dma_wait3A_653 = tpu.memref_slice %arg7[%dma_wait3A_651, %dma_wait3A_652] : memref<5x80xi32, #tpu.memory_space<vmem>> -> memref<1x80xi32, #tpu.memory_space<vmem>>
      %dma_wait3A_654 = tpu.memref_squeeze %dma_wait3A_653 : memref<1x80xi32, #tpu.memory_space<vmem>> -> memref<80xi32, #tpu.memory_space<vmem>>
      %dma_wait3A_655 = arith.constant 0 : i32
      %dma_wait3A_656 = arith.constant 0 : i32
      %dma_wait3A_657 = tpu.memref_slice %arg13[%dma_wait3A_655, %dma_wait3A_656] : memref<10000x16xf32, #tpu.memory_space<vmem_shared>> -> memref<10000x16xf32, #tpu.memory_space<vmem_shared>>
      tpu.wait_indirect_dma semaphore(%arg15 : memref<!tpu.dma_semaphore, #tpu.memory_space<semaphore_mem>>) src(%arg10 : memref<80x16xf32, #tpu.memory_space<vmem>>) dst(%dma_wait3A_657 : memref<10000x16xf32, #tpu.memory_space<vmem_shared>>)
      %dma_wait3A_658 = arith.constant 2 : i32
      %dma_wait3A_659 = arith.constant 0 : i32
      %dma_wait3A_660 = tpu.memref_slice %arg8[%dma_wait3A_658, %dma_wait3A_659] : memref<5x80xi32, #tpu.memory_space<vmem>> -> memref<1x80xi32, #tpu.memory_space<vmem>>
      %dma_wait3A_661 = tpu.memref_squeeze %dma_wait3A_660 : memref<1x80xi32, #tpu.memory_space<vmem>> -> memref<80xi32, #tpu.memory_space<vmem>>
      %dma_wait3A_662 = arith.constant 0 : i32
      %dma_wait3A_663 = arith.constant 0 : i32
      %dma_wait3A_664 = tpu.memref_slice %arg13[%dma_wait3A_662, %dma_wait3A_663] : memref<10000x16xf32, #tpu.memory_space<vmem_shared>> -> memref<10000x16xf32, #tpu.memory_space<vmem_shared>>
      tpu.wait_indirect_dma semaphore(%arg15 : memref<!tpu.dma_semaphore, #tpu.memory_space<semaphore_mem>>) src(%arg10 : memref<80x16xf32, #tpu.memory_space<vmem>>) dst(%dma_wait3A_664 : memref<10000x16xf32, #tpu.memory_space<vmem_shared>>)
      %dma_wait3A_665 = arith.constant 3 : i32
      %dma_wait3A_666 = arith.constant 3 : i32
      %dma_wait3A_667 = arith.constant 0 : i32
      %dma_wait3A_668 = arith.constant 0 : i32
      %dma_wait3A_669 = tpu.memref_slice %arg9[%dma_wait3A_665, %dma_wait3A_667, %dma_wait3A_668] : memref<5x80x16xf32, #tpu.memory_space<vmem>> -> memref<1x80x16xf32, #tpu.memory_space<vmem>>
      %dma_wait3A_670 = tpu.memref_squeeze %dma_wait3A_669 : memref<1x80x16xf32, #tpu.memory_space<vmem>> -> memref<80x16xf32, #tpu.memory_space<vmem>>
      %dma_wait3A_671 = arith.constant 0 : i32
      %dma_wait3A_672 = tpu.memref_slice %arg7[%dma_wait3A_666, %dma_wait3A_671] : memref<5x80xi32, #tpu.memory_space<vmem>> -> memref<1x80xi32, #tpu.memory_space<vmem>>
      %dma_wait3A_673 = tpu.memref_squeeze %dma_wait3A_672 : memref<1x80xi32, #tpu.memory_space<vmem>> -> memref<80xi32, #tpu.memory_space<vmem>>
      %dma_wait3A_674 = arith.constant 0 : i32
      %dma_wait3A_675 = arith.constant 0 : i32
      %dma_wait3A_676 = tpu.memref_slice %arg12[%dma_wait3A_674, %dma_wait3A_675] : memref<10000x16xf32, #tpu.memory_space<vmem_shared>> -> memref<10000x16xf32, #tpu.memory_space<vmem_shared>>
      tpu.wait_indirect_dma semaphore(%arg15 : memref<!tpu.dma_semaphore, #tpu.memory_space<semaphore_mem>>) src(%dma_wait3A_670 : memref<80x16xf32, #tpu.memory_space<vmem>>) dst(%dma_wait3A_676 : memref<10000x16xf32, #tpu.memory_space<vmem_shared>>)
      %dma_wait3A_677 = arith.constant 3 : i32
      %dma_wait3A_678 = arith.constant 3 : i32
      %dma_wait3A_679 = arith.constant 0 : i32
      %dma_wait3A_680 = arith.constant 0 : i32
      %dma_wait3A_681 = tpu.memref_slice %arg9[%dma_wait3A_677, %dma_wait3A_679, %dma_wait3A_680] : memref<5x80x16xf32, #tpu.memory_space<vmem>> -> memref<1x80x16xf32, #tpu.memory_space<vmem>>
      %dma_wait3A_682 = tpu.memref_squeeze %dma_wait3A_681 : memref<1x80x16xf32, #tpu.memory_space<vmem>> -> memref<80x16xf32, #tpu.memory_space<vmem>>
      %dma_wait3A_683 = arith.constant 0 : i32
      %dma_wait3A_684 = tpu.memref_slice %arg8[%dma_wait3A_678, %dma_wait3A_683] : memref<5x80xi32, #tpu.memory_space<vmem>> -> memref<1x80xi32, #tpu.memory_space<vmem>>
      %dma_wait3A_685 = tpu.memref_squeeze %dma_wait3A_684 : memref<1x80xi32, #tpu.memory_space<vmem>> -> memref<80xi32, #tpu.memory_space<vmem>>
      %dma_wait3A_686 = arith.constant 0 : i32
      %dma_wait3A_687 = arith.constant 0 : i32
      %dma_wait3A_688 = tpu.memref_slice %arg12[%dma_wait3A_686, %dma_wait3A_687] : memref<10000x16xf32, #tpu.memory_space<vmem_shared>> -> memref<10000x16xf32, #tpu.memory_space<vmem_shared>>
      tpu.wait_indirect_dma semaphore(%arg15 : memref<!tpu.dma_semaphore, #tpu.memory_space<semaphore_mem>>) src(%dma_wait3A_682 : memref<80x16xf32, #tpu.memory_space<vmem>>) dst(%dma_wait3A_688 : memref<10000x16xf32, #tpu.memory_space<vmem_shared>>)
      %dma_wait3A_689 = arith.constant 3 : i32
      %dma_wait3A_690 = arith.constant 0 : i32
      %dma_wait3A_691 = tpu.memref_slice %arg7[%dma_wait3A_689, %dma_wait3A_690] : memref<5x80xi32, #tpu.memory_space<vmem>> -> memref<1x80xi32, #tpu.memory_space<vmem>>
      %dma_wait3A_692 = tpu.memref_squeeze %dma_wait3A_691 : memref<1x80xi32, #tpu.memory_space<vmem>> -> memref<80xi32, #tpu.memory_space<vmem>>
      %dma_wait3A_693 = arith.constant 0 : i32
      %dma_wait3A_694 = arith.constant 0 : i32
      %dma_wait3A_695 = tpu.memref_slice %arg13[%dma_wait3A_693, %dma_wait3A_694] : memref<10000x16xf32, #tpu.memory_space<vmem_shared>> -> memref<10000x16xf32, #tpu.memory_space<vmem_shared>>
      tpu.wait_indirect_dma semaphore(%arg15 : memref<!tpu.dma_semaphore, #tpu.memory_space<semaphore_mem>>) src(%arg10 : memref<80x16xf32, #tpu.memory_space<vmem>>) dst(%dma_wait3A_695 : memref<10000x16xf32, #tpu.memory_space<vmem_shared>>)
      %dma_wait3A_696 = arith.constant 3 : i32
      %dma_wait3A_697 = arith.constant 0 : i32
      %dma_wait3A_698 = tpu.memref_slice %arg8[%dma_wait3A_696, %dma_wait3A_697] : memref<5x80xi32, #tpu.memory_space<vmem>> -> memref<1x80xi32, #tpu.memory_space<vmem>>
      %dma_wait3A_699 = tpu.memref_squeeze %dma_wait3A_698 : memref<1x80xi32, #tpu.memory_space<vmem>> -> memref<80xi32, #tpu.memory_space<vmem>>
      %dma_wait3A_700 = arith.constant 0 : i32
      %dma_wait3A_701 = arith.constant 0 : i32
      %dma_wait3A_702 = tpu.memref_slice %arg13[%dma_wait3A_700, %dma_wait3A_701] : memref<10000x16xf32, #tpu.memory_space<vmem_shared>> -> memref<10000x16xf32, #tpu.memory_space<vmem_shared>>
      tpu.wait_indirect_dma semaphore(%arg15 : memref<!tpu.dma_semaphore, #tpu.memory_space<semaphore_mem>>) src(%arg10 : memref<80x16xf32, #tpu.memory_space<vmem>>) dst(%dma_wait3A_702 : memref<10000x16xf32, #tpu.memory_space<vmem_shared>>)
      %dma_wait3A_703 = arith.constant 4 : i32
      %dma_wait3A_704 = arith.constant 4 : i32
      %dma_wait3A_705 = arith.constant 0 : i32
      %dma_wait3A_706 = arith.constant 0 : i32
      %dma_wait3A_707 = tpu.memref_slice %arg9[%dma_wait3A_703, %dma_wait3A_705, %dma_wait3A_706] : memref<5x80x16xf32, #tpu.memory_space<vmem>> -> memref<1x80x16xf32, #tpu.memory_space<vmem>>
      %dma_wait3A_708 = tpu.memref_squeeze %dma_wait3A_707 : memref<1x80x16xf32, #tpu.memory_space<vmem>> -> memref<80x16xf32, #tpu.memory_space<vmem>>
      %dma_wait3A_709 = arith.constant 0 : i32
      %dma_wait3A_710 = tpu.memref_slice %arg7[%dma_wait3A_704, %dma_wait3A_709] : memref<5x80xi32, #tpu.memory_space<vmem>> -> memref<1x80xi32, #tpu.memory_space<vmem>>
      %dma_wait3A_711 = tpu.memref_squeeze %dma_wait3A_710 : memref<1x80xi32, #tpu.memory_space<vmem>> -> memref<80xi32, #tpu.memory_space<vmem>>
      %dma_wait3A_712 = arith.constant 0 : i32
      %dma_wait3A_713 = arith.constant 0 : i32
      %dma_wait3A_714 = tpu.memref_slice %arg12[%dma_wait3A_712, %dma_wait3A_713] : memref<10000x16xf32, #tpu.memory_space<vmem_shared>> -> memref<10000x16xf32, #tpu.memory_space<vmem_shared>>
      tpu.wait_indirect_dma semaphore(%arg15 : memref<!tpu.dma_semaphore, #tpu.memory_space<semaphore_mem>>) src(%dma_wait3A_708 : memref<80x16xf32, #tpu.memory_space<vmem>>) dst(%dma_wait3A_714 : memref<10000x16xf32, #tpu.memory_space<vmem_shared>>)
      %dma_wait3A_715 = arith.constant 4 : i32
      %dma_wait3A_716 = arith.constant 4 : i32
      %dma_wait3A_717 = arith.constant 0 : i32
      %dma_wait3A_718 = arith.constant 0 : i32
      %dma_wait3A_719 = tpu.memref_slice %arg9[%dma_wait3A_715, %dma_wait3A_717, %dma_wait3A_718] : memref<5x80x16xf32, #tpu.memory_space<vmem>> -> memref<1x80x16xf32, #tpu.memory_space<vmem>>
      %dma_wait3A_720 = tpu.memref_squeeze %dma_wait3A_719 : memref<1x80x16xf32, #tpu.memory_space<vmem>> -> memref<80x16xf32, #tpu.memory_space<vmem>>
      %dma_wait3A_721 = arith.constant 0 : i32
      %dma_wait3A_722 = tpu.memref_slice %arg8[%dma_wait3A_716, %dma_wait3A_721] : memref<5x80xi32, #tpu.memory_space<vmem>> -> memref<1x80xi32, #tpu.memory_space<vmem>>
      %dma_wait3A_723 = tpu.memref_squeeze %dma_wait3A_722 : memref<1x80xi32, #tpu.memory_space<vmem>> -> memref<80xi32, #tpu.memory_space<vmem>>
      %dma_wait3A_724 = arith.constant 0 : i32
      %dma_wait3A_725 = arith.constant 0 : i32
      %dma_wait3A_726 = tpu.memref_slice %arg12[%dma_wait3A_724, %dma_wait3A_725] : memref<10000x16xf32, #tpu.memory_space<vmem_shared>> -> memref<10000x16xf32, #tpu.memory_space<vmem_shared>>
      tpu.wait_indirect_dma semaphore(%arg15 : memref<!tpu.dma_semaphore, #tpu.memory_space<semaphore_mem>>) src(%dma_wait3A_720 : memref<80x16xf32, #tpu.memory_space<vmem>>) dst(%dma_wait3A_726 : memref<10000x16xf32, #tpu.memory_space<vmem_shared>>)
      %dma_wait3A_727 = arith.constant 4 : i32
      %dma_wait3A_728 = arith.constant 0 : i32
      %dma_wait3A_729 = tpu.memref_slice %arg7[%dma_wait3A_727, %dma_wait3A_728] : memref<5x80xi32, #tpu.memory_space<vmem>> -> memref<1x80xi32, #tpu.memory_space<vmem>>
      %dma_wait3A_730 = tpu.memref_squeeze %dma_wait3A_729 : memref<1x80xi32, #tpu.memory_space<vmem>> -> memref<80xi32, #tpu.memory_space<vmem>>
      %dma_wait3A_731 = arith.constant 0 : i32
      %dma_wait3A_732 = arith.constant 0 : i32
      %dma_wait3A_733 = tpu.memref_slice %arg13[%dma_wait3A_731, %dma_wait3A_732] : memref<10000x16xf32, #tpu.memory_space<vmem_shared>> -> memref<10000x16xf32, #tpu.memory_space<vmem_shared>>
      tpu.wait_indirect_dma semaphore(%arg15 : memref<!tpu.dma_semaphore, #tpu.memory_space<semaphore_mem>>) src(%arg10 : memref<80x16xf32, #tpu.memory_space<vmem>>) dst(%dma_wait3A_733 : memref<10000x16xf32, #tpu.memory_space<vmem_shared>>)
      %dma_wait3A_734 = arith.constant 4 : i32
      %dma_wait3A_735 = arith.constant 0 : i32
      %dma_wait3A_736 = tpu.memref_slice %arg8[%dma_wait3A_734, %dma_wait3A_735] : memref<5x80xi32, #tpu.memory_space<vmem>> -> memref<1x80xi32, #tpu.memory_space<vmem>>
      %dma_wait3A_737 = tpu.memref_squeeze %dma_wait3A_736 : memref<1x80xi32, #tpu.memory_space<vmem>> -> memref<80xi32, #tpu.memory_space<vmem>>
      %dma_wait3A_738 = arith.constant 0 : i32
      %dma_wait3A_739 = arith.constant 0 : i32
      %dma_wait3A_740 = tpu.memref_slice %arg13[%dma_wait3A_738, %dma_wait3A_739] : memref<10000x16xf32, #tpu.memory_space<vmem_shared>> -> memref<10000x16xf32, #tpu.memory_space<vmem_shared>>
      tpu.wait_indirect_dma semaphore(%arg15 : memref<!tpu.dma_semaphore, #tpu.memory_space<semaphore_mem>>) src(%arg10 : memref<80x16xf32, #tpu.memory_space<vmem>>) dst(%dma_wait3A_740 : memref<10000x16xf32, #tpu.memory_space<vmem_shared>>)
    }
    %scan3A_23 = arith.constant 25 : i32
    %barrier3A_24 = arith.constant 0 : index
    tpu.barrier barrier_id(%barrier3A_24)
    %mul3A_25 = arith.constant 625 : i32
    %mul3A_26 = arith.muli %arg1, %mul3A_25 : i32
    "tpu.region"() ({
      %run_scoped3A = tpu.sem_alloc : memref<!tpu.dma_semaphore, #tpu.memory_space<semaphore_mem>>
      %dma_start3A = arith.constant 0 : i32
      %dma_start3A_39 = tpu.memref_slice %arg12[%mul3A_26, %dma_start3A] : memref<10000x16xf32, #tpu.memory_space<vmem_shared>> -> memref<625x16xf32, #tpu.memory_space<vmem_shared>>
      %dma_start3A_40 = arith.constant 0 : i32
      %dma_start3A_41 = tpu.memref_slice %arg12[%mul3A_26, %dma_start3A_40] : memref<10000x16xf32, #tpu.memory_space<vmem_shared>> -> memref<625x16xf32, #tpu.memory_space<vmem_shared>>
      tpu.enqueue_dma source(%dma_start3A_41 : memref<625x16xf32, #tpu.memory_space<vmem_shared>>) target(%arg11 : memref<625x16xf32, #tpu.memory_space<vmem>>) target_semaphore(%run_scoped3A : memref<!tpu.dma_semaphore, #tpu.memory_space<semaphore_mem>>)
      %dma_wait3A = arith.constant 0 : i32
      %dma_wait3A_42 = tpu.memref_slice %arg12[%mul3A_26, %dma_wait3A] : memref<10000x16xf32, #tpu.memory_space<vmem_shared>> -> memref<625x16xf32, #tpu.memory_space<vmem_shared>>
      %dma_wait3A_43 = arith.constant 0 : i32
      %dma_wait3A_44 = tpu.memref_slice %arg12[%mul3A_26, %dma_wait3A_43] : memref<10000x16xf32, #tpu.memory_space<vmem_shared>> -> memref<625x16xf32, #tpu.memory_space<vmem_shared>>
      tpu.wait_dma2 semaphore(%run_scoped3A : memref<!tpu.dma_semaphore, #tpu.memory_space<semaphore_mem>>) src(%dma_wait3A_44 : memref<625x16xf32, #tpu.memory_space<vmem_shared>>) dst(%arg11 : memref<625x16xf32, #tpu.memory_space<vmem>>)
      tpu.yield
    }) : () -> ()
    %mul3A_27 = arith.constant 10000 : i32
    %mul3A_28 = arith.muli %arg0, %mul3A_27 : i32
    %mul3A_29 = arith.constant 625 : i32
    %mul3A_30 = arith.muli %arg1, %mul3A_29 : i32
    %add3A_31 = arith.addi %mul3A_28, %mul3A_30 : i32
    "tpu.region"() ({
      %run_scoped3A = tpu.sem_alloc : memref<!tpu.dma_semaphore, #tpu.memory_space<semaphore_mem>>
      %dma_start3A = arith.constant 0 : i32
      %dma_start3A_39 = tpu.memref_slice %arg5[%add3A_31, %dma_start3A] : memref<20000x16xf32, #tpu.memory_space<hbm>> -> memref<625x16xf32, #tpu.memory_space<hbm>>
      %dma_start3A_40 = arith.constant 0 : i32
      %dma_start3A_41 = tpu.memref_slice %arg5[%add3A_31, %dma_start3A_40] : memref<20000x16xf32, #tpu.memory_space<hbm>> -> memref<625x16xf32, #tpu.memory_space<hbm>>
      tpu.enqueue_dma source(%arg11 : memref<625x16xf32, #tpu.memory_space<vmem>>) target(%dma_start3A_41 : memref<625x16xf32, #tpu.memory_space<hbm>>) target_semaphore(%run_scoped3A : memref<!tpu.dma_semaphore, #tpu.memory_space<semaphore_mem>>)
      %dma_wait3A = arith.constant 0 : i32
      %dma_wait3A_42 = tpu.memref_slice %arg5[%add3A_31, %dma_wait3A] : memref<20000x16xf32, #tpu.memory_space<hbm>> -> memref<625x16xf32, #tpu.memory_space<hbm>>
      %dma_wait3A_43 = arith.constant 0 : i32
      %dma_wait3A_44 = tpu.memref_slice %arg5[%add3A_31, %dma_wait3A_43] : memref<20000x16xf32, #tpu.memory_space<hbm>> -> memref<625x16xf32, #tpu.memory_space<hbm>>
      tpu.wait_dma2 semaphore(%run_scoped3A : memref<!tpu.dma_semaphore, #tpu.memory_space<semaphore_mem>>) src(%arg11 : memref<625x16xf32, #tpu.memory_space<vmem>>) dst(%dma_wait3A_44 : memref<625x16xf32, #tpu.memory_space<hbm>>)
      tpu.yield
    }) : () -> ()
    %mul3A_32 = arith.constant 625 : i32
    %mul3A_33 = arith.muli %arg1, %mul3A_32 : i32
    "tpu.region"() ({
      %run_scoped3A = tpu.sem_alloc : memref<!tpu.dma_semaphore, #tpu.memory_space<semaphore_mem>>
      %dma_start3A = arith.constant 0 : i32
      %dma_start3A_39 = tpu.memref_slice %arg13[%mul3A_33, %dma_start3A] : memref<10000x16xf32, #tpu.memory_space<vmem_shared>> -> memref<625x16xf32, #tpu.memory_space<vmem_shared>>
      %dma_start3A_40 = arith.constant 0 : i32
      %dma_start3A_41 = tpu.memref_slice %arg13[%mul3A_33, %dma_start3A_40] : memref<10000x16xf32, #tpu.memory_space<vmem_shared>> -> memref<625x16xf32, #tpu.memory_space<vmem_shared>>
      tpu.enqueue_dma source(%dma_start3A_41 : memref<625x16xf32, #tpu.memory_space<vmem_shared>>) target(%arg11 : memref<625x16xf32, #tpu.memory_space<vmem>>) target_semaphore(%run_scoped3A : memref<!tpu.dma_semaphore, #tpu.memory_space<semaphore_mem>>)
      %dma_wait3A = arith.constant 0 : i32
      %dma_wait3A_42 = tpu.memref_slice %arg13[%mul3A_33, %dma_wait3A] : memref<10000x16xf32, #tpu.memory_space<vmem_shared>> -> memref<625x16xf32, #tpu.memory_space<vmem_shared>>
      %dma_wait3A_43 = arith.constant 0 : i32
      %dma_wait3A_44 = tpu.memref_slice %arg13[%mul3A_33, %dma_wait3A_43] : memref<10000x16xf32, #tpu.memory_space<vmem_shared>> -> memref<625x16xf32, #tpu.memory_space<vmem_shared>>
      tpu.wait_dma2 semaphore(%run_scoped3A : memref<!tpu.dma_semaphore, #tpu.memory_space<semaphore_mem>>) src(%dma_wait3A_44 : memref<625x16xf32, #tpu.memory_space<vmem_shared>>) dst(%arg11 : memref<625x16xf32, #tpu.memory_space<vmem>>)
      tpu.yield
    }) : () -> ()
    %mul3A_34 = arith.constant 10000 : i32
    %mul3A_35 = arith.muli %arg0, %mul3A_34 : i32
    %mul3A_36 = arith.constant 625 : i32
    %mul3A_37 = arith.muli %arg1, %mul3A_36 : i32
    %add3A_38 = arith.addi %mul3A_35, %mul3A_37 : i32
    "tpu.region"() ({
      %run_scoped3A = tpu.sem_alloc : memref<!tpu.dma_semaphore, #tpu.memory_space<semaphore_mem>>
      %dma_start3A = arith.constant 0 : i32
      %dma_start3A_39 = tpu.memref_slice %arg6[%add3A_38, %dma_start3A] : memref<20000x16xf32, #tpu.memory_space<hbm>> -> memref<625x16xf32, #tpu.memory_space<hbm>>
      %dma_start3A_40 = arith.constant 0 : i32
      %dma_start3A_41 = tpu.memref_slice %arg6[%add3A_38, %dma_start3A_40] : memref<20000x16xf32, #tpu.memory_space<hbm>> -> memref<625x16xf32, #tpu.memory_space<hbm>>
      tpu.enqueue_dma source(%arg11 : memref<625x16xf32, #tpu.memory_space<vmem>>) target(%dma_start3A_41 : memref<625x16xf32, #tpu.memory_space<hbm>>) target_semaphore(%run_scoped3A : memref<!tpu.dma_semaphore, #tpu.memory_space<semaphore_mem>>)
      %dma_wait3A = arith.constant 0 : i32
      %dma_wait3A_42 = tpu.memref_slice %arg6[%add3A_38, %dma_wait3A] : memref<20000x16xf32, #tpu.memory_space<hbm>> -> memref<625x16xf32, #tpu.memory_space<hbm>>
      %dma_wait3A_43 = arith.constant 0 : i32
      %dma_wait3A_44 = tpu.memref_slice %arg6[%add3A_38, %dma_wait3A_43] : memref<20000x16xf32, #tpu.memory_space<hbm>> -> memref<625x16xf32, #tpu.memory_space<hbm>>
      tpu.wait_dma2 semaphore(%run_scoped3A : memref<!tpu.dma_semaphore, #tpu.memory_space<semaphore_mem>>) src(%arg11 : memref<625x16xf32, #tpu.memory_space<vmem>>) dst(%dma_wait3A_44 : memref<625x16xf32, #tpu.memory_space<hbm>>)
      tpu.yield
    }) : () -> ()
    return
  }
}

#map = affine_map<(d0, d1) -> (0, 0)>
#map1 = affine_map<(d0, d1) -> (0)>
module attributes {stable_mosaic.version = 14 : i64} {
  func.func @sc_gather(%arg0: i32, %arg1: i32, %arg2: memref<10000x16xf32, #tpu.memory_space<hbm>>, %arg3: memref<10000x16xf32, #tpu.memory_space<hbm>>, %arg4: memref<320000xi32, #tpu.memory_space<hbm>>, %arg5: memref<320000xi32, #tpu.memory_space<hbm>>, %arg6: memref<320000x16xf32, #tpu.memory_space<hbm>>, %arg7: memref<5x80xi32, #tpu.memory_space<vmem>>, %arg8: memref<5x80xi32, #tpu.memory_space<vmem>>, %arg9: memref<5x80x16xf32, #tpu.memory_space<vmem>>, %arg10: memref<!tpu.dma_semaphore, #tpu.memory_space<semaphore_mem>>, %arg11: memref<!tpu.dma_semaphore, #tpu.memory_space<semaphore_mem>>, %arg12: memref<!tpu.dma_semaphore, #tpu.memory_space<semaphore_mem>>) attributes {dimension_semantics = [#tpu.dimension_semantics<core_parallel>, #tpu.dimension_semantics<subcore_parallel>], iteration_bounds = array<i64: 2, 16>, scalar_prefetch = 0 : i64, scratch_operands = 6 : i64, tpu.core_type = #tpu.core_type<sc_vector_subcore>, window_params = [{transform_indices = #map}, {transform_indices = #map}, {transform_indices = #map1}, {transform_indices = #map1}, {transform_indices = #map}]} {
    %mul3A = arith.constant 2 : i32
    %mul3A_0 = arith.muli %arg1, %mul3A : i32
    %add3A = arith.addi %mul3A_0, %arg0 : i32
    %mul3A_1 = arith.constant 10000 : i32
    %mul3A_2 = arith.muli %add3A, %mul3A_1 : i32
    %scan3A = arith.constant 0 : i32
    %scan3A_3 = arith.constant 0 : i32
    %scan3A_4 = arith.constant 25 : i32
    %scan3A_5 = arith.addi %scan3A_3, %scan3A_4 : i32
    %scan3A_6 = arith.constant 1 : i32
    scf.for %scan3A_8 = %scan3A_3 to %scan3A_5 step %scan3A_6  : i32 {
      %mul3A_9 = arith.constant 400 : i32
      %mul3A_10 = arith.muli %scan3A_8, %mul3A_9 : i32
      %add3A_11 = arith.addi %mul3A_2, %mul3A_10 : i32
      %add3A_12 = arith.constant 0 : i32
      %add3A_13 = arith.addi %add3A_11, %add3A_12 : i32
      %dma_start3A = arith.constant 0 : i32
      %dma_start3A_14 = arith.constant 0 : i32
      %dma_start3A_15 = tpu.memref_slice %arg7[%dma_start3A, %dma_start3A_14] : memref<5x80xi32, #tpu.memory_space<vmem>> -> memref<1x80xi32, #tpu.memory_space<vmem>>
      %dma_start3A_16 = tpu.memref_squeeze %dma_start3A_15 : memref<1x80xi32, #tpu.memory_space<vmem>> -> memref<80xi32, #tpu.memory_space<vmem>>
      %dma_start3A_17 = tpu.memref_slice %arg4[%add3A_13] : memref<320000xi32, #tpu.memory_space<hbm>> -> memref<80xi32, #tpu.memory_space<hbm>>
      %dma_start3A_18 = arith.constant 0 : i32
      %dma_start3A_19 = tpu.memref_slice %arg7[%dma_start3A, %dma_start3A_18] : memref<5x80xi32, #tpu.memory_space<vmem>> -> memref<1x80xi32, #tpu.memory_space<vmem>>
      %dma_start3A_20 = tpu.memref_squeeze %dma_start3A_19 : memref<1x80xi32, #tpu.memory_space<vmem>> -> memref<80xi32, #tpu.memory_space<vmem>>
      %dma_start3A_21 = tpu.memref_slice %arg4[%add3A_13] : memref<320000xi32, #tpu.memory_space<hbm>> -> memref<80xi32, #tpu.memory_space<hbm>>
      tpu.enqueue_dma source(%dma_start3A_21 : memref<80xi32, #tpu.memory_space<hbm>>) target(%dma_start3A_20 : memref<80xi32, #tpu.memory_space<vmem>>) target_semaphore(%arg10 : memref<!tpu.dma_semaphore, #tpu.memory_space<semaphore_mem>>)
      %dma_start3A_22 = arith.constant 0 : i32
      %dma_start3A_23 = arith.constant 0 : i32
      %dma_start3A_24 = tpu.memref_slice %arg8[%dma_start3A_22, %dma_start3A_23] : memref<5x80xi32, #tpu.memory_space<vmem>> -> memref<1x80xi32, #tpu.memory_space<vmem>>
      %dma_start3A_25 = tpu.memref_squeeze %dma_start3A_24 : memref<1x80xi32, #tpu.memory_space<vmem>> -> memref<80xi32, #tpu.memory_space<vmem>>
      %dma_start3A_26 = tpu.memref_slice %arg5[%add3A_13] : memref<320000xi32, #tpu.memory_space<hbm>> -> memref<80xi32, #tpu.memory_space<hbm>>
      %dma_start3A_27 = arith.constant 0 : i32
      %dma_start3A_28 = tpu.memref_slice %arg8[%dma_start3A_22, %dma_start3A_27] : memref<5x80xi32, #tpu.memory_space<vmem>> -> memref<1x80xi32, #tpu.memory_space<vmem>>
      %dma_start3A_29 = tpu.memref_squeeze %dma_start3A_28 : memref<1x80xi32, #tpu.memory_space<vmem>> -> memref<80xi32, #tpu.memory_space<vmem>>
      %dma_start3A_30 = tpu.memref_slice %arg5[%add3A_13] : memref<320000xi32, #tpu.memory_space<hbm>> -> memref<80xi32, #tpu.memory_space<hbm>>
      tpu.enqueue_dma source(%dma_start3A_30 : memref<80xi32, #tpu.memory_space<hbm>>) target(%dma_start3A_29 : memref<80xi32, #tpu.memory_space<vmem>>) target_semaphore(%arg10 : memref<!tpu.dma_semaphore, #tpu.memory_space<semaphore_mem>>)
      %add3A_31 = arith.constant 80 : i32
      %add3A_32 = arith.addi %add3A_11, %add3A_31 : i32
      %dma_start3A_33 = arith.constant 1 : i32
      %dma_start3A_34 = arith.constant 0 : i32
      %dma_start3A_35 = tpu.memref_slice %arg7[%dma_start3A_33, %dma_start3A_34] : memref<5x80xi32, #tpu.memory_space<vmem>> -> memref<1x80xi32, #tpu.memory_space<vmem>>
      %dma_start3A_36 = tpu.memref_squeeze %dma_start3A_35 : memref<1x80xi32, #tpu.memory_space<vmem>> -> memref<80xi32, #tpu.memory_space<vmem>>
      %dma_start3A_37 = tpu.memref_slice %arg4[%add3A_32] : memref<320000xi32, #tpu.memory_space<hbm>> -> memref<80xi32, #tpu.memory_space<hbm>>
      %dma_start3A_38 = arith.constant 0 : i32
      %dma_start3A_39 = tpu.memref_slice %arg7[%dma_start3A_33, %dma_start3A_38] : memref<5x80xi32, #tpu.memory_space<vmem>> -> memref<1x80xi32, #tpu.memory_space<vmem>>
      %dma_start3A_40 = tpu.memref_squeeze %dma_start3A_39 : memref<1x80xi32, #tpu.memory_space<vmem>> -> memref<80xi32, #tpu.memory_space<vmem>>
      %dma_start3A_41 = tpu.memref_slice %arg4[%add3A_32] : memref<320000xi32, #tpu.memory_space<hbm>> -> memref<80xi32, #tpu.memory_space<hbm>>
      tpu.enqueue_dma source(%dma_start3A_41 : memref<80xi32, #tpu.memory_space<hbm>>) target(%dma_start3A_40 : memref<80xi32, #tpu.memory_space<vmem>>) target_semaphore(%arg10 : memref<!tpu.dma_semaphore, #tpu.memory_space<semaphore_mem>>)
      %dma_start3A_42 = arith.constant 1 : i32
      %dma_start3A_43 = arith.constant 0 : i32
      %dma_start3A_44 = tpu.memref_slice %arg8[%dma_start3A_42, %dma_start3A_43] : memref<5x80xi32, #tpu.memory_space<vmem>> -> memref<1x80xi32, #tpu.memory_space<vmem>>
      %dma_start3A_45 = tpu.memref_squeeze %dma_start3A_44 : memref<1x80xi32, #tpu.memory_space<vmem>> -> memref<80xi32, #tpu.memory_space<vmem>>
      %dma_start3A_46 = tpu.memref_slice %arg5[%add3A_32] : memref<320000xi32, #tpu.memory_space<hbm>> -> memref<80xi32, #tpu.memory_space<hbm>>
      %dma_start3A_47 = arith.constant 0 : i32
      %dma_start3A_48 = tpu.memref_slice %arg8[%dma_start3A_42, %dma_start3A_47] : memref<5x80xi32, #tpu.memory_space<vmem>> -> memref<1x80xi32, #tpu.memory_space<vmem>>
      %dma_start3A_49 = tpu.memref_squeeze %dma_start3A_48 : memref<1x80xi32, #tpu.memory_space<vmem>> -> memref<80xi32, #tpu.memory_space<vmem>>
      %dma_start3A_50 = tpu.memref_slice %arg5[%add3A_32] : memref<320000xi32, #tpu.memory_space<hbm>> -> memref<80xi32, #tpu.memory_space<hbm>>
      tpu.enqueue_dma source(%dma_start3A_50 : memref<80xi32, #tpu.memory_space<hbm>>) target(%dma_start3A_49 : memref<80xi32, #tpu.memory_space<vmem>>) target_semaphore(%arg10 : memref<!tpu.dma_semaphore, #tpu.memory_space<semaphore_mem>>)
      %add3A_51 = arith.constant 160 : i32
      %add3A_52 = arith.addi %add3A_11, %add3A_51 : i32
      %dma_start3A_53 = arith.constant 2 : i32
      %dma_start3A_54 = arith.constant 0 : i32
      %dma_start3A_55 = tpu.memref_slice %arg7[%dma_start3A_53, %dma_start3A_54] : memref<5x80xi32, #tpu.memory_space<vmem>> -> memref<1x80xi32, #tpu.memory_space<vmem>>
      %dma_start3A_56 = tpu.memref_squeeze %dma_start3A_55 : memref<1x80xi32, #tpu.memory_space<vmem>> -> memref<80xi32, #tpu.memory_space<vmem>>
      %dma_start3A_57 = tpu.memref_slice %arg4[%add3A_52] : memref<320000xi32, #tpu.memory_space<hbm>> -> memref<80xi32, #tpu.memory_space<hbm>>
      %dma_start3A_58 = arith.constant 0 : i32
      %dma_start3A_59 = tpu.memref_slice %arg7[%dma_start3A_53, %dma_start3A_58] : memref<5x80xi32, #tpu.memory_space<vmem>> -> memref<1x80xi32, #tpu.memory_space<vmem>>
      %dma_start3A_60 = tpu.memref_squeeze %dma_start3A_59 : memref<1x80xi32, #tpu.memory_space<vmem>> -> memref<80xi32, #tpu.memory_space<vmem>>
      %dma_start3A_61 = tpu.memref_slice %arg4[%add3A_52] : memref<320000xi32, #tpu.memory_space<hbm>> -> memref<80xi32, #tpu.memory_space<hbm>>
      tpu.enqueue_dma source(%dma_start3A_61 : memref<80xi32, #tpu.memory_space<hbm>>) target(%dma_start3A_60 : memref<80xi32, #tpu.memory_space<vmem>>) target_semaphore(%arg10 : memref<!tpu.dma_semaphore, #tpu.memory_space<semaphore_mem>>)
      %dma_start3A_62 = arith.constant 2 : i32
      %dma_start3A_63 = arith.constant 0 : i32
      %dma_start3A_64 = tpu.memref_slice %arg8[%dma_start3A_62, %dma_start3A_63] : memref<5x80xi32, #tpu.memory_space<vmem>> -> memref<1x80xi32, #tpu.memory_space<vmem>>
      %dma_start3A_65 = tpu.memref_squeeze %dma_start3A_64 : memref<1x80xi32, #tpu.memory_space<vmem>> -> memref<80xi32, #tpu.memory_space<vmem>>
      %dma_start3A_66 = tpu.memref_slice %arg5[%add3A_52] : memref<320000xi32, #tpu.memory_space<hbm>> -> memref<80xi32, #tpu.memory_space<hbm>>
      %dma_start3A_67 = arith.constant 0 : i32
      %dma_start3A_68 = tpu.memref_slice %arg8[%dma_start3A_62, %dma_start3A_67] : memref<5x80xi32, #tpu.memory_space<vmem>> -> memref<1x80xi32, #tpu.memory_space<vmem>>
      %dma_start3A_69 = tpu.memref_squeeze %dma_start3A_68 : memref<1x80xi32, #tpu.memory_space<vmem>> -> memref<80xi32, #tpu.memory_space<vmem>>
      %dma_start3A_70 = tpu.memref_slice %arg5[%add3A_52] : memref<320000xi32, #tpu.memory_space<hbm>> -> memref<80xi32, #tpu.memory_space<hbm>>
      tpu.enqueue_dma source(%dma_start3A_70 : memref<80xi32, #tpu.memory_space<hbm>>) target(%dma_start3A_69 : memref<80xi32, #tpu.memory_space<vmem>>) target_semaphore(%arg10 : memref<!tpu.dma_semaphore, #tpu.memory_space<semaphore_mem>>)
      %add3A_71 = arith.constant 240 : i32
      %add3A_72 = arith.addi %add3A_11, %add3A_71 : i32
      %dma_start3A_73 = arith.constant 3 : i32
      %dma_start3A_74 = arith.constant 0 : i32
      %dma_start3A_75 = tpu.memref_slice %arg7[%dma_start3A_73, %dma_start3A_74] : memref<5x80xi32, #tpu.memory_space<vmem>> -> memref<1x80xi32, #tpu.memory_space<vmem>>
      %dma_start3A_76 = tpu.memref_squeeze %dma_start3A_75 : memref<1x80xi32, #tpu.memory_space<vmem>> -> memref<80xi32, #tpu.memory_space<vmem>>
      %dma_start3A_77 = tpu.memref_slice %arg4[%add3A_72] : memref<320000xi32, #tpu.memory_space<hbm>> -> memref<80xi32, #tpu.memory_space<hbm>>
      %dma_start3A_78 = arith.constant 0 : i32
      %dma_start3A_79 = tpu.memref_slice %arg7[%dma_start3A_73, %dma_start3A_78] : memref<5x80xi32, #tpu.memory_space<vmem>> -> memref<1x80xi32, #tpu.memory_space<vmem>>
      %dma_start3A_80 = tpu.memref_squeeze %dma_start3A_79 : memref<1x80xi32, #tpu.memory_space<vmem>> -> memref<80xi32, #tpu.memory_space<vmem>>
      %dma_start3A_81 = tpu.memref_slice %arg4[%add3A_72] : memref<320000xi32, #tpu.memory_space<hbm>> -> memref<80xi32, #tpu.memory_space<hbm>>
      tpu.enqueue_dma source(%dma_start3A_81 : memref<80xi32, #tpu.memory_space<hbm>>) target(%dma_start3A_80 : memref<80xi32, #tpu.memory_space<vmem>>) target_semaphore(%arg10 : memref<!tpu.dma_semaphore, #tpu.memory_space<semaphore_mem>>)
      %dma_start3A_82 = arith.constant 3 : i32
      %dma_start3A_83 = arith.constant 0 : i32
      %dma_start3A_84 = tpu.memref_slice %arg8[%dma_start3A_82, %dma_start3A_83] : memref<5x80xi32, #tpu.memory_space<vmem>> -> memref<1x80xi32, #tpu.memory_space<vmem>>
      %dma_start3A_85 = tpu.memref_squeeze %dma_start3A_84 : memref<1x80xi32, #tpu.memory_space<vmem>> -> memref<80xi32, #tpu.memory_space<vmem>>
      %dma_start3A_86 = tpu.memref_slice %arg5[%add3A_72] : memref<320000xi32, #tpu.memory_space<hbm>> -> memref<80xi32, #tpu.memory_space<hbm>>
      %dma_start3A_87 = arith.constant 0 : i32
      %dma_start3A_88 = tpu.memref_slice %arg8[%dma_start3A_82, %dma_start3A_87] : memref<5x80xi32, #tpu.memory_space<vmem>> -> memref<1x80xi32, #tpu.memory_space<vmem>>
      %dma_start3A_89 = tpu.memref_squeeze %dma_start3A_88 : memref<1x80xi32, #tpu.memory_space<vmem>> -> memref<80xi32, #tpu.memory_space<vmem>>
      %dma_start3A_90 = tpu.memref_slice %arg5[%add3A_72] : memref<320000xi32, #tpu.memory_space<hbm>> -> memref<80xi32, #tpu.memory_space<hbm>>
      tpu.enqueue_dma source(%dma_start3A_90 : memref<80xi32, #tpu.memory_space<hbm>>) target(%dma_start3A_89 : memref<80xi32, #tpu.memory_space<vmem>>) target_semaphore(%arg10 : memref<!tpu.dma_semaphore, #tpu.memory_space<semaphore_mem>>)
      %add3A_91 = arith.constant 320 : i32
      %add3A_92 = arith.addi %add3A_11, %add3A_91 : i32
      %dma_start3A_93 = arith.constant 4 : i32
      %dma_start3A_94 = arith.constant 0 : i32
      %dma_start3A_95 = tpu.memref_slice %arg7[%dma_start3A_93, %dma_start3A_94] : memref<5x80xi32, #tpu.memory_space<vmem>> -> memref<1x80xi32, #tpu.memory_space<vmem>>
      %dma_start3A_96 = tpu.memref_squeeze %dma_start3A_95 : memref<1x80xi32, #tpu.memory_space<vmem>> -> memref<80xi32, #tpu.memory_space<vmem>>
      %dma_start3A_97 = tpu.memref_slice %arg4[%add3A_92] : memref<320000xi32, #tpu.memory_space<hbm>> -> memref<80xi32, #tpu.memory_space<hbm>>
      %dma_start3A_98 = arith.constant 0 : i32
      %dma_start3A_99 = tpu.memref_slice %arg7[%dma_start3A_93, %dma_start3A_98] : memref<5x80xi32, #tpu.memory_space<vmem>> -> memref<1x80xi32, #tpu.memory_space<vmem>>
      %dma_start3A_100 = tpu.memref_squeeze %dma_start3A_99 : memref<1x80xi32, #tpu.memory_space<vmem>> -> memref<80xi32, #tpu.memory_space<vmem>>
      %dma_start3A_101 = tpu.memref_slice %arg4[%add3A_92] : memref<320000xi32, #tpu.memory_space<hbm>> -> memref<80xi32, #tpu.memory_space<hbm>>
      tpu.enqueue_dma source(%dma_start3A_101 : memref<80xi32, #tpu.memory_space<hbm>>) target(%dma_start3A_100 : memref<80xi32, #tpu.memory_space<vmem>>) target_semaphore(%arg10 : memref<!tpu.dma_semaphore, #tpu.memory_space<semaphore_mem>>)
      %dma_start3A_102 = arith.constant 4 : i32
      %dma_start3A_103 = arith.constant 0 : i32
      %dma_start3A_104 = tpu.memref_slice %arg8[%dma_start3A_102, %dma_start3A_103] : memref<5x80xi32, #tpu.memory_space<vmem>> -> memref<1x80xi32, #tpu.memory_space<vmem>>
      %dma_start3A_105 = tpu.memref_squeeze %dma_start3A_104 : memref<1x80xi32, #tpu.memory_space<vmem>> -> memref<80xi32, #tpu.memory_space<vmem>>
      %dma_start3A_106 = tpu.memref_slice %arg5[%add3A_92] : memref<320000xi32, #tpu.memory_space<hbm>> -> memref<80xi32, #tpu.memory_space<hbm>>
      %dma_start3A_107 = arith.constant 0 : i32
      %dma_start3A_108 = tpu.memref_slice %arg8[%dma_start3A_102, %dma_start3A_107] : memref<5x80xi32, #tpu.memory_space<vmem>> -> memref<1x80xi32, #tpu.memory_space<vmem>>
      %dma_start3A_109 = tpu.memref_squeeze %dma_start3A_108 : memref<1x80xi32, #tpu.memory_space<vmem>> -> memref<80xi32, #tpu.memory_space<vmem>>
      %dma_start3A_110 = tpu.memref_slice %arg5[%add3A_92] : memref<320000xi32, #tpu.memory_space<hbm>> -> memref<80xi32, #tpu.memory_space<hbm>>
      tpu.enqueue_dma source(%dma_start3A_110 : memref<80xi32, #tpu.memory_space<hbm>>) target(%dma_start3A_109 : memref<80xi32, #tpu.memory_space<vmem>>) target_semaphore(%arg10 : memref<!tpu.dma_semaphore, #tpu.memory_space<semaphore_mem>>)
      %dma_wait3A = arith.constant 0 : i32
      %dma_wait3A_111 = arith.constant 0 : i32
      %dma_wait3A_112 = tpu.memref_slice %arg7[%dma_wait3A, %dma_wait3A_111] : memref<5x80xi32, #tpu.memory_space<vmem>> -> memref<1x80xi32, #tpu.memory_space<vmem>>
      %dma_wait3A_113 = tpu.memref_squeeze %dma_wait3A_112 : memref<1x80xi32, #tpu.memory_space<vmem>> -> memref<80xi32, #tpu.memory_space<vmem>>
      %dma_wait3A_114 = tpu.memref_slice %arg4[%add3A_13] : memref<320000xi32, #tpu.memory_space<hbm>> -> memref<80xi32, #tpu.memory_space<hbm>>
      %dma_wait3A_115 = arith.constant 0 : i32
      %dma_wait3A_116 = tpu.memref_slice %arg7[%dma_wait3A, %dma_wait3A_115] : memref<5x80xi32, #tpu.memory_space<vmem>> -> memref<1x80xi32, #tpu.memory_space<vmem>>
      %dma_wait3A_117 = tpu.memref_squeeze %dma_wait3A_116 : memref<1x80xi32, #tpu.memory_space<vmem>> -> memref<80xi32, #tpu.memory_space<vmem>>
      %dma_wait3A_118 = tpu.memref_slice %arg4[%add3A_13] : memref<320000xi32, #tpu.memory_space<hbm>> -> memref<80xi32, #tpu.memory_space<hbm>>
      tpu.wait_dma2 semaphore(%arg10 : memref<!tpu.dma_semaphore, #tpu.memory_space<semaphore_mem>>) src(%dma_wait3A_118 : memref<80xi32, #tpu.memory_space<hbm>>) dst(%dma_wait3A_117 : memref<80xi32, #tpu.memory_space<vmem>>)
      %dma_wait3A_119 = arith.constant 0 : i32
      %dma_wait3A_120 = arith.constant 0 : i32
      %dma_wait3A_121 = tpu.memref_slice %arg8[%dma_wait3A_119, %dma_wait3A_120] : memref<5x80xi32, #tpu.memory_space<vmem>> -> memref<1x80xi32, #tpu.memory_space<vmem>>
      %dma_wait3A_122 = tpu.memref_squeeze %dma_wait3A_121 : memref<1x80xi32, #tpu.memory_space<vmem>> -> memref<80xi32, #tpu.memory_space<vmem>>
      %dma_wait3A_123 = tpu.memref_slice %arg5[%add3A_13] : memref<320000xi32, #tpu.memory_space<hbm>> -> memref<80xi32, #tpu.memory_space<hbm>>
      %dma_wait3A_124 = arith.constant 0 : i32
      %dma_wait3A_125 = tpu.memref_slice %arg8[%dma_wait3A_119, %dma_wait3A_124] : memref<5x80xi32, #tpu.memory_space<vmem>> -> memref<1x80xi32, #tpu.memory_space<vmem>>
      %dma_wait3A_126 = tpu.memref_squeeze %dma_wait3A_125 : memref<1x80xi32, #tpu.memory_space<vmem>> -> memref<80xi32, #tpu.memory_space<vmem>>
      %dma_wait3A_127 = tpu.memref_slice %arg5[%add3A_13] : memref<320000xi32, #tpu.memory_space<hbm>> -> memref<80xi32, #tpu.memory_space<hbm>>
      tpu.wait_dma2 semaphore(%arg10 : memref<!tpu.dma_semaphore, #tpu.memory_space<semaphore_mem>>) src(%dma_wait3A_127 : memref<80xi32, #tpu.memory_space<hbm>>) dst(%dma_wait3A_126 : memref<80xi32, #tpu.memory_space<vmem>>)
      %dma_wait3A_128 = arith.constant 1 : i32
      %dma_wait3A_129 = arith.constant 0 : i32
      %dma_wait3A_130 = tpu.memref_slice %arg7[%dma_wait3A_128, %dma_wait3A_129] : memref<5x80xi32, #tpu.memory_space<vmem>> -> memref<1x80xi32, #tpu.memory_space<vmem>>
      %dma_wait3A_131 = tpu.memref_squeeze %dma_wait3A_130 : memref<1x80xi32, #tpu.memory_space<vmem>> -> memref<80xi32, #tpu.memory_space<vmem>>
      %dma_wait3A_132 = tpu.memref_slice %arg4[%add3A_32] : memref<320000xi32, #tpu.memory_space<hbm>> -> memref<80xi32, #tpu.memory_space<hbm>>
      %dma_wait3A_133 = arith.constant 0 : i32
      %dma_wait3A_134 = tpu.memref_slice %arg7[%dma_wait3A_128, %dma_wait3A_133] : memref<5x80xi32, #tpu.memory_space<vmem>> -> memref<1x80xi32, #tpu.memory_space<vmem>>
      %dma_wait3A_135 = tpu.memref_squeeze %dma_wait3A_134 : memref<1x80xi32, #tpu.memory_space<vmem>> -> memref<80xi32, #tpu.memory_space<vmem>>
      %dma_wait3A_136 = tpu.memref_slice %arg4[%add3A_32] : memref<320000xi32, #tpu.memory_space<hbm>> -> memref<80xi32, #tpu.memory_space<hbm>>
      tpu.wait_dma2 semaphore(%arg10 : memref<!tpu.dma_semaphore, #tpu.memory_space<semaphore_mem>>) src(%dma_wait3A_136 : memref<80xi32, #tpu.memory_space<hbm>>) dst(%dma_wait3A_135 : memref<80xi32, #tpu.memory_space<vmem>>)
      %dma_wait3A_137 = arith.constant 1 : i32
      %dma_wait3A_138 = arith.constant 0 : i32
      %dma_wait3A_139 = tpu.memref_slice %arg8[%dma_wait3A_137, %dma_wait3A_138] : memref<5x80xi32, #tpu.memory_space<vmem>> -> memref<1x80xi32, #tpu.memory_space<vmem>>
      %dma_wait3A_140 = tpu.memref_squeeze %dma_wait3A_139 : memref<1x80xi32, #tpu.memory_space<vmem>> -> memref<80xi32, #tpu.memory_space<vmem>>
      %dma_wait3A_141 = tpu.memref_slice %arg5[%add3A_32] : memref<320000xi32, #tpu.memory_space<hbm>> -> memref<80xi32, #tpu.memory_space<hbm>>
      %dma_wait3A_142 = arith.constant 0 : i32
      %dma_wait3A_143 = tpu.memref_slice %arg8[%dma_wait3A_137, %dma_wait3A_142] : memref<5x80xi32, #tpu.memory_space<vmem>> -> memref<1x80xi32, #tpu.memory_space<vmem>>
      %dma_wait3A_144 = tpu.memref_squeeze %dma_wait3A_143 : memref<1x80xi32, #tpu.memory_space<vmem>> -> memref<80xi32, #tpu.memory_space<vmem>>
      %dma_wait3A_145 = tpu.memref_slice %arg5[%add3A_32] : memref<320000xi32, #tpu.memory_space<hbm>> -> memref<80xi32, #tpu.memory_space<hbm>>
      tpu.wait_dma2 semaphore(%arg10 : memref<!tpu.dma_semaphore, #tpu.memory_space<semaphore_mem>>) src(%dma_wait3A_145 : memref<80xi32, #tpu.memory_space<hbm>>) dst(%dma_wait3A_144 : memref<80xi32, #tpu.memory_space<vmem>>)
      %dma_wait3A_146 = arith.constant 2 : i32
      %dma_wait3A_147 = arith.constant 0 : i32
      %dma_wait3A_148 = tpu.memref_slice %arg7[%dma_wait3A_146, %dma_wait3A_147] : memref<5x80xi32, #tpu.memory_space<vmem>> -> memref<1x80xi32, #tpu.memory_space<vmem>>
      %dma_wait3A_149 = tpu.memref_squeeze %dma_wait3A_148 : memref<1x80xi32, #tpu.memory_space<vmem>> -> memref<80xi32, #tpu.memory_space<vmem>>
      %dma_wait3A_150 = tpu.memref_slice %arg4[%add3A_52] : memref<320000xi32, #tpu.memory_space<hbm>> -> memref<80xi32, #tpu.memory_space<hbm>>
      %dma_wait3A_151 = arith.constant 0 : i32
      %dma_wait3A_152 = tpu.memref_slice %arg7[%dma_wait3A_146, %dma_wait3A_151] : memref<5x80xi32, #tpu.memory_space<vmem>> -> memref<1x80xi32, #tpu.memory_space<vmem>>
      %dma_wait3A_153 = tpu.memref_squeeze %dma_wait3A_152 : memref<1x80xi32, #tpu.memory_space<vmem>> -> memref<80xi32, #tpu.memory_space<vmem>>
      %dma_wait3A_154 = tpu.memref_slice %arg4[%add3A_52] : memref<320000xi32, #tpu.memory_space<hbm>> -> memref<80xi32, #tpu.memory_space<hbm>>
      tpu.wait_dma2 semaphore(%arg10 : memref<!tpu.dma_semaphore, #tpu.memory_space<semaphore_mem>>) src(%dma_wait3A_154 : memref<80xi32, #tpu.memory_space<hbm>>) dst(%dma_wait3A_153 : memref<80xi32, #tpu.memory_space<vmem>>)
      %dma_wait3A_155 = arith.constant 2 : i32
      %dma_wait3A_156 = arith.constant 0 : i32
      %dma_wait3A_157 = tpu.memref_slice %arg8[%dma_wait3A_155, %dma_wait3A_156] : memref<5x80xi32, #tpu.memory_space<vmem>> -> memref<1x80xi32, #tpu.memory_space<vmem>>
      %dma_wait3A_158 = tpu.memref_squeeze %dma_wait3A_157 : memref<1x80xi32, #tpu.memory_space<vmem>> -> memref<80xi32, #tpu.memory_space<vmem>>
      %dma_wait3A_159 = tpu.memref_slice %arg5[%add3A_52] : memref<320000xi32, #tpu.memory_space<hbm>> -> memref<80xi32, #tpu.memory_space<hbm>>
      %dma_wait3A_160 = arith.constant 0 : i32
      %dma_wait3A_161 = tpu.memref_slice %arg8[%dma_wait3A_155, %dma_wait3A_160] : memref<5x80xi32, #tpu.memory_space<vmem>> -> memref<1x80xi32, #tpu.memory_space<vmem>>
      %dma_wait3A_162 = tpu.memref_squeeze %dma_wait3A_161 : memref<1x80xi32, #tpu.memory_space<vmem>> -> memref<80xi32, #tpu.memory_space<vmem>>
      %dma_wait3A_163 = tpu.memref_slice %arg5[%add3A_52] : memref<320000xi32, #tpu.memory_space<hbm>> -> memref<80xi32, #tpu.memory_space<hbm>>
      tpu.wait_dma2 semaphore(%arg10 : memref<!tpu.dma_semaphore, #tpu.memory_space<semaphore_mem>>) src(%dma_wait3A_163 : memref<80xi32, #tpu.memory_space<hbm>>) dst(%dma_wait3A_162 : memref<80xi32, #tpu.memory_space<vmem>>)
      %dma_wait3A_164 = arith.constant 3 : i32
      %dma_wait3A_165 = arith.constant 0 : i32
      %dma_wait3A_166 = tpu.memref_slice %arg7[%dma_wait3A_164, %dma_wait3A_165] : memref<5x80xi32, #tpu.memory_space<vmem>> -> memref<1x80xi32, #tpu.memory_space<vmem>>
      %dma_wait3A_167 = tpu.memref_squeeze %dma_wait3A_166 : memref<1x80xi32, #tpu.memory_space<vmem>> -> memref<80xi32, #tpu.memory_space<vmem>>
      %dma_wait3A_168 = tpu.memref_slice %arg4[%add3A_72] : memref<320000xi32, #tpu.memory_space<hbm>> -> memref<80xi32, #tpu.memory_space<hbm>>
      %dma_wait3A_169 = arith.constant 0 : i32
      %dma_wait3A_170 = tpu.memref_slice %arg7[%dma_wait3A_164, %dma_wait3A_169] : memref<5x80xi32, #tpu.memory_space<vmem>> -> memref<1x80xi32, #tpu.memory_space<vmem>>
      %dma_wait3A_171 = tpu.memref_squeeze %dma_wait3A_170 : memref<1x80xi32, #tpu.memory_space<vmem>> -> memref<80xi32, #tpu.memory_space<vmem>>
      %dma_wait3A_172 = tpu.memref_slice %arg4[%add3A_72] : memref<320000xi32, #tpu.memory_space<hbm>> -> memref<80xi32, #tpu.memory_space<hbm>>
      tpu.wait_dma2 semaphore(%arg10 : memref<!tpu.dma_semaphore, #tpu.memory_space<semaphore_mem>>) src(%dma_wait3A_172 : memref<80xi32, #tpu.memory_space<hbm>>) dst(%dma_wait3A_171 : memref<80xi32, #tpu.memory_space<vmem>>)
      %dma_wait3A_173 = arith.constant 3 : i32
      %dma_wait3A_174 = arith.constant 0 : i32
      %dma_wait3A_175 = tpu.memref_slice %arg8[%dma_wait3A_173, %dma_wait3A_174] : memref<5x80xi32, #tpu.memory_space<vmem>> -> memref<1x80xi32, #tpu.memory_space<vmem>>
      %dma_wait3A_176 = tpu.memref_squeeze %dma_wait3A_175 : memref<1x80xi32, #tpu.memory_space<vmem>> -> memref<80xi32, #tpu.memory_space<vmem>>
      %dma_wait3A_177 = tpu.memref_slice %arg5[%add3A_72] : memref<320000xi32, #tpu.memory_space<hbm>> -> memref<80xi32, #tpu.memory_space<hbm>>
      %dma_wait3A_178 = arith.constant 0 : i32
      %dma_wait3A_179 = tpu.memref_slice %arg8[%dma_wait3A_173, %dma_wait3A_178] : memref<5x80xi32, #tpu.memory_space<vmem>> -> memref<1x80xi32, #tpu.memory_space<vmem>>
      %dma_wait3A_180 = tpu.memref_squeeze %dma_wait3A_179 : memref<1x80xi32, #tpu.memory_space<vmem>> -> memref<80xi32, #tpu.memory_space<vmem>>
      %dma_wait3A_181 = tpu.memref_slice %arg5[%add3A_72] : memref<320000xi32, #tpu.memory_space<hbm>> -> memref<80xi32, #tpu.memory_space<hbm>>
      tpu.wait_dma2 semaphore(%arg10 : memref<!tpu.dma_semaphore, #tpu.memory_space<semaphore_mem>>) src(%dma_wait3A_181 : memref<80xi32, #tpu.memory_space<hbm>>) dst(%dma_wait3A_180 : memref<80xi32, #tpu.memory_space<vmem>>)
      %dma_wait3A_182 = arith.constant 4 : i32
      %dma_wait3A_183 = arith.constant 0 : i32
      %dma_wait3A_184 = tpu.memref_slice %arg7[%dma_wait3A_182, %dma_wait3A_183] : memref<5x80xi32, #tpu.memory_space<vmem>> -> memref<1x80xi32, #tpu.memory_space<vmem>>
      %dma_wait3A_185 = tpu.memref_squeeze %dma_wait3A_184 : memref<1x80xi32, #tpu.memory_space<vmem>> -> memref<80xi32, #tpu.memory_space<vmem>>
      %dma_wait3A_186 = tpu.memref_slice %arg4[%add3A_92] : memref<320000xi32, #tpu.memory_space<hbm>> -> memref<80xi32, #tpu.memory_space<hbm>>
      %dma_wait3A_187 = arith.constant 0 : i32
      %dma_wait3A_188 = tpu.memref_slice %arg7[%dma_wait3A_182, %dma_wait3A_187] : memref<5x80xi32, #tpu.memory_space<vmem>> -> memref<1x80xi32, #tpu.memory_space<vmem>>
      %dma_wait3A_189 = tpu.memref_squeeze %dma_wait3A_188 : memref<1x80xi32, #tpu.memory_space<vmem>> -> memref<80xi32, #tpu.memory_space<vmem>>
      %dma_wait3A_190 = tpu.memref_slice %arg4[%add3A_92] : memref<320000xi32, #tpu.memory_space<hbm>> -> memref<80xi32, #tpu.memory_space<hbm>>
      tpu.wait_dma2 semaphore(%arg10 : memref<!tpu.dma_semaphore, #tpu.memory_space<semaphore_mem>>) src(%dma_wait3A_190 : memref<80xi32, #tpu.memory_space<hbm>>) dst(%dma_wait3A_189 : memref<80xi32, #tpu.memory_space<vmem>>)
      %dma_wait3A_191 = arith.constant 4 : i32
      %dma_wait3A_192 = arith.constant 0 : i32
      %dma_wait3A_193 = tpu.memref_slice %arg8[%dma_wait3A_191, %dma_wait3A_192] : memref<5x80xi32, #tpu.memory_space<vmem>> -> memref<1x80xi32, #tpu.memory_space<vmem>>
      %dma_wait3A_194 = tpu.memref_squeeze %dma_wait3A_193 : memref<1x80xi32, #tpu.memory_space<vmem>> -> memref<80xi32, #tpu.memory_space<vmem>>
      %dma_wait3A_195 = tpu.memref_slice %arg5[%add3A_92] : memref<320000xi32, #tpu.memory_space<hbm>> -> memref<80xi32, #tpu.memory_space<hbm>>
      %dma_wait3A_196 = arith.constant 0 : i32
      %dma_wait3A_197 = tpu.memref_slice %arg8[%dma_wait3A_191, %dma_wait3A_196] : memref<5x80xi32, #tpu.memory_space<vmem>> -> memref<1x80xi32, #tpu.memory_space<vmem>>
      %dma_wait3A_198 = tpu.memref_squeeze %dma_wait3A_197 : memref<1x80xi32, #tpu.memory_space<vmem>> -> memref<80xi32, #tpu.memory_space<vmem>>
      %dma_wait3A_199 = tpu.memref_slice %arg5[%add3A_92] : memref<320000xi32, #tpu.memory_space<hbm>> -> memref<80xi32, #tpu.memory_space<hbm>>
      tpu.wait_dma2 semaphore(%arg10 : memref<!tpu.dma_semaphore, #tpu.memory_space<semaphore_mem>>) src(%dma_wait3A_199 : memref<80xi32, #tpu.memory_space<hbm>>) dst(%dma_wait3A_198 : memref<80xi32, #tpu.memory_space<vmem>>)
      %dma_start3A_200 = arith.constant 0 : i32
      %dma_start3A_201 = arith.constant 0 : i32
      %dma_start3A_202 = arith.constant 0 : i32
      %dma_start3A_203 = arith.constant 0 : i32
      %dma_start3A_204 = tpu.memref_slice %arg9[%dma_start3A_201, %dma_start3A_202, %dma_start3A_203] : memref<5x80x16xf32, #tpu.memory_space<vmem>> -> memref<1x80x16xf32, #tpu.memory_space<vmem>>
      %dma_start3A_205 = tpu.memref_squeeze %dma_start3A_204 : memref<1x80x16xf32, #tpu.memory_space<vmem>> -> memref<80x16xf32, #tpu.memory_space<vmem>>
      %dma_start3A_206 = arith.constant 0 : i32
      %dma_start3A_207 = tpu.memref_slice %arg8[%dma_start3A_200, %dma_start3A_206] : memref<5x80xi32, #tpu.memory_space<vmem>> -> memref<1x80xi32, #tpu.memory_space<vmem>>
      %dma_start3A_208 = tpu.memref_squeeze %dma_start3A_207 : memref<1x80xi32, #tpu.memory_space<vmem>> -> memref<80xi32, #tpu.memory_space<vmem>>
      %dma_start3A_209 = arith.constant 0 : i32
      %dma_start3A_210 = arith.constant 0 : i32
      %dma_start3A_211 = tpu.memref_slice %arg3[%dma_start3A_209, %dma_start3A_210] : memref<10000x16xf32, #tpu.memory_space<hbm>> -> memref<10000x16xf32, #tpu.memory_space<hbm>>
      tpu.enqueue_indirect_dma source(%dma_start3A_211 : memref<10000x16xf32, #tpu.memory_space<hbm>>) target(%dma_start3A_205 : memref<80x16xf32, #tpu.memory_space<vmem>>) offsets(%dma_start3A_208 : memref<80xi32, #tpu.memory_space<vmem>>) semaphore(%arg11 : memref<!tpu.dma_semaphore, #tpu.memory_space<semaphore_mem>>)
      %dma_start3A_212 = arith.constant 1 : i32
      %dma_start3A_213 = arith.constant 1 : i32
      %dma_start3A_214 = arith.constant 0 : i32
      %dma_start3A_215 = arith.constant 0 : i32
      %dma_start3A_216 = tpu.memref_slice %arg9[%dma_start3A_213, %dma_start3A_214, %dma_start3A_215] : memref<5x80x16xf32, #tpu.memory_space<vmem>> -> memref<1x80x16xf32, #tpu.memory_space<vmem>>
      %dma_start3A_217 = tpu.memref_squeeze %dma_start3A_216 : memref<1x80x16xf32, #tpu.memory_space<vmem>> -> memref<80x16xf32, #tpu.memory_space<vmem>>
      %dma_start3A_218 = arith.constant 0 : i32
      %dma_start3A_219 = tpu.memref_slice %arg8[%dma_start3A_212, %dma_start3A_218] : memref<5x80xi32, #tpu.memory_space<vmem>> -> memref<1x80xi32, #tpu.memory_space<vmem>>
      %dma_start3A_220 = tpu.memref_squeeze %dma_start3A_219 : memref<1x80xi32, #tpu.memory_space<vmem>> -> memref<80xi32, #tpu.memory_space<vmem>>
      %dma_start3A_221 = arith.constant 0 : i32
      %dma_start3A_222 = arith.constant 0 : i32
      %dma_start3A_223 = tpu.memref_slice %arg3[%dma_start3A_221, %dma_start3A_222] : memref<10000x16xf32, #tpu.memory_space<hbm>> -> memref<10000x16xf32, #tpu.memory_space<hbm>>
      tpu.enqueue_indirect_dma source(%dma_start3A_223 : memref<10000x16xf32, #tpu.memory_space<hbm>>) target(%dma_start3A_217 : memref<80x16xf32, #tpu.memory_space<vmem>>) offsets(%dma_start3A_220 : memref<80xi32, #tpu.memory_space<vmem>>) semaphore(%arg11 : memref<!tpu.dma_semaphore, #tpu.memory_space<semaphore_mem>>)
      %dma_start3A_224 = arith.constant 2 : i32
      %dma_start3A_225 = arith.constant 2 : i32
      %dma_start3A_226 = arith.constant 0 : i32
      %dma_start3A_227 = arith.constant 0 : i32
      %dma_start3A_228 = tpu.memref_slice %arg9[%dma_start3A_225, %dma_start3A_226, %dma_start3A_227] : memref<5x80x16xf32, #tpu.memory_space<vmem>> -> memref<1x80x16xf32, #tpu.memory_space<vmem>>
      %dma_start3A_229 = tpu.memref_squeeze %dma_start3A_228 : memref<1x80x16xf32, #tpu.memory_space<vmem>> -> memref<80x16xf32, #tpu.memory_space<vmem>>
      %dma_start3A_230 = arith.constant 0 : i32
      %dma_start3A_231 = tpu.memref_slice %arg8[%dma_start3A_224, %dma_start3A_230] : memref<5x80xi32, #tpu.memory_space<vmem>> -> memref<1x80xi32, #tpu.memory_space<vmem>>
      %dma_start3A_232 = tpu.memref_squeeze %dma_start3A_231 : memref<1x80xi32, #tpu.memory_space<vmem>> -> memref<80xi32, #tpu.memory_space<vmem>>
      %dma_start3A_233 = arith.constant 0 : i32
      %dma_start3A_234 = arith.constant 0 : i32
      %dma_start3A_235 = tpu.memref_slice %arg3[%dma_start3A_233, %dma_start3A_234] : memref<10000x16xf32, #tpu.memory_space<hbm>> -> memref<10000x16xf32, #tpu.memory_space<hbm>>
      tpu.enqueue_indirect_dma source(%dma_start3A_235 : memref<10000x16xf32, #tpu.memory_space<hbm>>) target(%dma_start3A_229 : memref<80x16xf32, #tpu.memory_space<vmem>>) offsets(%dma_start3A_232 : memref<80xi32, #tpu.memory_space<vmem>>) semaphore(%arg11 : memref<!tpu.dma_semaphore, #tpu.memory_space<semaphore_mem>>)
      %dma_start3A_236 = arith.constant 3 : i32
      %dma_start3A_237 = arith.constant 3 : i32
      %dma_start3A_238 = arith.constant 0 : i32
      %dma_start3A_239 = arith.constant 0 : i32
      %dma_start3A_240 = tpu.memref_slice %arg9[%dma_start3A_237, %dma_start3A_238, %dma_start3A_239] : memref<5x80x16xf32, #tpu.memory_space<vmem>> -> memref<1x80x16xf32, #tpu.memory_space<vmem>>
      %dma_start3A_241 = tpu.memref_squeeze %dma_start3A_240 : memref<1x80x16xf32, #tpu.memory_space<vmem>> -> memref<80x16xf32, #tpu.memory_space<vmem>>
      %dma_start3A_242 = arith.constant 0 : i32
      %dma_start3A_243 = tpu.memref_slice %arg8[%dma_start3A_236, %dma_start3A_242] : memref<5x80xi32, #tpu.memory_space<vmem>> -> memref<1x80xi32, #tpu.memory_space<vmem>>
      %dma_start3A_244 = tpu.memref_squeeze %dma_start3A_243 : memref<1x80xi32, #tpu.memory_space<vmem>> -> memref<80xi32, #tpu.memory_space<vmem>>
      %dma_start3A_245 = arith.constant 0 : i32
      %dma_start3A_246 = arith.constant 0 : i32
      %dma_start3A_247 = tpu.memref_slice %arg3[%dma_start3A_245, %dma_start3A_246] : memref<10000x16xf32, #tpu.memory_space<hbm>> -> memref<10000x16xf32, #tpu.memory_space<hbm>>
      tpu.enqueue_indirect_dma source(%dma_start3A_247 : memref<10000x16xf32, #tpu.memory_space<hbm>>) target(%dma_start3A_241 : memref<80x16xf32, #tpu.memory_space<vmem>>) offsets(%dma_start3A_244 : memref<80xi32, #tpu.memory_space<vmem>>) semaphore(%arg11 : memref<!tpu.dma_semaphore, #tpu.memory_space<semaphore_mem>>)
      %dma_start3A_248 = arith.constant 4 : i32
      %dma_start3A_249 = arith.constant 4 : i32
      %dma_start3A_250 = arith.constant 0 : i32
      %dma_start3A_251 = arith.constant 0 : i32
      %dma_start3A_252 = tpu.memref_slice %arg9[%dma_start3A_249, %dma_start3A_250, %dma_start3A_251] : memref<5x80x16xf32, #tpu.memory_space<vmem>> -> memref<1x80x16xf32, #tpu.memory_space<vmem>>
      %dma_start3A_253 = tpu.memref_squeeze %dma_start3A_252 : memref<1x80x16xf32, #tpu.memory_space<vmem>> -> memref<80x16xf32, #tpu.memory_space<vmem>>
      %dma_start3A_254 = arith.constant 0 : i32
      %dma_start3A_255 = tpu.memref_slice %arg8[%dma_start3A_248, %dma_start3A_254] : memref<5x80xi32, #tpu.memory_space<vmem>> -> memref<1x80xi32, #tpu.memory_space<vmem>>
      %dma_start3A_256 = tpu.memref_squeeze %dma_start3A_255 : memref<1x80xi32, #tpu.memory_space<vmem>> -> memref<80xi32, #tpu.memory_space<vmem>>
      %dma_start3A_257 = arith.constant 0 : i32
      %dma_start3A_258 = arith.constant 0 : i32
      %dma_start3A_259 = tpu.memref_slice %arg3[%dma_start3A_257, %dma_start3A_258] : memref<10000x16xf32, #tpu.memory_space<hbm>> -> memref<10000x16xf32, #tpu.memory_space<hbm>>
      tpu.enqueue_indirect_dma source(%dma_start3A_259 : memref<10000x16xf32, #tpu.memory_space<hbm>>) target(%dma_start3A_253 : memref<80x16xf32, #tpu.memory_space<vmem>>) offsets(%dma_start3A_256 : memref<80xi32, #tpu.memory_space<vmem>>) semaphore(%arg11 : memref<!tpu.dma_semaphore, #tpu.memory_space<semaphore_mem>>)
      %dma_wait3A_260 = arith.constant 0 : i32
      %dma_wait3A_261 = arith.constant 0 : i32
      %dma_wait3A_262 = arith.constant 0 : i32
      %dma_wait3A_263 = arith.constant 0 : i32
      %dma_wait3A_264 = tpu.memref_slice %arg9[%dma_wait3A_261, %dma_wait3A_262, %dma_wait3A_263] : memref<5x80x16xf32, #tpu.memory_space<vmem>> -> memref<1x80x16xf32, #tpu.memory_space<vmem>>
      %dma_wait3A_265 = tpu.memref_squeeze %dma_wait3A_264 : memref<1x80x16xf32, #tpu.memory_space<vmem>> -> memref<80x16xf32, #tpu.memory_space<vmem>>
      %dma_wait3A_266 = arith.constant 0 : i32
      %dma_wait3A_267 = tpu.memref_slice %arg8[%dma_wait3A_260, %dma_wait3A_266] : memref<5x80xi32, #tpu.memory_space<vmem>> -> memref<1x80xi32, #tpu.memory_space<vmem>>
      %dma_wait3A_268 = tpu.memref_squeeze %dma_wait3A_267 : memref<1x80xi32, #tpu.memory_space<vmem>> -> memref<80xi32, #tpu.memory_space<vmem>>
      %dma_wait3A_269 = arith.constant 0 : i32
      %dma_wait3A_270 = arith.constant 0 : i32
      %dma_wait3A_271 = tpu.memref_slice %arg3[%dma_wait3A_269, %dma_wait3A_270] : memref<10000x16xf32, #tpu.memory_space<hbm>> -> memref<10000x16xf32, #tpu.memory_space<hbm>>
      tpu.wait_indirect_dma semaphore(%arg11 : memref<!tpu.dma_semaphore, #tpu.memory_space<semaphore_mem>>) src(%dma_wait3A_271 : memref<10000x16xf32, #tpu.memory_space<hbm>>) dst(%dma_wait3A_265 : memref<80x16xf32, #tpu.memory_space<vmem>>)
      %dma_wait3A_272 = arith.constant 1 : i32
      %dma_wait3A_273 = arith.constant 1 : i32
      %dma_wait3A_274 = arith.constant 0 : i32
      %dma_wait3A_275 = arith.constant 0 : i32
      %dma_wait3A_276 = tpu.memref_slice %arg9[%dma_wait3A_273, %dma_wait3A_274, %dma_wait3A_275] : memref<5x80x16xf32, #tpu.memory_space<vmem>> -> memref<1x80x16xf32, #tpu.memory_space<vmem>>
      %dma_wait3A_277 = tpu.memref_squeeze %dma_wait3A_276 : memref<1x80x16xf32, #tpu.memory_space<vmem>> -> memref<80x16xf32, #tpu.memory_space<vmem>>
      %dma_wait3A_278 = arith.constant 0 : i32
      %dma_wait3A_279 = tpu.memref_slice %arg8[%dma_wait3A_272, %dma_wait3A_278] : memref<5x80xi32, #tpu.memory_space<vmem>> -> memref<1x80xi32, #tpu.memory_space<vmem>>
      %dma_wait3A_280 = tpu.memref_squeeze %dma_wait3A_279 : memref<1x80xi32, #tpu.memory_space<vmem>> -> memref<80xi32, #tpu.memory_space<vmem>>
      %dma_wait3A_281 = arith.constant 0 : i32
      %dma_wait3A_282 = arith.constant 0 : i32
      %dma_wait3A_283 = tpu.memref_slice %arg3[%dma_wait3A_281, %dma_wait3A_282] : memref<10000x16xf32, #tpu.memory_space<hbm>> -> memref<10000x16xf32, #tpu.memory_space<hbm>>
      tpu.wait_indirect_dma semaphore(%arg11 : memref<!tpu.dma_semaphore, #tpu.memory_space<semaphore_mem>>) src(%dma_wait3A_283 : memref<10000x16xf32, #tpu.memory_space<hbm>>) dst(%dma_wait3A_277 : memref<80x16xf32, #tpu.memory_space<vmem>>)
      %dma_wait3A_284 = arith.constant 2 : i32
      %dma_wait3A_285 = arith.constant 2 : i32
      %dma_wait3A_286 = arith.constant 0 : i32
      %dma_wait3A_287 = arith.constant 0 : i32
      %dma_wait3A_288 = tpu.memref_slice %arg9[%dma_wait3A_285, %dma_wait3A_286, %dma_wait3A_287] : memref<5x80x16xf32, #tpu.memory_space<vmem>> -> memref<1x80x16xf32, #tpu.memory_space<vmem>>
      %dma_wait3A_289 = tpu.memref_squeeze %dma_wait3A_288 : memref<1x80x16xf32, #tpu.memory_space<vmem>> -> memref<80x16xf32, #tpu.memory_space<vmem>>
      %dma_wait3A_290 = arith.constant 0 : i32
      %dma_wait3A_291 = tpu.memref_slice %arg8[%dma_wait3A_284, %dma_wait3A_290] : memref<5x80xi32, #tpu.memory_space<vmem>> -> memref<1x80xi32, #tpu.memory_space<vmem>>
      %dma_wait3A_292 = tpu.memref_squeeze %dma_wait3A_291 : memref<1x80xi32, #tpu.memory_space<vmem>> -> memref<80xi32, #tpu.memory_space<vmem>>
      %dma_wait3A_293 = arith.constant 0 : i32
      %dma_wait3A_294 = arith.constant 0 : i32
      %dma_wait3A_295 = tpu.memref_slice %arg3[%dma_wait3A_293, %dma_wait3A_294] : memref<10000x16xf32, #tpu.memory_space<hbm>> -> memref<10000x16xf32, #tpu.memory_space<hbm>>
      tpu.wait_indirect_dma semaphore(%arg11 : memref<!tpu.dma_semaphore, #tpu.memory_space<semaphore_mem>>) src(%dma_wait3A_295 : memref<10000x16xf32, #tpu.memory_space<hbm>>) dst(%dma_wait3A_289 : memref<80x16xf32, #tpu.memory_space<vmem>>)
      %dma_wait3A_296 = arith.constant 3 : i32
      %dma_wait3A_297 = arith.constant 3 : i32
      %dma_wait3A_298 = arith.constant 0 : i32
      %dma_wait3A_299 = arith.constant 0 : i32
      %dma_wait3A_300 = tpu.memref_slice %arg9[%dma_wait3A_297, %dma_wait3A_298, %dma_wait3A_299] : memref<5x80x16xf32, #tpu.memory_space<vmem>> -> memref<1x80x16xf32, #tpu.memory_space<vmem>>
      %dma_wait3A_301 = tpu.memref_squeeze %dma_wait3A_300 : memref<1x80x16xf32, #tpu.memory_space<vmem>> -> memref<80x16xf32, #tpu.memory_space<vmem>>
      %dma_wait3A_302 = arith.constant 0 : i32
      %dma_wait3A_303 = tpu.memref_slice %arg8[%dma_wait3A_296, %dma_wait3A_302] : memref<5x80xi32, #tpu.memory_space<vmem>> -> memref<1x80xi32, #tpu.memory_space<vmem>>
      %dma_wait3A_304 = tpu.memref_squeeze %dma_wait3A_303 : memref<1x80xi32, #tpu.memory_space<vmem>> -> memref<80xi32, #tpu.memory_space<vmem>>
      %dma_wait3A_305 = arith.constant 0 : i32
      %dma_wait3A_306 = arith.constant 0 : i32
      %dma_wait3A_307 = tpu.memref_slice %arg3[%dma_wait3A_305, %dma_wait3A_306] : memref<10000x16xf32, #tpu.memory_space<hbm>> -> memref<10000x16xf32, #tpu.memory_space<hbm>>
      tpu.wait_indirect_dma semaphore(%arg11 : memref<!tpu.dma_semaphore, #tpu.memory_space<semaphore_mem>>) src(%dma_wait3A_307 : memref<10000x16xf32, #tpu.memory_space<hbm>>) dst(%dma_wait3A_301 : memref<80x16xf32, #tpu.memory_space<vmem>>)
      %dma_wait3A_308 = arith.constant 4 : i32
      %dma_wait3A_309 = arith.constant 4 : i32
      %dma_wait3A_310 = arith.constant 0 : i32
      %dma_wait3A_311 = arith.constant 0 : i32
      %dma_wait3A_312 = tpu.memref_slice %arg9[%dma_wait3A_309, %dma_wait3A_310, %dma_wait3A_311] : memref<5x80x16xf32, #tpu.memory_space<vmem>> -> memref<1x80x16xf32, #tpu.memory_space<vmem>>
      %dma_wait3A_313 = tpu.memref_squeeze %dma_wait3A_312 : memref<1x80x16xf32, #tpu.memory_space<vmem>> -> memref<80x16xf32, #tpu.memory_space<vmem>>
      %dma_wait3A_314 = arith.constant 0 : i32
      %dma_wait3A_315 = tpu.memref_slice %arg8[%dma_wait3A_308, %dma_wait3A_314] : memref<5x80xi32, #tpu.memory_space<vmem>> -> memref<1x80xi32, #tpu.memory_space<vmem>>
      %dma_wait3A_316 = tpu.memref_squeeze %dma_wait3A_315 : memref<1x80xi32, #tpu.memory_space<vmem>> -> memref<80xi32, #tpu.memory_space<vmem>>
      %dma_wait3A_317 = arith.constant 0 : i32
      %dma_wait3A_318 = arith.constant 0 : i32
      %dma_wait3A_319 = tpu.memref_slice %arg3[%dma_wait3A_317, %dma_wait3A_318] : memref<10000x16xf32, #tpu.memory_space<hbm>> -> memref<10000x16xf32, #tpu.memory_space<hbm>>
      tpu.wait_indirect_dma semaphore(%arg11 : memref<!tpu.dma_semaphore, #tpu.memory_space<semaphore_mem>>) src(%dma_wait3A_319 : memref<10000x16xf32, #tpu.memory_space<hbm>>) dst(%dma_wait3A_313 : memref<80x16xf32, #tpu.memory_space<vmem>>)
      %dma_start3A_320 = arith.constant 0 : i32
      %dma_start3A_321 = arith.constant 0 : i32
      %dma_start3A_322 = arith.constant 0 : i32
      %dma_start3A_323 = arith.constant 0 : i32
      %dma_start3A_324 = tpu.memref_slice %arg9[%dma_start3A_321, %dma_start3A_322, %dma_start3A_323] : memref<5x80x16xf32, #tpu.memory_space<vmem>> -> memref<1x80x16xf32, #tpu.memory_space<vmem>>
      %dma_start3A_325 = tpu.memref_squeeze %dma_start3A_324 : memref<1x80x16xf32, #tpu.memory_space<vmem>> -> memref<80x16xf32, #tpu.memory_space<vmem>>
      %dma_start3A_326 = arith.constant 0 : i32
      %dma_start3A_327 = tpu.memref_slice %arg7[%dma_start3A_320, %dma_start3A_326] : memref<5x80xi32, #tpu.memory_space<vmem>> -> memref<1x80xi32, #tpu.memory_space<vmem>>
      %dma_start3A_328 = tpu.memref_squeeze %dma_start3A_327 : memref<1x80xi32, #tpu.memory_space<vmem>> -> memref<80xi32, #tpu.memory_space<vmem>>
      %dma_start3A_329 = arith.constant 0 : i32
      %dma_start3A_330 = arith.constant 0 : i32
      %dma_start3A_331 = tpu.memref_slice %arg2[%dma_start3A_329, %dma_start3A_330] : memref<10000x16xf32, #tpu.memory_space<hbm>> -> memref<10000x16xf32, #tpu.memory_space<hbm>>
      tpu.enqueue_indirect_dma source(%dma_start3A_331 : memref<10000x16xf32, #tpu.memory_space<hbm>>) target(%dma_start3A_325 : memref<80x16xf32, #tpu.memory_space<vmem>>) offsets(%dma_start3A_328 : memref<80xi32, #tpu.memory_space<vmem>>) semaphore(%arg11 : memref<!tpu.dma_semaphore, #tpu.memory_space<semaphore_mem>>) {add = true}
      %dma_start3A_332 = arith.constant 1 : i32
      %dma_start3A_333 = arith.constant 1 : i32
      %dma_start3A_334 = arith.constant 0 : i32
      %dma_start3A_335 = arith.constant 0 : i32
      %dma_start3A_336 = tpu.memref_slice %arg9[%dma_start3A_333, %dma_start3A_334, %dma_start3A_335] : memref<5x80x16xf32, #tpu.memory_space<vmem>> -> memref<1x80x16xf32, #tpu.memory_space<vmem>>
      %dma_start3A_337 = tpu.memref_squeeze %dma_start3A_336 : memref<1x80x16xf32, #tpu.memory_space<vmem>> -> memref<80x16xf32, #tpu.memory_space<vmem>>
      %dma_start3A_338 = arith.constant 0 : i32
      %dma_start3A_339 = tpu.memref_slice %arg7[%dma_start3A_332, %dma_start3A_338] : memref<5x80xi32, #tpu.memory_space<vmem>> -> memref<1x80xi32, #tpu.memory_space<vmem>>
      %dma_start3A_340 = tpu.memref_squeeze %dma_start3A_339 : memref<1x80xi32, #tpu.memory_space<vmem>> -> memref<80xi32, #tpu.memory_space<vmem>>
      %dma_start3A_341 = arith.constant 0 : i32
      %dma_start3A_342 = arith.constant 0 : i32
      %dma_start3A_343 = tpu.memref_slice %arg2[%dma_start3A_341, %dma_start3A_342] : memref<10000x16xf32, #tpu.memory_space<hbm>> -> memref<10000x16xf32, #tpu.memory_space<hbm>>
      tpu.enqueue_indirect_dma source(%dma_start3A_343 : memref<10000x16xf32, #tpu.memory_space<hbm>>) target(%dma_start3A_337 : memref<80x16xf32, #tpu.memory_space<vmem>>) offsets(%dma_start3A_340 : memref<80xi32, #tpu.memory_space<vmem>>) semaphore(%arg11 : memref<!tpu.dma_semaphore, #tpu.memory_space<semaphore_mem>>) {add = true}
      %dma_start3A_344 = arith.constant 2 : i32
      %dma_start3A_345 = arith.constant 2 : i32
      %dma_start3A_346 = arith.constant 0 : i32
      %dma_start3A_347 = arith.constant 0 : i32
      %dma_start3A_348 = tpu.memref_slice %arg9[%dma_start3A_345, %dma_start3A_346, %dma_start3A_347] : memref<5x80x16xf32, #tpu.memory_space<vmem>> -> memref<1x80x16xf32, #tpu.memory_space<vmem>>
      %dma_start3A_349 = tpu.memref_squeeze %dma_start3A_348 : memref<1x80x16xf32, #tpu.memory_space<vmem>> -> memref<80x16xf32, #tpu.memory_space<vmem>>
      %dma_start3A_350 = arith.constant 0 : i32
      %dma_start3A_351 = tpu.memref_slice %arg7[%dma_start3A_344, %dma_start3A_350] : memref<5x80xi32, #tpu.memory_space<vmem>> -> memref<1x80xi32, #tpu.memory_space<vmem>>
      %dma_start3A_352 = tpu.memref_squeeze %dma_start3A_351 : memref<1x80xi32, #tpu.memory_space<vmem>> -> memref<80xi32, #tpu.memory_space<vmem>>
      %dma_start3A_353 = arith.constant 0 : i32
      %dma_start3A_354 = arith.constant 0 : i32
      %dma_start3A_355 = tpu.memref_slice %arg2[%dma_start3A_353, %dma_start3A_354] : memref<10000x16xf32, #tpu.memory_space<hbm>> -> memref<10000x16xf32, #tpu.memory_space<hbm>>
      tpu.enqueue_indirect_dma source(%dma_start3A_355 : memref<10000x16xf32, #tpu.memory_space<hbm>>) target(%dma_start3A_349 : memref<80x16xf32, #tpu.memory_space<vmem>>) offsets(%dma_start3A_352 : memref<80xi32, #tpu.memory_space<vmem>>) semaphore(%arg11 : memref<!tpu.dma_semaphore, #tpu.memory_space<semaphore_mem>>) {add = true}
      %dma_start3A_356 = arith.constant 3 : i32
      %dma_start3A_357 = arith.constant 3 : i32
      %dma_start3A_358 = arith.constant 0 : i32
      %dma_start3A_359 = arith.constant 0 : i32
      %dma_start3A_360 = tpu.memref_slice %arg9[%dma_start3A_357, %dma_start3A_358, %dma_start3A_359] : memref<5x80x16xf32, #tpu.memory_space<vmem>> -> memref<1x80x16xf32, #tpu.memory_space<vmem>>
      %dma_start3A_361 = tpu.memref_squeeze %dma_start3A_360 : memref<1x80x16xf32, #tpu.memory_space<vmem>> -> memref<80x16xf32, #tpu.memory_space<vmem>>
      %dma_start3A_362 = arith.constant 0 : i32
      %dma_start3A_363 = tpu.memref_slice %arg7[%dma_start3A_356, %dma_start3A_362] : memref<5x80xi32, #tpu.memory_space<vmem>> -> memref<1x80xi32, #tpu.memory_space<vmem>>
      %dma_start3A_364 = tpu.memref_squeeze %dma_start3A_363 : memref<1x80xi32, #tpu.memory_space<vmem>> -> memref<80xi32, #tpu.memory_space<vmem>>
      %dma_start3A_365 = arith.constant 0 : i32
      %dma_start3A_366 = arith.constant 0 : i32
      %dma_start3A_367 = tpu.memref_slice %arg2[%dma_start3A_365, %dma_start3A_366] : memref<10000x16xf32, #tpu.memory_space<hbm>> -> memref<10000x16xf32, #tpu.memory_space<hbm>>
      tpu.enqueue_indirect_dma source(%dma_start3A_367 : memref<10000x16xf32, #tpu.memory_space<hbm>>) target(%dma_start3A_361 : memref<80x16xf32, #tpu.memory_space<vmem>>) offsets(%dma_start3A_364 : memref<80xi32, #tpu.memory_space<vmem>>) semaphore(%arg11 : memref<!tpu.dma_semaphore, #tpu.memory_space<semaphore_mem>>) {add = true}
      %dma_start3A_368 = arith.constant 4 : i32
      %dma_start3A_369 = arith.constant 4 : i32
      %dma_start3A_370 = arith.constant 0 : i32
      %dma_start3A_371 = arith.constant 0 : i32
      %dma_start3A_372 = tpu.memref_slice %arg9[%dma_start3A_369, %dma_start3A_370, %dma_start3A_371] : memref<5x80x16xf32, #tpu.memory_space<vmem>> -> memref<1x80x16xf32, #tpu.memory_space<vmem>>
      %dma_start3A_373 = tpu.memref_squeeze %dma_start3A_372 : memref<1x80x16xf32, #tpu.memory_space<vmem>> -> memref<80x16xf32, #tpu.memory_space<vmem>>
      %dma_start3A_374 = arith.constant 0 : i32
      %dma_start3A_375 = tpu.memref_slice %arg7[%dma_start3A_368, %dma_start3A_374] : memref<5x80xi32, #tpu.memory_space<vmem>> -> memref<1x80xi32, #tpu.memory_space<vmem>>
      %dma_start3A_376 = tpu.memref_squeeze %dma_start3A_375 : memref<1x80xi32, #tpu.memory_space<vmem>> -> memref<80xi32, #tpu.memory_space<vmem>>
      %dma_start3A_377 = arith.constant 0 : i32
      %dma_start3A_378 = arith.constant 0 : i32
      %dma_start3A_379 = tpu.memref_slice %arg2[%dma_start3A_377, %dma_start3A_378] : memref<10000x16xf32, #tpu.memory_space<hbm>> -> memref<10000x16xf32, #tpu.memory_space<hbm>>
      tpu.enqueue_indirect_dma source(%dma_start3A_379 : memref<10000x16xf32, #tpu.memory_space<hbm>>) target(%dma_start3A_373 : memref<80x16xf32, #tpu.memory_space<vmem>>) offsets(%dma_start3A_376 : memref<80xi32, #tpu.memory_space<vmem>>) semaphore(%arg11 : memref<!tpu.dma_semaphore, #tpu.memory_space<semaphore_mem>>) {add = true}
      %dma_wait3A_380 = arith.constant 0 : i32
      %dma_wait3A_381 = arith.constant 0 : i32
      %dma_wait3A_382 = arith.constant 0 : i32
      %dma_wait3A_383 = arith.constant 0 : i32
      %dma_wait3A_384 = tpu.memref_slice %arg9[%dma_wait3A_381, %dma_wait3A_382, %dma_wait3A_383] : memref<5x80x16xf32, #tpu.memory_space<vmem>> -> memref<1x80x16xf32, #tpu.memory_space<vmem>>
      %dma_wait3A_385 = tpu.memref_squeeze %dma_wait3A_384 : memref<1x80x16xf32, #tpu.memory_space<vmem>> -> memref<80x16xf32, #tpu.memory_space<vmem>>
      %dma_wait3A_386 = arith.constant 0 : i32
      %dma_wait3A_387 = tpu.memref_slice %arg7[%dma_wait3A_380, %dma_wait3A_386] : memref<5x80xi32, #tpu.memory_space<vmem>> -> memref<1x80xi32, #tpu.memory_space<vmem>>
      %dma_wait3A_388 = tpu.memref_squeeze %dma_wait3A_387 : memref<1x80xi32, #tpu.memory_space<vmem>> -> memref<80xi32, #tpu.memory_space<vmem>>
      %dma_wait3A_389 = arith.constant 0 : i32
      %dma_wait3A_390 = arith.constant 0 : i32
      %dma_wait3A_391 = tpu.memref_slice %arg2[%dma_wait3A_389, %dma_wait3A_390] : memref<10000x16xf32, #tpu.memory_space<hbm>> -> memref<10000x16xf32, #tpu.memory_space<hbm>>
      tpu.wait_indirect_dma semaphore(%arg11 : memref<!tpu.dma_semaphore, #tpu.memory_space<semaphore_mem>>) src(%dma_wait3A_391 : memref<10000x16xf32, #tpu.memory_space<hbm>>) dst(%dma_wait3A_385 : memref<80x16xf32, #tpu.memory_space<vmem>>)
      %dma_wait3A_392 = arith.constant 1 : i32
      %dma_wait3A_393 = arith.constant 1 : i32
      %dma_wait3A_394 = arith.constant 0 : i32
      %dma_wait3A_395 = arith.constant 0 : i32
      %dma_wait3A_396 = tpu.memref_slice %arg9[%dma_wait3A_393, %dma_wait3A_394, %dma_wait3A_395] : memref<5x80x16xf32, #tpu.memory_space<vmem>> -> memref<1x80x16xf32, #tpu.memory_space<vmem>>
      %dma_wait3A_397 = tpu.memref_squeeze %dma_wait3A_396 : memref<1x80x16xf32, #tpu.memory_space<vmem>> -> memref<80x16xf32, #tpu.memory_space<vmem>>
      %dma_wait3A_398 = arith.constant 0 : i32
      %dma_wait3A_399 = tpu.memref_slice %arg7[%dma_wait3A_392, %dma_wait3A_398] : memref<5x80xi32, #tpu.memory_space<vmem>> -> memref<1x80xi32, #tpu.memory_space<vmem>>
      %dma_wait3A_400 = tpu.memref_squeeze %dma_wait3A_399 : memref<1x80xi32, #tpu.memory_space<vmem>> -> memref<80xi32, #tpu.memory_space<vmem>>
      %dma_wait3A_401 = arith.constant 0 : i32
      %dma_wait3A_402 = arith.constant 0 : i32
      %dma_wait3A_403 = tpu.memref_slice %arg2[%dma_wait3A_401, %dma_wait3A_402] : memref<10000x16xf32, #tpu.memory_space<hbm>> -> memref<10000x16xf32, #tpu.memory_space<hbm>>
      tpu.wait_indirect_dma semaphore(%arg11 : memref<!tpu.dma_semaphore, #tpu.memory_space<semaphore_mem>>) src(%dma_wait3A_403 : memref<10000x16xf32, #tpu.memory_space<hbm>>) dst(%dma_wait3A_397 : memref<80x16xf32, #tpu.memory_space<vmem>>)
      %dma_wait3A_404 = arith.constant 2 : i32
      %dma_wait3A_405 = arith.constant 2 : i32
      %dma_wait3A_406 = arith.constant 0 : i32
      %dma_wait3A_407 = arith.constant 0 : i32
      %dma_wait3A_408 = tpu.memref_slice %arg9[%dma_wait3A_405, %dma_wait3A_406, %dma_wait3A_407] : memref<5x80x16xf32, #tpu.memory_space<vmem>> -> memref<1x80x16xf32, #tpu.memory_space<vmem>>
      %dma_wait3A_409 = tpu.memref_squeeze %dma_wait3A_408 : memref<1x80x16xf32, #tpu.memory_space<vmem>> -> memref<80x16xf32, #tpu.memory_space<vmem>>
      %dma_wait3A_410 = arith.constant 0 : i32
      %dma_wait3A_411 = tpu.memref_slice %arg7[%dma_wait3A_404, %dma_wait3A_410] : memref<5x80xi32, #tpu.memory_space<vmem>> -> memref<1x80xi32, #tpu.memory_space<vmem>>
      %dma_wait3A_412 = tpu.memref_squeeze %dma_wait3A_411 : memref<1x80xi32, #tpu.memory_space<vmem>> -> memref<80xi32, #tpu.memory_space<vmem>>
      %dma_wait3A_413 = arith.constant 0 : i32
      %dma_wait3A_414 = arith.constant 0 : i32
      %dma_wait3A_415 = tpu.memref_slice %arg2[%dma_wait3A_413, %dma_wait3A_414] : memref<10000x16xf32, #tpu.memory_space<hbm>> -> memref<10000x16xf32, #tpu.memory_space<hbm>>
      tpu.wait_indirect_dma semaphore(%arg11 : memref<!tpu.dma_semaphore, #tpu.memory_space<semaphore_mem>>) src(%dma_wait3A_415 : memref<10000x16xf32, #tpu.memory_space<hbm>>) dst(%dma_wait3A_409 : memref<80x16xf32, #tpu.memory_space<vmem>>)
      %dma_wait3A_416 = arith.constant 3 : i32
      %dma_wait3A_417 = arith.constant 3 : i32
      %dma_wait3A_418 = arith.constant 0 : i32
      %dma_wait3A_419 = arith.constant 0 : i32
      %dma_wait3A_420 = tpu.memref_slice %arg9[%dma_wait3A_417, %dma_wait3A_418, %dma_wait3A_419] : memref<5x80x16xf32, #tpu.memory_space<vmem>> -> memref<1x80x16xf32, #tpu.memory_space<vmem>>
      %dma_wait3A_421 = tpu.memref_squeeze %dma_wait3A_420 : memref<1x80x16xf32, #tpu.memory_space<vmem>> -> memref<80x16xf32, #tpu.memory_space<vmem>>
      %dma_wait3A_422 = arith.constant 0 : i32
      %dma_wait3A_423 = tpu.memref_slice %arg7[%dma_wait3A_416, %dma_wait3A_422] : memref<5x80xi32, #tpu.memory_space<vmem>> -> memref<1x80xi32, #tpu.memory_space<vmem>>
      %dma_wait3A_424 = tpu.memref_squeeze %dma_wait3A_423 : memref<1x80xi32, #tpu.memory_space<vmem>> -> memref<80xi32, #tpu.memory_space<vmem>>
      %dma_wait3A_425 = arith.constant 0 : i32
      %dma_wait3A_426 = arith.constant 0 : i32
      %dma_wait3A_427 = tpu.memref_slice %arg2[%dma_wait3A_425, %dma_wait3A_426] : memref<10000x16xf32, #tpu.memory_space<hbm>> -> memref<10000x16xf32, #tpu.memory_space<hbm>>
      tpu.wait_indirect_dma semaphore(%arg11 : memref<!tpu.dma_semaphore, #tpu.memory_space<semaphore_mem>>) src(%dma_wait3A_427 : memref<10000x16xf32, #tpu.memory_space<hbm>>) dst(%dma_wait3A_421 : memref<80x16xf32, #tpu.memory_space<vmem>>)
      %dma_wait3A_428 = arith.constant 4 : i32
      %dma_wait3A_429 = arith.constant 4 : i32
      %dma_wait3A_430 = arith.constant 0 : i32
      %dma_wait3A_431 = arith.constant 0 : i32
      %dma_wait3A_432 = tpu.memref_slice %arg9[%dma_wait3A_429, %dma_wait3A_430, %dma_wait3A_431] : memref<5x80x16xf32, #tpu.memory_space<vmem>> -> memref<1x80x16xf32, #tpu.memory_space<vmem>>
      %dma_wait3A_433 = tpu.memref_squeeze %dma_wait3A_432 : memref<1x80x16xf32, #tpu.memory_space<vmem>> -> memref<80x16xf32, #tpu.memory_space<vmem>>
      %dma_wait3A_434 = arith.constant 0 : i32
      %dma_wait3A_435 = tpu.memref_slice %arg7[%dma_wait3A_428, %dma_wait3A_434] : memref<5x80xi32, #tpu.memory_space<vmem>> -> memref<1x80xi32, #tpu.memory_space<vmem>>
      %dma_wait3A_436 = tpu.memref_squeeze %dma_wait3A_435 : memref<1x80xi32, #tpu.memory_space<vmem>> -> memref<80xi32, #tpu.memory_space<vmem>>
      %dma_wait3A_437 = arith.constant 0 : i32
      %dma_wait3A_438 = arith.constant 0 : i32
      %dma_wait3A_439 = tpu.memref_slice %arg2[%dma_wait3A_437, %dma_wait3A_438] : memref<10000x16xf32, #tpu.memory_space<hbm>> -> memref<10000x16xf32, #tpu.memory_space<hbm>>
      tpu.wait_indirect_dma semaphore(%arg11 : memref<!tpu.dma_semaphore, #tpu.memory_space<semaphore_mem>>) src(%dma_wait3A_439 : memref<10000x16xf32, #tpu.memory_space<hbm>>) dst(%dma_wait3A_433 : memref<80x16xf32, #tpu.memory_space<vmem>>)
      %add3A_440 = arith.constant 0 : i32
      %add3A_441 = arith.addi %add3A_11, %add3A_440 : i32
      %dma_start3A_442 = arith.constant 0 : i32
      %dma_start3A_443 = arith.constant 0 : i32
      %dma_start3A_444 = arith.constant 0 : i32
      %dma_start3A_445 = tpu.memref_slice %arg9[%dma_start3A_442, %dma_start3A_443, %dma_start3A_444] : memref<5x80x16xf32, #tpu.memory_space<vmem>> -> memref<1x80x16xf32, #tpu.memory_space<vmem>>
      %dma_start3A_446 = tpu.memref_squeeze %dma_start3A_445 : memref<1x80x16xf32, #tpu.memory_space<vmem>> -> memref<80x16xf32, #tpu.memory_space<vmem>>
      %dma_start3A_447 = arith.constant 0 : i32
      %dma_start3A_448 = tpu.memref_slice %arg6[%add3A_441, %dma_start3A_447] : memref<320000x16xf32, #tpu.memory_space<hbm>> -> memref<80x16xf32, #tpu.memory_space<hbm>>
      %dma_start3A_449 = arith.constant 0 : i32
      %dma_start3A_450 = tpu.memref_slice %arg6[%add3A_441, %dma_start3A_449] : memref<320000x16xf32, #tpu.memory_space<hbm>> -> memref<80x16xf32, #tpu.memory_space<hbm>>
      %dma_start3A_451 = arith.constant 0 : i32
      %dma_start3A_452 = arith.constant 0 : i32
      %dma_start3A_453 = tpu.memref_slice %arg9[%dma_start3A_442, %dma_start3A_451, %dma_start3A_452] : memref<5x80x16xf32, #tpu.memory_space<vmem>> -> memref<1x80x16xf32, #tpu.memory_space<vmem>>
      %dma_start3A_454 = tpu.memref_squeeze %dma_start3A_453 : memref<1x80x16xf32, #tpu.memory_space<vmem>> -> memref<80x16xf32, #tpu.memory_space<vmem>>
      tpu.enqueue_dma source(%dma_start3A_454 : memref<80x16xf32, #tpu.memory_space<vmem>>) target(%dma_start3A_450 : memref<80x16xf32, #tpu.memory_space<hbm>>) target_semaphore(%arg12 : memref<!tpu.dma_semaphore, #tpu.memory_space<semaphore_mem>>)
      %add3A_455 = arith.constant 80 : i32
      %add3A_456 = arith.addi %add3A_11, %add3A_455 : i32
      %dma_start3A_457 = arith.constant 1 : i32
      %dma_start3A_458 = arith.constant 0 : i32
      %dma_start3A_459 = arith.constant 0 : i32
      %dma_start3A_460 = tpu.memref_slice %arg9[%dma_start3A_457, %dma_start3A_458, %dma_start3A_459] : memref<5x80x16xf32, #tpu.memory_space<vmem>> -> memref<1x80x16xf32, #tpu.memory_space<vmem>>
      %dma_start3A_461 = tpu.memref_squeeze %dma_start3A_460 : memref<1x80x16xf32, #tpu.memory_space<vmem>> -> memref<80x16xf32, #tpu.memory_space<vmem>>
      %dma_start3A_462 = arith.constant 0 : i32
      %dma_start3A_463 = tpu.memref_slice %arg6[%add3A_456, %dma_start3A_462] : memref<320000x16xf32, #tpu.memory_space<hbm>> -> memref<80x16xf32, #tpu.memory_space<hbm>>
      %dma_start3A_464 = arith.constant 0 : i32
      %dma_start3A_465 = tpu.memref_slice %arg6[%add3A_456, %dma_start3A_464] : memref<320000x16xf32, #tpu.memory_space<hbm>> -> memref<80x16xf32, #tpu.memory_space<hbm>>
      %dma_start3A_466 = arith.constant 0 : i32
      %dma_start3A_467 = arith.constant 0 : i32
      %dma_start3A_468 = tpu.memref_slice %arg9[%dma_start3A_457, %dma_start3A_466, %dma_start3A_467] : memref<5x80x16xf32, #tpu.memory_space<vmem>> -> memref<1x80x16xf32, #tpu.memory_space<vmem>>
      %dma_start3A_469 = tpu.memref_squeeze %dma_start3A_468 : memref<1x80x16xf32, #tpu.memory_space<vmem>> -> memref<80x16xf32, #tpu.memory_space<vmem>>
      tpu.enqueue_dma source(%dma_start3A_469 : memref<80x16xf32, #tpu.memory_space<vmem>>) target(%dma_start3A_465 : memref<80x16xf32, #tpu.memory_space<hbm>>) target_semaphore(%arg12 : memref<!tpu.dma_semaphore, #tpu.memory_space<semaphore_mem>>)
      %add3A_470 = arith.constant 160 : i32
      %add3A_471 = arith.addi %add3A_11, %add3A_470 : i32
      %dma_start3A_472 = arith.constant 2 : i32
      %dma_start3A_473 = arith.constant 0 : i32
      %dma_start3A_474 = arith.constant 0 : i32
      %dma_start3A_475 = tpu.memref_slice %arg9[%dma_start3A_472, %dma_start3A_473, %dma_start3A_474] : memref<5x80x16xf32, #tpu.memory_space<vmem>> -> memref<1x80x16xf32, #tpu.memory_space<vmem>>
      %dma_start3A_476 = tpu.memref_squeeze %dma_start3A_475 : memref<1x80x16xf32, #tpu.memory_space<vmem>> -> memref<80x16xf32, #tpu.memory_space<vmem>>
      %dma_start3A_477 = arith.constant 0 : i32
      %dma_start3A_478 = tpu.memref_slice %arg6[%add3A_471, %dma_start3A_477] : memref<320000x16xf32, #tpu.memory_space<hbm>> -> memref<80x16xf32, #tpu.memory_space<hbm>>
      %dma_start3A_479 = arith.constant 0 : i32
      %dma_start3A_480 = tpu.memref_slice %arg6[%add3A_471, %dma_start3A_479] : memref<320000x16xf32, #tpu.memory_space<hbm>> -> memref<80x16xf32, #tpu.memory_space<hbm>>
      %dma_start3A_481 = arith.constant 0 : i32
      %dma_start3A_482 = arith.constant 0 : i32
      %dma_start3A_483 = tpu.memref_slice %arg9[%dma_start3A_472, %dma_start3A_481, %dma_start3A_482] : memref<5x80x16xf32, #tpu.memory_space<vmem>> -> memref<1x80x16xf32, #tpu.memory_space<vmem>>
      %dma_start3A_484 = tpu.memref_squeeze %dma_start3A_483 : memref<1x80x16xf32, #tpu.memory_space<vmem>> -> memref<80x16xf32, #tpu.memory_space<vmem>>
      tpu.enqueue_dma source(%dma_start3A_484 : memref<80x16xf32, #tpu.memory_space<vmem>>) target(%dma_start3A_480 : memref<80x16xf32, #tpu.memory_space<hbm>>) target_semaphore(%arg12 : memref<!tpu.dma_semaphore, #tpu.memory_space<semaphore_mem>>)
      %add3A_485 = arith.constant 240 : i32
      %add3A_486 = arith.addi %add3A_11, %add3A_485 : i32
      %dma_start3A_487 = arith.constant 3 : i32
      %dma_start3A_488 = arith.constant 0 : i32
      %dma_start3A_489 = arith.constant 0 : i32
      %dma_start3A_490 = tpu.memref_slice %arg9[%dma_start3A_487, %dma_start3A_488, %dma_start3A_489] : memref<5x80x16xf32, #tpu.memory_space<vmem>> -> memref<1x80x16xf32, #tpu.memory_space<vmem>>
      %dma_start3A_491 = tpu.memref_squeeze %dma_start3A_490 : memref<1x80x16xf32, #tpu.memory_space<vmem>> -> memref<80x16xf32, #tpu.memory_space<vmem>>
      %dma_start3A_492 = arith.constant 0 : i32
      %dma_start3A_493 = tpu.memref_slice %arg6[%add3A_486, %dma_start3A_492] : memref<320000x16xf32, #tpu.memory_space<hbm>> -> memref<80x16xf32, #tpu.memory_space<hbm>>
      %dma_start3A_494 = arith.constant 0 : i32
      %dma_start3A_495 = tpu.memref_slice %arg6[%add3A_486, %dma_start3A_494] : memref<320000x16xf32, #tpu.memory_space<hbm>> -> memref<80x16xf32, #tpu.memory_space<hbm>>
      %dma_start3A_496 = arith.constant 0 : i32
      %dma_start3A_497 = arith.constant 0 : i32
      %dma_start3A_498 = tpu.memref_slice %arg9[%dma_start3A_487, %dma_start3A_496, %dma_start3A_497] : memref<5x80x16xf32, #tpu.memory_space<vmem>> -> memref<1x80x16xf32, #tpu.memory_space<vmem>>
      %dma_start3A_499 = tpu.memref_squeeze %dma_start3A_498 : memref<1x80x16xf32, #tpu.memory_space<vmem>> -> memref<80x16xf32, #tpu.memory_space<vmem>>
      tpu.enqueue_dma source(%dma_start3A_499 : memref<80x16xf32, #tpu.memory_space<vmem>>) target(%dma_start3A_495 : memref<80x16xf32, #tpu.memory_space<hbm>>) target_semaphore(%arg12 : memref<!tpu.dma_semaphore, #tpu.memory_space<semaphore_mem>>)
      %add3A_500 = arith.constant 320 : i32
      %add3A_501 = arith.addi %add3A_11, %add3A_500 : i32
      %dma_start3A_502 = arith.constant 4 : i32
      %dma_start3A_503 = arith.constant 0 : i32
      %dma_start3A_504 = arith.constant 0 : i32
      %dma_start3A_505 = tpu.memref_slice %arg9[%dma_start3A_502, %dma_start3A_503, %dma_start3A_504] : memref<5x80x16xf32, #tpu.memory_space<vmem>> -> memref<1x80x16xf32, #tpu.memory_space<vmem>>
      %dma_start3A_506 = tpu.memref_squeeze %dma_start3A_505 : memref<1x80x16xf32, #tpu.memory_space<vmem>> -> memref<80x16xf32, #tpu.memory_space<vmem>>
      %dma_start3A_507 = arith.constant 0 : i32
      %dma_start3A_508 = tpu.memref_slice %arg6[%add3A_501, %dma_start3A_507] : memref<320000x16xf32, #tpu.memory_space<hbm>> -> memref<80x16xf32, #tpu.memory_space<hbm>>
      %dma_start3A_509 = arith.constant 0 : i32
      %dma_start3A_510 = tpu.memref_slice %arg6[%add3A_501, %dma_start3A_509] : memref<320000x16xf32, #tpu.memory_space<hbm>> -> memref<80x16xf32, #tpu.memory_space<hbm>>
      %dma_start3A_511 = arith.constant 0 : i32
      %dma_start3A_512 = arith.constant 0 : i32
      %dma_start3A_513 = tpu.memref_slice %arg9[%dma_start3A_502, %dma_start3A_511, %dma_start3A_512] : memref<5x80x16xf32, #tpu.memory_space<vmem>> -> memref<1x80x16xf32, #tpu.memory_space<vmem>>
      %dma_start3A_514 = tpu.memref_squeeze %dma_start3A_513 : memref<1x80x16xf32, #tpu.memory_space<vmem>> -> memref<80x16xf32, #tpu.memory_space<vmem>>
      tpu.enqueue_dma source(%dma_start3A_514 : memref<80x16xf32, #tpu.memory_space<vmem>>) target(%dma_start3A_510 : memref<80x16xf32, #tpu.memory_space<hbm>>) target_semaphore(%arg12 : memref<!tpu.dma_semaphore, #tpu.memory_space<semaphore_mem>>)
      %dma_wait3A_515 = arith.constant 0 : i32
      %dma_wait3A_516 = arith.constant 0 : i32
      %dma_wait3A_517 = arith.constant 0 : i32
      %dma_wait3A_518 = tpu.memref_slice %arg9[%dma_wait3A_515, %dma_wait3A_516, %dma_wait3A_517] : memref<5x80x16xf32, #tpu.memory_space<vmem>> -> memref<1x80x16xf32, #tpu.memory_space<vmem>>
      %dma_wait3A_519 = tpu.memref_squeeze %dma_wait3A_518 : memref<1x80x16xf32, #tpu.memory_space<vmem>> -> memref<80x16xf32, #tpu.memory_space<vmem>>
      %dma_wait3A_520 = arith.constant 0 : i32
      %dma_wait3A_521 = tpu.memref_slice %arg6[%add3A_441, %dma_wait3A_520] : memref<320000x16xf32, #tpu.memory_space<hbm>> -> memref<80x16xf32, #tpu.memory_space<hbm>>
      %dma_wait3A_522 = arith.constant 0 : i32
      %dma_wait3A_523 = tpu.memref_slice %arg6[%add3A_441, %dma_wait3A_522] : memref<320000x16xf32, #tpu.memory_space<hbm>> -> memref<80x16xf32, #tpu.memory_space<hbm>>
      %dma_wait3A_524 = arith.constant 0 : i32
      %dma_wait3A_525 = arith.constant 0 : i32
      %dma_wait3A_526 = tpu.memref_slice %arg9[%dma_wait3A_515, %dma_wait3A_524, %dma_wait3A_525] : memref<5x80x16xf32, #tpu.memory_space<vmem>> -> memref<1x80x16xf32, #tpu.memory_space<vmem>>
      %dma_wait3A_527 = tpu.memref_squeeze %dma_wait3A_526 : memref<1x80x16xf32, #tpu.memory_space<vmem>> -> memref<80x16xf32, #tpu.memory_space<vmem>>
      tpu.wait_dma2 semaphore(%arg12 : memref<!tpu.dma_semaphore, #tpu.memory_space<semaphore_mem>>) src(%dma_wait3A_527 : memref<80x16xf32, #tpu.memory_space<vmem>>) dst(%dma_wait3A_523 : memref<80x16xf32, #tpu.memory_space<hbm>>)
      %dma_wait3A_528 = arith.constant 1 : i32
      %dma_wait3A_529 = arith.constant 0 : i32
      %dma_wait3A_530 = arith.constant 0 : i32
      %dma_wait3A_531 = tpu.memref_slice %arg9[%dma_wait3A_528, %dma_wait3A_529, %dma_wait3A_530] : memref<5x80x16xf32, #tpu.memory_space<vmem>> -> memref<1x80x16xf32, #tpu.memory_space<vmem>>
      %dma_wait3A_532 = tpu.memref_squeeze %dma_wait3A_531 : memref<1x80x16xf32, #tpu.memory_space<vmem>> -> memref<80x16xf32, #tpu.memory_space<vmem>>
      %dma_wait3A_533 = arith.constant 0 : i32
      %dma_wait3A_534 = tpu.memref_slice %arg6[%add3A_456, %dma_wait3A_533] : memref<320000x16xf32, #tpu.memory_space<hbm>> -> memref<80x16xf32, #tpu.memory_space<hbm>>
      %dma_wait3A_535 = arith.constant 0 : i32
      %dma_wait3A_536 = tpu.memref_slice %arg6[%add3A_456, %dma_wait3A_535] : memref<320000x16xf32, #tpu.memory_space<hbm>> -> memref<80x16xf32, #tpu.memory_space<hbm>>
      %dma_wait3A_537 = arith.constant 0 : i32
      %dma_wait3A_538 = arith.constant 0 : i32
      %dma_wait3A_539 = tpu.memref_slice %arg9[%dma_wait3A_528, %dma_wait3A_537, %dma_wait3A_538] : memref<5x80x16xf32, #tpu.memory_space<vmem>> -> memref<1x80x16xf32, #tpu.memory_space<vmem>>
      %dma_wait3A_540 = tpu.memref_squeeze %dma_wait3A_539 : memref<1x80x16xf32, #tpu.memory_space<vmem>> -> memref<80x16xf32, #tpu.memory_space<vmem>>
      tpu.wait_dma2 semaphore(%arg12 : memref<!tpu.dma_semaphore, #tpu.memory_space<semaphore_mem>>) src(%dma_wait3A_540 : memref<80x16xf32, #tpu.memory_space<vmem>>) dst(%dma_wait3A_536 : memref<80x16xf32, #tpu.memory_space<hbm>>)
      %dma_wait3A_541 = arith.constant 2 : i32
      %dma_wait3A_542 = arith.constant 0 : i32
      %dma_wait3A_543 = arith.constant 0 : i32
      %dma_wait3A_544 = tpu.memref_slice %arg9[%dma_wait3A_541, %dma_wait3A_542, %dma_wait3A_543] : memref<5x80x16xf32, #tpu.memory_space<vmem>> -> memref<1x80x16xf32, #tpu.memory_space<vmem>>
      %dma_wait3A_545 = tpu.memref_squeeze %dma_wait3A_544 : memref<1x80x16xf32, #tpu.memory_space<vmem>> -> memref<80x16xf32, #tpu.memory_space<vmem>>
      %dma_wait3A_546 = arith.constant 0 : i32
      %dma_wait3A_547 = tpu.memref_slice %arg6[%add3A_471, %dma_wait3A_546] : memref<320000x16xf32, #tpu.memory_space<hbm>> -> memref<80x16xf32, #tpu.memory_space<hbm>>
      %dma_wait3A_548 = arith.constant 0 : i32
      %dma_wait3A_549 = tpu.memref_slice %arg6[%add3A_471, %dma_wait3A_548] : memref<320000x16xf32, #tpu.memory_space<hbm>> -> memref<80x16xf32, #tpu.memory_space<hbm>>
      %dma_wait3A_550 = arith.constant 0 : i32
      %dma_wait3A_551 = arith.constant 0 : i32
      %dma_wait3A_552 = tpu.memref_slice %arg9[%dma_wait3A_541, %dma_wait3A_550, %dma_wait3A_551] : memref<5x80x16xf32, #tpu.memory_space<vmem>> -> memref<1x80x16xf32, #tpu.memory_space<vmem>>
      %dma_wait3A_553 = tpu.memref_squeeze %dma_wait3A_552 : memref<1x80x16xf32, #tpu.memory_space<vmem>> -> memref<80x16xf32, #tpu.memory_space<vmem>>
      tpu.wait_dma2 semaphore(%arg12 : memref<!tpu.dma_semaphore, #tpu.memory_space<semaphore_mem>>) src(%dma_wait3A_553 : memref<80x16xf32, #tpu.memory_space<vmem>>) dst(%dma_wait3A_549 : memref<80x16xf32, #tpu.memory_space<hbm>>)
      %dma_wait3A_554 = arith.constant 3 : i32
      %dma_wait3A_555 = arith.constant 0 : i32
      %dma_wait3A_556 = arith.constant 0 : i32
      %dma_wait3A_557 = tpu.memref_slice %arg9[%dma_wait3A_554, %dma_wait3A_555, %dma_wait3A_556] : memref<5x80x16xf32, #tpu.memory_space<vmem>> -> memref<1x80x16xf32, #tpu.memory_space<vmem>>
      %dma_wait3A_558 = tpu.memref_squeeze %dma_wait3A_557 : memref<1x80x16xf32, #tpu.memory_space<vmem>> -> memref<80x16xf32, #tpu.memory_space<vmem>>
      %dma_wait3A_559 = arith.constant 0 : i32
      %dma_wait3A_560 = tpu.memref_slice %arg6[%add3A_486, %dma_wait3A_559] : memref<320000x16xf32, #tpu.memory_space<hbm>> -> memref<80x16xf32, #tpu.memory_space<hbm>>
      %dma_wait3A_561 = arith.constant 0 : i32
      %dma_wait3A_562 = tpu.memref_slice %arg6[%add3A_486, %dma_wait3A_561] : memref<320000x16xf32, #tpu.memory_space<hbm>> -> memref<80x16xf32, #tpu.memory_space<hbm>>
      %dma_wait3A_563 = arith.constant 0 : i32
      %dma_wait3A_564 = arith.constant 0 : i32
      %dma_wait3A_565 = tpu.memref_slice %arg9[%dma_wait3A_554, %dma_wait3A_563, %dma_wait3A_564] : memref<5x80x16xf32, #tpu.memory_space<vmem>> -> memref<1x80x16xf32, #tpu.memory_space<vmem>>
      %dma_wait3A_566 = tpu.memref_squeeze %dma_wait3A_565 : memref<1x80x16xf32, #tpu.memory_space<vmem>> -> memref<80x16xf32, #tpu.memory_space<vmem>>
      tpu.wait_dma2 semaphore(%arg12 : memref<!tpu.dma_semaphore, #tpu.memory_space<semaphore_mem>>) src(%dma_wait3A_566 : memref<80x16xf32, #tpu.memory_space<vmem>>) dst(%dma_wait3A_562 : memref<80x16xf32, #tpu.memory_space<hbm>>)
      %dma_wait3A_567 = arith.constant 4 : i32
      %dma_wait3A_568 = arith.constant 0 : i32
      %dma_wait3A_569 = arith.constant 0 : i32
      %dma_wait3A_570 = tpu.memref_slice %arg9[%dma_wait3A_567, %dma_wait3A_568, %dma_wait3A_569] : memref<5x80x16xf32, #tpu.memory_space<vmem>> -> memref<1x80x16xf32, #tpu.memory_space<vmem>>
      %dma_wait3A_571 = tpu.memref_squeeze %dma_wait3A_570 : memref<1x80x16xf32, #tpu.memory_space<vmem>> -> memref<80x16xf32, #tpu.memory_space<vmem>>
      %dma_wait3A_572 = arith.constant 0 : i32
      %dma_wait3A_573 = tpu.memref_slice %arg6[%add3A_501, %dma_wait3A_572] : memref<320000x16xf32, #tpu.memory_space<hbm>> -> memref<80x16xf32, #tpu.memory_space<hbm>>
      %dma_wait3A_574 = arith.constant 0 : i32
      %dma_wait3A_575 = tpu.memref_slice %arg6[%add3A_501, %dma_wait3A_574] : memref<320000x16xf32, #tpu.memory_space<hbm>> -> memref<80x16xf32, #tpu.memory_space<hbm>>
      %dma_wait3A_576 = arith.constant 0 : i32
      %dma_wait3A_577 = arith.constant 0 : i32
      %dma_wait3A_578 = tpu.memref_slice %arg9[%dma_wait3A_567, %dma_wait3A_576, %dma_wait3A_577] : memref<5x80x16xf32, #tpu.memory_space<vmem>> -> memref<1x80x16xf32, #tpu.memory_space<vmem>>
      %dma_wait3A_579 = tpu.memref_squeeze %dma_wait3A_578 : memref<1x80x16xf32, #tpu.memory_space<vmem>> -> memref<80x16xf32, #tpu.memory_space<vmem>>
      tpu.wait_dma2 semaphore(%arg12 : memref<!tpu.dma_semaphore, #tpu.memory_space<semaphore_mem>>) src(%dma_wait3A_579 : memref<80x16xf32, #tpu.memory_space<vmem>>) dst(%dma_wait3A_575 : memref<80x16xf32, #tpu.memory_space<hbm>>)
    }
    %scan3A_7 = arith.constant 25 : i32
    return
  }
}

module attributes {stable_mosaic.version = 14 : i64} {
  func.func @_pq_body(%arg0: i32, %arg1: memref<2000x128xf32, #tpu.memory_space<vmem>>, %arg2: memref<128x16xf32, #tpu.memory_space<vmem>>, %arg3: memref<128x16xf32, #tpu.memory_space<vmem>>, %arg4: memref<2000x16xf32, #tpu.memory_space<vmem>>, %arg5: memref<2000x16xf32, #tpu.memory_space<vmem>>) attributes {dimension_semantics = [#tpu.dimension_semantics<arbitrary>], iteration_bounds = array<i64: 5>, scalar_prefetch = 0 : i64, scratch_operands = 0 : i64, tpu.core_type = #tpu.core_type<tc>, window_params = [{transform_indices = @transform_0, window_bounds = array<i64: 2000, 128>}, {pipeline_mode = #tpu.pipeline_mode<synchronous>, transform_indices = @transform_1, window_bounds = array<i64: 128, 16>}, {pipeline_mode = #tpu.pipeline_mode<synchronous>, transform_indices = @transform_2, window_bounds = array<i64: 128, 16>}, {transform_indices = @transform_3, window_bounds = array<i64: 2000, 16>}, {transform_indices = @transform_4, window_bounds = array<i64: 2000, 16>}]} {
    %get3A = arith.constant 0 : index
    %get3A_0 = arith.constant 0 : index
    %get3A_1 = vector.load %arg1[%get3A, %get3A_0] : memref<2000x128xf32, #tpu.memory_space<vmem>>, vector<2000x128xf32>
    %get3A_2 = arith.constant 0 : index
    %get3A_3 = arith.constant 0 : index
    %get3A_4 = vector.load %arg2[%get3A_2, %get3A_3] : memref<128x16xf32, #tpu.memory_space<vmem>>, vector<128x16xf32>
    %dot_general3A = arith.constant dense<0.000000e+00> : vector<2000x16xf32>
    %dot_general3A_5 = tpu.matmul %get3A_1, %get3A_4, %dot_general3A {dimension_numbers = #tpu.dot_dimension_numbers<[1], [0], [0], [1], [0, 0, 1, 1], [], []>, precision = #tpu.contract_precision<fp32>, transpose_lhs_hint = false} : vector<2000x128xf32>, vector<128x16xf32>, vector<2000x16xf32> -> vector<2000x16xf32>
    %swap3A = arith.constant 0 : index
    %swap3A_6 = arith.constant 0 : index
    %swap3A_7 = vector.load %arg4[%swap3A, %swap3A_6] : memref<2000x16xf32, #tpu.memory_space<vmem>>, vector<2000x16xf32>
    tpu.vector_store %arg4[%swap3A, %swap3A_6], %dot_general3A_5 {strides = array<i32>} : memref<2000x16xf32, #tpu.memory_space<vmem>>, vector<2000x16xf32>,
    %get3A_8 = arith.constant 0 : index
    %get3A_9 = arith.constant 0 : index
    %get3A_10 = vector.load %arg3[%get3A_8, %get3A_9] : memref<128x16xf32, #tpu.memory_space<vmem>>, vector<128x16xf32>
    %dot_general3A_11 = arith.constant dense<0.000000e+00> : vector<2000x16xf32>
    %dot_general3A_12 = tpu.matmul %get3A_1, %get3A_10, %dot_general3A_11 {dimension_numbers = #tpu.dot_dimension_numbers<[1], [0], [0], [1], [0, 0, 1, 1], [], []>, precision = #tpu.contract_precision<fp32>, transpose_lhs_hint = false} : vector<2000x128xf32>, vector<128x16xf32>, vector<2000x16xf32> -> vector<2000x16xf32>
    %swap3A_13 = arith.constant 0 : index
    %swap3A_14 = arith.constant 0 : index
    %swap3A_15 = vector.load %arg5[%swap3A_13, %swap3A_14] : memref<2000x16xf32, #tpu.memory_space<vmem>>, vector<2000x16xf32>
    tpu.vector_store %arg5[%swap3A_13, %swap3A_14], %dot_general3A_12 {strides = array<i32>} : memref<2000x16xf32, #tpu.memory_space<vmem>>, vector<2000x16xf32>,
    return
  }
  func.func @transform_0(%arg0: i32) -> (i32, i32) {
    %c0_i32 = arith.constant 0 : i32
    %c0_i32_0 = arith.constant 0 : i32
    return %arg0, %c0_i32 : i32, i32
  }
  func.func @transform_1(%arg0: i32) -> (i32, i32) {
    %c0_i32 = arith.constant 0 : i32
    %c0_i32_0 = arith.constant 0 : i32
    %c0_i32_1 = arith.constant 0 : i32
    return %c0_i32, %c0_i32_0 : i32, i32
  }
  func.func @transform_2(%arg0: i32) -> (i32, i32) {
    %c0_i32 = arith.constant 0 : i32
    %c0_i32_0 = arith.constant 0 : i32
    %c0_i32_1 = arith.constant 0 : i32
    return %c0_i32, %c0_i32_0 : i32, i32
  }
  func.func @transform_3(%arg0: i32) -> (i32, i32) {
    %c0_i32 = arith.constant 0 : i32
    %c0_i32_0 = arith.constant 0 : i32
    return %arg0, %c0_i32 : i32, i32
  }
  func.func @transform_4(%arg0: i32) -> (i32, i32) {
    %c0_i32 = arith.constant 0 : i32
    %c0_i32_0 = arith.constant 0 : i32
    return %arg0, %c0_i32 : i32, i32
  }
}

module attributes {stable_mosaic.version = 14 : i64} {
  func.func @_edge_body(%arg0: i32, %arg1: memref<2000x128xf32, #tpu.memory_space<vmem>>, %arg2: memref<2000x128xf32, #tpu.memory_space<vmem>>, %arg3: memref<128x128xf32, #tpu.memory_space<vmem>>, %arg4: memref<128x128xf32, #tpu.memory_space<vmem>>, %arg5: memref<1x128xf32, #tpu.memory_space<vmem>>, %arg6: memref<1x128xf32, #tpu.memory_space<vmem>>, %arg7: memref<1x128xf32, #tpu.memory_space<vmem>>, %arg8: memref<2000x128xf32, #tpu.memory_space<vmem>>) attributes {dimension_semantics = [#tpu.dimension_semantics<arbitrary>], iteration_bounds = array<i64: 20>, scalar_prefetch = 0 : i64, scratch_operands = 0 : i64, tpu.core_type = #tpu.core_type<tc>, window_params = [{transform_indices = @transform_0, window_bounds = array<i64: 2000, 128>}, {transform_indices = @transform_1, window_bounds = array<i64: 2000, 128>}, {pipeline_mode = #tpu.pipeline_mode<synchronous>, transform_indices = @transform_2, window_bounds = array<i64: 128, 128>}, {pipeline_mode = #tpu.pipeline_mode<synchronous>, transform_indices = @transform_3, window_bounds = array<i64: 128, 128>}, {pipeline_mode = #tpu.pipeline_mode<synchronous>, transform_indices = @transform_4, window_bounds = array<i64: 1, 128>}, {pipeline_mode = #tpu.pipeline_mode<synchronous>, transform_indices = @transform_5, window_bounds = array<i64: 1, 128>}, {pipeline_mode = #tpu.pipeline_mode<synchronous>, transform_indices = @transform_6, window_bounds = array<i64: 1, 128>}, {transform_indices = @transform_7, window_bounds = array<i64: 2000, 128>}]} {
    %get3A = arith.constant 0 : index
    %get3A_0 = arith.constant 0 : index
    %get3A_1 = vector.load %arg1[%get3A, %get3A_0] : memref<2000x128xf32, #tpu.memory_space<vmem>>, vector<2000x128xf32>
    %get3A_2 = arith.constant 0 : index
    %get3A_3 = arith.constant 0 : index
    %get3A_4 = vector.load %arg3[%get3A_2, %get3A_3] : memref<128x128xf32, #tpu.memory_space<vmem>>, vector<128x128xf32>
    %dot_general3A = arith.constant dense<0.000000e+00> : vector<2000x128xf32>
    %dot_general3A_5 = tpu.matmul %get3A_1, %get3A_4, %dot_general3A {dimension_numbers = #tpu.dot_dimension_numbers<[1], [0], [0], [1], [0, 0, 1, 1], [], []>, precision = #tpu.contract_precision<fp32>, transpose_lhs_hint = false} : vector<2000x128xf32>, vector<128x128xf32>, vector<2000x128xf32> -> vector<2000x128xf32>
    %add3A = arith.addf %get3A_1, %dot_general3A_5 : vector<2000x128xf32>
    %get3A_6 = arith.constant 0 : index
    %get3A_7 = arith.constant 0 : index
    %get3A_8 = vector.load %arg5[%get3A_6, %get3A_7] : memref<1x128xf32, #tpu.memory_space<vmem>>, vector<1x128xf32>
    %add3A_9 = vector.broadcast %get3A_8 : vector<1x128xf32> to vector<2000x128xf32>
    %add3A_10 = arith.addf %add3A, %add3A_9 : vector<2000x128xf32>
    %get3A_11 = arith.constant 0 : index
    %get3A_12 = arith.constant 0 : index
    %get3A_13 = vector.load %arg2[%get3A_11, %get3A_12] : memref<2000x128xf32, #tpu.memory_space<vmem>>, vector<2000x128xf32>
    %add3A_14 = arith.addf %add3A_10, %get3A_13 : vector<2000x128xf32>
    %get3A_15 = arith.constant 0 : index
    %get3A_16 = arith.constant 0 : index
    %get3A_17 = vector.load %arg4[%get3A_15, %get3A_16] : memref<128x128xf32, #tpu.memory_space<vmem>>, vector<128x128xf32>
    %dot_general3A_18 = arith.constant dense<0.000000e+00> : vector<2000x128xf32>
    %dot_general3A_19 = tpu.matmul %add3A_14, %get3A_17, %dot_general3A_18 {dimension_numbers = #tpu.dot_dimension_numbers<[1], [0], [0], [1], [0, 0, 1, 1], [], []>, precision = #tpu.contract_precision<fp32>, transpose_lhs_hint = false} : vector<2000x128xf32>, vector<128x128xf32>, vector<2000x128xf32> -> vector<2000x128xf32>
    %sub3A = arith.subf %add3A_14, %dot_general3A_19 : vector<2000x128xf32>
    %mul3A = arith.mulf %sub3A, %sub3A : vector<2000x128xf32>
    %get3A_20 = arith.constant 0 : index
    %get3A_21 = arith.constant 0 : index
    %get3A_22 = vector.load %arg4[%get3A_20, %get3A_21] : memref<128x128xf32, #tpu.memory_space<vmem>>, vector<128x128xf32>
    %dot_general3A_23 = arith.constant dense<0.000000e+00> : vector<2000x128xf32>
    %dot_general3A_24 = tpu.matmul %mul3A, %get3A_22, %dot_general3A_23 {dimension_numbers = #tpu.dot_dimension_numbers<[1], [0], [0], [1], [0, 0, 1, 1], [], []>, precision = #tpu.contract_precision<fp32>, transpose_lhs_hint = false} : vector<2000x128xf32>, vector<128x128xf32>, vector<2000x128xf32> -> vector<2000x128xf32>
    %add3A_25 = arith.constant 9.99999974E-6 : f32
    %add3A_26 = vector.broadcast %add3A_25 : f32 to vector<2000x128xf32>
    %add3A_27 = arith.addf %dot_general3A_24, %add3A_26 : vector<2000x128xf32>
    %rsqrt3A = math.rsqrt %add3A_27 : vector<2000x128xf32>
    %mul3A_28 = arith.mulf %sub3A, %rsqrt3A : vector<2000x128xf32>
    %get3A_29 = arith.constant 0 : index
    %get3A_30 = arith.constant 0 : index
    %get3A_31 = vector.load %arg6[%get3A_29, %get3A_30] : memref<1x128xf32, #tpu.memory_space<vmem>>, vector<1x128xf32>
    %mul3A_32 = vector.broadcast %get3A_31 : vector<1x128xf32> to vector<2000x128xf32>
    %mul3A_33 = arith.mulf %mul3A_28, %mul3A_32 : vector<2000x128xf32>
    %get3A_34 = arith.constant 0 : index
    %get3A_35 = arith.constant 0 : index
    %get3A_36 = vector.load %arg7[%get3A_34, %get3A_35] : memref<1x128xf32, #tpu.memory_space<vmem>>, vector<1x128xf32>
    %add3A_37 = vector.broadcast %get3A_36 : vector<1x128xf32> to vector<2000x128xf32>
    %add3A_38 = arith.addf %mul3A_33, %add3A_37 : vector<2000x128xf32>
    %swap3A = arith.constant 0 : index
    %swap3A_39 = arith.constant 0 : index
    %swap3A_40 = vector.load %arg8[%swap3A, %swap3A_39] : memref<2000x128xf32, #tpu.memory_space<vmem>>, vector<2000x128xf32>
    tpu.vector_store %arg8[%swap3A, %swap3A_39], %add3A_38 {strides = array<i32>} : memref<2000x128xf32, #tpu.memory_space<vmem>>, vector<2000x128xf32>,
    return
  }
  func.func @transform_0(%arg0: i32) -> (i32, i32) {
    %c0_i32 = arith.constant 0 : i32
    %c0_i32_0 = arith.constant 0 : i32
    return %arg0, %c0_i32 : i32, i32
  }
  func.func @transform_1(%arg0: i32) -> (i32, i32) {
    %c0_i32 = arith.constant 0 : i32
    %c0_i32_0 = arith.constant 0 : i32
    return %arg0, %c0_i32 : i32, i32
  }
  func.func @transform_2(%arg0: i32) -> (i32, i32) {
    %c0_i32 = arith.constant 0 : i32
    %c0_i32_0 = arith.constant 0 : i32
    %c0_i32_1 = arith.constant 0 : i32
    return %c0_i32, %c0_i32_0 : i32, i32
  }
  func.func @transform_3(%arg0: i32) -> (i32, i32) {
    %c0_i32 = arith.constant 0 : i32
    %c0_i32_0 = arith.constant 0 : i32
    %c0_i32_1 = arith.constant 0 : i32
    return %c0_i32, %c0_i32_0 : i32, i32
  }
  func.func @transform_4(%arg0: i32) -> (i32, i32) {
    %c0_i32 = arith.constant 0 : i32
    %c0_i32_0 = arith.constant 0 : i32
    %c0_i32_1 = arith.constant 0 : i32
    return %c0_i32, %c0_i32_0 : i32, i32
  }
  func.func @transform_5(%arg0: i32) -> (i32, i32) {
    %c0_i32 = arith.constant 0 : i32
    %c0_i32_0 = arith.constant 0 : i32
    %c0_i32_1 = arith.constant 0 : i32
    return %c0_i32, %c0_i32_0 : i32, i32
  }
  func.func @transform_6(%arg0: i32) -> (i32, i32) {
    %c0_i32 = arith.constant 0 : i32
    %c0_i32_0 = arith.constant 0 : i32
    %c0_i32_1 = arith.constant 0 : i32
    return %c0_i32, %c0_i32_0 : i32, i32
  }
  func.func @transform_7(%arg0: i32) -> (i32, i32) {
    %c0_i32 = arith.constant 0 : i32
    %c0_i32_0 = arith.constant 0 : i32
    return %arg0, %c0_i32 : i32, i32
  }
}

module attributes {stable_mosaic.version = 14 : i64} {
  func.func @_node_body(%arg0: i32, %arg1: memref<2000x128xf32, #tpu.memory_space<vmem>>, %arg2: memref<2x2000x16xf32, #tpu.memory_space<vmem>>, %arg3: memref<2x2000x16xf32, #tpu.memory_space<vmem>>, %arg4: memref<128x128xf32, #tpu.memory_space<vmem>>, %arg5: memref<16x128xf32, #tpu.memory_space<vmem>>, %arg6: memref<1x128xf32, #tpu.memory_space<vmem>>, %arg7: memref<1x128xf32, #tpu.memory_space<vmem>>, %arg8: memref<1x128xf32, #tpu.memory_space<vmem>>, %arg9: memref<2000x128xf32, #tpu.memory_space<vmem>>) attributes {dimension_semantics = [#tpu.dimension_semantics<arbitrary>], iteration_bounds = array<i64: 5>, scalar_prefetch = 0 : i64, scratch_operands = 0 : i64, tpu.core_type = #tpu.core_type<tc>, window_params = [{transform_indices = @transform_0, window_bounds = array<i64: 2000, 128>}, {transform_indices = @transform_1, window_bounds = array<i64: 2, 2000, 16>}, {transform_indices = @transform_2, window_bounds = array<i64: 2, 2000, 16>}, {pipeline_mode = #tpu.pipeline_mode<synchronous>, transform_indices = @transform_3, window_bounds = array<i64: 128, 128>}, {pipeline_mode = #tpu.pipeline_mode<synchronous>, transform_indices = @transform_4, window_bounds = array<i64: 16, 128>}, {pipeline_mode = #tpu.pipeline_mode<synchronous>, transform_indices = @transform_5, window_bounds = array<i64: 1, 128>}, {pipeline_mode = #tpu.pipeline_mode<synchronous>, transform_indices = @transform_6, window_bounds = array<i64: 1, 128>}, {pipeline_mode = #tpu.pipeline_mode<synchronous>, transform_indices = @transform_7, window_bounds = array<i64: 1, 128>}, {transform_indices = @transform_8, window_bounds = array<i64: 2000, 128>}]} {
    %get3A = arith.constant 0 : index
    %get3A_0 = arith.constant 0 : index
    %get3A_1 = vector.load %arg1[%get3A, %get3A_0] : memref<2000x128xf32, #tpu.memory_space<vmem>>, vector<2000x128xf32>
    %get3A_2 = arith.constant 0 : index
    %get3A_3 = arith.constant 0 : index
    %get3A_4 = arith.constant 0 : index
    %get3A_5 = vector.load %arg2[%get3A_2, %get3A_3, %get3A_4] : memref<2x2000x16xf32, #tpu.memory_space<vmem>>, vector<2x2000x16xf32>
    %reduce_sum3A = arith.constant dense<0.000000e+00> : vector<2000x16xf32>
    %reduce_sum3A_6 = vector.multi_reduction <add>, %get3A_5, %reduce_sum3A [0] : vector<2x2000x16xf32> to vector<2000x16xf32>
    %get3A_7 = arith.constant 0 : index
    %get3A_8 = arith.constant 0 : index
    %get3A_9 = arith.constant 0 : index
    %get3A_10 = vector.load %arg3[%get3A_7, %get3A_8, %get3A_9] : memref<2x2000x16xf32, #tpu.memory_space<vmem>>, vector<2x2000x16xf32>
    %reduce_sum3A_11 = arith.constant dense<0.000000e+00> : vector<2000x16xf32>
    %reduce_sum3A_12 = vector.multi_reduction <add>, %get3A_10, %reduce_sum3A_11 [0] : vector<2x2000x16xf32> to vector<2000x16xf32>
    %add3A = arith.constant 1.000000e-10 : f32
    %add3A_13 = vector.broadcast %add3A : f32 to vector<2000x16xf32>
    %add3A_14 = arith.addf %reduce_sum3A_12, %add3A_13 : vector<2000x16xf32>
    %div3A = arith.divf %reduce_sum3A_6, %add3A_14 : vector<2000x16xf32>
    %get3A_15 = arith.constant 0 : index
    %get3A_16 = arith.constant 0 : index
    %get3A_17 = vector.load %arg4[%get3A_15, %get3A_16] : memref<128x128xf32, #tpu.memory_space<vmem>>, vector<128x128xf32>
    %dot_general3A = arith.constant dense<0.000000e+00> : vector<2000x128xf32>
    %dot_general3A_18 = tpu.matmul %get3A_1, %get3A_17, %dot_general3A {dimension_numbers = #tpu.dot_dimension_numbers<[1], [0], [0], [1], [0, 0, 1, 1], [], []>, precision = #tpu.contract_precision<fp32>, transpose_lhs_hint = false} : vector<2000x128xf32>, vector<128x128xf32>, vector<2000x128xf32> -> vector<2000x128xf32>
    %add3A_19 = arith.addf %get3A_1, %dot_general3A_18 : vector<2000x128xf32>
    %get3A_20 = arith.constant 0 : index
    %get3A_21 = arith.constant 0 : index
    %get3A_22 = vector.load %arg5[%get3A_20, %get3A_21] : memref<16x128xf32, #tpu.memory_space<vmem>>, vector<16x128xf32>
    %dot_general3A_23 = arith.constant dense<0.000000e+00> : vector<2000x128xf32>
    %dot_general3A_24 = tpu.matmul %div3A, %get3A_22, %dot_general3A_23 {dimension_numbers = #tpu.dot_dimension_numbers<[1], [0], [0], [1], [0, 0, 1, 1], [], []>, precision = #tpu.contract_precision<fp32>, transpose_lhs_hint = false} : vector<2000x16xf32>, vector<16x128xf32>, vector<2000x128xf32> -> vector<2000x128xf32>
    %add3A_25 = arith.addf %add3A_19, %dot_general3A_24 : vector<2000x128xf32>
    %get3A_26 = arith.constant 0 : index
    %get3A_27 = arith.constant 0 : index
    %get3A_28 = vector.load %arg6[%get3A_26, %get3A_27] : memref<1x128xf32, #tpu.memory_space<vmem>>, vector<1x128xf32>
    %add3A_29 = vector.broadcast %get3A_28 : vector<1x128xf32> to vector<2000x128xf32>
    %add3A_30 = arith.addf %add3A_25, %add3A_29 : vector<2000x128xf32>
    %reduce_sum3A_31 = arith.constant dense<0.000000e+00> : vector<2000xf32>
    %reduce_sum3A_32 = vector.multi_reduction <add>, %add3A_30, %reduce_sum3A_31 [1] : vector<2000x128xf32> to vector<2000xf32>
    %broadcast_in_dim3A = vector.shape_cast %reduce_sum3A_32 : vector<2000xf32> to vector<2000x1xf32>
    %div3A_33 = arith.constant 1.280000e+02 : f32
    %div3A_34 = vector.broadcast %div3A_33 : f32 to vector<2000x1xf32>
    %div3A_35 = arith.divf %broadcast_in_dim3A, %div3A_34 : vector<2000x1xf32>
    %sub3A = vector.broadcast %div3A_35 : vector<2000x1xf32> to vector<2000x128xf32>
    %sub3A_36 = arith.subf %add3A_30, %sub3A : vector<2000x128xf32>
    %mul3A = arith.mulf %sub3A_36, %sub3A_36 : vector<2000x128xf32>
    %reduce_sum3A_37 = arith.constant dense<0.000000e+00> : vector<2000xf32>
    %reduce_sum3A_38 = vector.multi_reduction <add>, %mul3A, %reduce_sum3A_37 [1] : vector<2000x128xf32> to vector<2000xf32>
    %broadcast_in_dim3A_39 = vector.shape_cast %reduce_sum3A_38 : vector<2000xf32> to vector<2000x1xf32>
    %div3A_40 = arith.constant 1.280000e+02 : f32
    %div3A_41 = vector.broadcast %div3A_40 : f32 to vector<2000x1xf32>
    %div3A_42 = arith.divf %broadcast_in_dim3A_39, %div3A_41 : vector<2000x1xf32>
    %add3A_43 = arith.constant 9.99999974E-6 : f32
    %add3A_44 = vector.broadcast %add3A_43 : f32 to vector<2000x1xf32>
    %add3A_45 = arith.addf %div3A_42, %add3A_44 : vector<2000x1xf32>
    %rsqrt3A = math.rsqrt %add3A_45 : vector<2000x1xf32>
    %mul3A_46 = vector.broadcast %rsqrt3A : vector<2000x1xf32> to vector<2000x128xf32>
    %mul3A_47 = arith.mulf %sub3A_36, %mul3A_46 : vector<2000x128xf32>
    %get3A_48 = arith.constant 0 : index
    %get3A_49 = arith.constant 0 : index
    %get3A_50 = vector.load %arg7[%get3A_48, %get3A_49] : memref<1x128xf32, #tpu.memory_space<vmem>>, vector<1x128xf32>
    %mul3A_51 = vector.broadcast %get3A_50 : vector<1x128xf32> to vector<2000x128xf32>
    %mul3A_52 = arith.mulf %mul3A_47, %mul3A_51 : vector<2000x128xf32>
    %get3A_53 = arith.constant 0 : index
    %get3A_54 = arith.constant 0 : index
    %get3A_55 = vector.load %arg8[%get3A_53, %get3A_54] : memref<1x128xf32, #tpu.memory_space<vmem>>, vector<1x128xf32>
    %add3A_56 = vector.broadcast %get3A_55 : vector<1x128xf32> to vector<2000x128xf32>
    %add3A_57 = arith.addf %mul3A_52, %add3A_56 : vector<2000x128xf32>
    %swap3A = arith.constant 0 : index
    %swap3A_58 = arith.constant 0 : index
    %swap3A_59 = vector.load %arg9[%swap3A, %swap3A_58] : memref<2000x128xf32, #tpu.memory_space<vmem>>, vector<2000x128xf32>
    tpu.vector_store %arg9[%swap3A, %swap3A_58], %add3A_57 {strides = array<i32>} : memref<2000x128xf32, #tpu.memory_space<vmem>>, vector<2000x128xf32>,
    return
  }
  func.func @transform_0(%arg0: i32) -> (i32, i32) {
    %c0_i32 = arith.constant 0 : i32
    %c0_i32_0 = arith.constant 0 : i32
    return %arg0, %c0_i32 : i32, i32
  }
  func.func @transform_1(%arg0: i32) -> (i32, i32, i32) {
    %c0_i32 = arith.constant 0 : i32
    %c0_i32_0 = arith.constant 0 : i32
    %c0_i32_1 = arith.constant 0 : i32
    return %c0_i32, %arg0, %c0_i32_0 : i32, i32, i32
  }
  func.func @transform_2(%arg0: i32) -> (i32, i32, i32) {
    %c0_i32 = arith.constant 0 : i32
    %c0_i32_0 = arith.constant 0 : i32
    %c0_i32_1 = arith.constant 0 : i32
    return %c0_i32, %arg0, %c0_i32_0 : i32, i32, i32
  }
  func.func @transform_3(%arg0: i32) -> (i32, i32) {
    %c0_i32 = arith.constant 0 : i32
    %c0_i32_0 = arith.constant 0 : i32
    %c0_i32_1 = arith.constant 0 : i32
    return %c0_i32, %c0_i32_0 : i32, i32
  }
  func.func @transform_4(%arg0: i32) -> (i32, i32) {
    %c0_i32 = arith.constant 0 : i32
    %c0_i32_0 = arith.constant 0 : i32
    %c0_i32_1 = arith.constant 0 : i32
    return %c0_i32, %c0_i32_0 : i32, i32
  }
  func.func @transform_5(%arg0: i32) -> (i32, i32) {
    %c0_i32 = arith.constant 0 : i32
    %c0_i32_0 = arith.constant 0 : i32
    %c0_i32_1 = arith.constant 0 : i32
    return %c0_i32, %c0_i32_0 : i32, i32
  }
  func.func @transform_6(%arg0: i32) -> (i32, i32) {
    %c0_i32 = arith.constant 0 : i32
    %c0_i32_0 = arith.constant 0 : i32
    %c0_i32_1 = arith.constant 0 : i32
    return %c0_i32, %c0_i32_0 : i32, i32
  }
  func.func @transform_7(%arg0: i32) -> (i32, i32) {
    %c0_i32 = arith.constant 0 : i32
    %c0_i32_0 = arith.constant 0 : i32
    %c0_i32_1 = arith.constant 0 : i32
    return %c0_i32, %c0_i32_0 : i32, i32
  }
  func.func @transform_8(%arg0: i32) -> (i32, i32) {
    %c0_i32 = arith.constant 0 : i32
    %c0_i32_0 = arith.constant 0 : i32
    return %arg0, %c0_i32 : i32, i32
  }
}

</mosaic_0001>

<sc_bundles>
// kernel: kernel.10.cloned.1.call-start
scs
__scs_entry_jumppad:
0x0: {  	(pc) =	sbr.rel $0x88, $3  }
0x1: {  	(tag) =	ssettag $0x0;
	lr =	simm.s32 $0x1  }
0x2: {  	[smem:$0x3F96] =	sst lr;
	_ =	strace $0xD0000000  }
0x3: {  	_ = 	snop  }
0x4: {  	_ = 	snop  }
0x5: {  	_ = 	snop  }
0x6: {  	_ = 	snop  }
0x7: {  	_ = 	snop  }
__scs_overlays_trampoline_lowered:
0x8: {  	[smem:$0x3FA5] =	sst s0  }
0x9: {  	[smem:$0x3FA6] =	sst s1  }
0xa: {  	[smem:$0x3FA7] =	sst s2  }
0xb: {  	[smem:$0x3FA8] =	sst s3  }
0xc: {  	[smem:$0x3FA9] =	sst s4  }
0xd: {  	[smem:$0x3FAA] =	sst s5  }
0xe: {  	[smem:$0x3FAB] =	sst s6  }
0xf: {  	[smem:$0x3FAC] =	sst s7  }
0x10: {  	[smem:$0x3FAD] =	sst s8  }
0x11: {  	[smem:$0x3FAE] =	sst s9;
	s0 =	simm.s32 @!p0 $0x0  }
0x12: {  	s1 =	sld [smem:$0x3F94];
	s0 =	simm.s32 @p0 $0x1  }
0x13: {  	[smem:$0x3FAF] =	sst s0;
	s0 =	simm.s32 @!p1 $0x0  }
0x14: {  	s2 =	sld [smem:$0x3F93];
	s0 =	simm.s32 @p1 $0x1  }
0x15: {  	[smem:$0x3FB0] =	sst s0;
	s0 =	simm.s32 @!p2 $0x0  }
0x16: {  	s3 =	sld [smem:$0x3FDB];
	s0 =	simm.s32 @p2 $0x1  }
0x17: {  	s4 =	simm.s32 $0x1BF5;
	[smem:$0x3FB2] =	sst s0  }
0x18: {  	s0 =	sld [smem:$0x3F95];
	_ =	swait.ge [sflag:s4], $0x0  }
0x19: {  	s7 =	sld [smem:$0x3F96]  }
0x1a: {  	s8 =	sadd.s32 $0xFFFFE003, lr  }
0x1b: {  	s9 =	sadd.s32 $0xFFFFFEF7, lr;
	s5 =	simm.s32 $0xFFFFFFFF;
	p2 =	slt.u32 s8, $0xFFFFF086  }
0x1c: {  	p1 =	slt.u32 s9, $0xF7A;
	s5 =	simm.s32 @!p2 $0x0  }
0x1d: {  	s5 =	simm.s32 @p1 $0x1;
	p0 =	seq.s32 s7, s2  }
0x1e: {  	s7 =	smul.u32 @!p0 $0xF7A, s2;
	p2 =	seq.s32 @!p0 s5, $0x0  }
0x1f: {  	s9 =	smul.u32 $0xF7A, s1;
	s8 =	simm.s32 @!p0 $0x1BF5;
	p2 =	por !p2, p0  }
0x20: {  	[sflag:s8] =	ssyncset.s32 @!p0 $0xFFFFF086;
	s6 =	sadd.s32 @!p0 s3, s7;
	s7 =	simm.s32 @!p0 $0x108  }
0x21: {  	s3 =	sadd.s32 s3, s9;
	s6 =	sadd.s32 @!p0 $0x88, s6;
	s7 =	simm.s32 @p2 $0x1082  }
0x22: {  	[simem:s7], [sflag:s8] =	dma.local @!p0 [hbm:s6], $0xF7A  }
0x23: {  	s9 =	sor.u32 $0xD0000000, s2;
	s6 =	simm.s32 $0x108;
	_ =	swait.ge @!p0 [sflag:s8], $0x0  }
0x24: {  	s3 =	sadd.s32 $0x88, s3;
	s6 =	simm.s32 @!p1 $0x1082;
	[sflag:s4] =	ssyncset.s32 $0xFFFFF086  }
0x25: {  	[simem:s6], [sflag:s4] =	dma.local [hbm:s3], $0xF7A  }
0x26: {  	[smem:$0x3F96] =	sst s1;
	(tag) =	ssettag s2;
	_ =	strace s9  }
0x27: {  	s1 =	sld [smem:$0x3FA6]  }
0x28: {  	s2 =	sld [smem:$0x3FA7]  }
0x29: {  	s4 =	sld [smem:$0x3FA9]  }
0x2a: {  	p0 =	seq.s32 s5, $0x0;
	s5 =	sld [smem:$0x3FAA]  }
0x2b: {  	s6 =	sld [smem:$0x3FAB]  }
0x2c: {  	s7 =	sld [smem:$0x3FAC]  }
0x2d: {  	s3 =	simm.s32 $0x108;
	s8 =	sld [smem:$0x3FAD]  }
0x2e: {  	s3 =	simm.s32 @!p0 $0x1082;
	s9 =	sld [smem:$0x3FAE]  }
0x2f: {  	lr =	sadd.s32 s0, s3;
	s0 =	sld [smem:$0x3FA5]  }
0x30: {  	s3 =	sld [smem:$0x3FA8]  }
0x31: {  	[smem:$0x3FB1] =	sst s10  }
0x32: {  	s10 =	sld [smem:$0x3FAF];
	_ =	sdelay $0x3  }
0x33: {  	p0 =	seq.s32 s10, $0x1;
	s10 =	sld [smem:$0x3FB1];
	_ =	sdelay $0x3  }
0x34: {  	[smem:$0x3FB1] =	sst s10  }
0x35: {  	s10 =	sld [smem:$0x3FB0];
	_ =	sdelay $0x3  }
0x36: {  	p1 =	seq.s32 s10, $0x1;
	s10 =	sld [smem:$0x3FB1];
	_ =	sdelay $0x3  }
0x37: {  	[smem:$0x3FB1] =	sst s10  }
0x38: {  	s10 =	sld [smem:$0x3FB2]  }
0x39: {  	_ = 	snop;
	(pc) =	sbr.ind lr, $3  }
0x3a: {  	_ = 	snop  }
0x3b: {  	_ = 	snop  }
0x3c: {  	p2 =	seq.s32 s10, $0x1;
	s10 =	sld [smem:$0x3FB1]  }
0x3d: {  	_ =	shalt  }
0x3e: {  	_ =	shalt  }
0x3f: {  	_ =	shalt  }
0x40: {  	_ =	shalt  }
0x41: {  	_ =	shalt  }
0x42: {  	_ =	shalt  }
0x43: {  	_ =	shalt  }
0x44: {  	_ =	shalt  }
0x45: {  	_ =	shalt  }
0x46: {  	_ =	shalt  }
0x47: {  	_ =	shalt  }
0x48: {  	_ =	shalt  }
0x49: {  	_ =	shalt  }
0x4a: {  	_ =	shalt  }
0x4b: {  	_ =	shalt  }
0x4c: {  	_ =	shalt  }
0x4d: {  	_ =	shalt  }
0x4e: {  	_ =	shalt  }
0x4f: {  	_ =	shalt  }
0x50: {  	_ =	shalt  }
0x51: {  	_ =	shalt  }
0x52: {  	_ =	shalt  }
0x53: {  	_ =	shalt  }
0x54: {  	_ =	shalt  }
0x55: {  	_ =	shalt  }
0x56: {  	_ =	shalt  }
0x57: {  	_ =	shalt  }
0x58: {  	_ =	shalt  }
0x59: {  	_ =	shalt  }
0x5a: {  	_ =	shalt  }
0x5b: {  	_ =	shalt  }
0x5c: {  	_ =	shalt  }
0x5d: {  	_ =	shalt  }
0x5e: {  	_ =	shalt  }
0x5f: {  	_ =	shalt  }
0x60: {  	_ =	shalt  }
0x61: {  	_ =	shalt  }
0x62: {  	_ =	shalt  }
0x63: {  	_ =	shalt  }
0x64: {  	_ =	shalt  }
0x65: {  	_ =	shalt  }
0x66: {  	_ =	shalt  }
0x67: {  	_ =	shalt  }
0x68: {  	_ =	shalt  }
0x69: {  	_ =	shalt  }
0x6a: {  	_ =	shalt  }
0x6b: {  	_ =	shalt  }
0x6c: {  	_ =	shalt  }
0x6d: {  	_ =	shalt  }
0x6e: {  	_ =	shalt  }
0x6f: {  	_ =	shalt  }
0x70: {  	_ =	shalt  }
0x71: {  	_ =	shalt  }
0x72: {  	_ =	shalt  }
0x73: {  	_ =	shalt  }
0x74: {  	_ =	shalt  }
0x75: {  	_ =	shalt  }
0x76: {  	_ =	shalt  }
0x77: {  	_ =	shalt  }
0x78: {  	_ =	shalt  }
0x79: {  	_ =	shalt  }
0x7a: {  	_ =	shalt  }
0x7b: {  	_ =	shalt  }
0x7c: {  	_ =	shalt  }
0x7d: {  	_ =	shalt  }
0x7e: {  	_ =	shalt  }
0x7f: {  	_ =	shalt  }
0x80: {  	_ =	shalt  }
0x81: {  	_ =	shalt  }
0x82: {  	_ =	shalt  }
0x83: {  	_ =	shalt  }
0x84: {  	_ =	shalt  }
0x85: {  	_ =	shalt  }
0x86: {  	_ =	shalt  }
0x87: {  	_ =	shalt  }
.Lfunc_end0:
.L_simem_size_0:
called_computation.1_lowered:
.L_overlay_start_0:
0x88: {  	s2 =	sld [smem:$0x3FD9]  }
0x89: {  	s3 =	sld [smem:$0x3FFE];
	_ =	sdelay $0x1  }
0x8a: {  	s1 =	srdreg.scid  }
0x8b: {  	s0 =	sand.u32 $0x1, s1  }
0x8c: {  	s14 =	sshll.u32 s0, $0xA;
	s2 =	sadd.s32 s3, s2  }
0x8d: {  	s2 =	sadd.s32 s2, s14  }
0x8e: {  	[smem:$0x3FBD] =	sst s2  }
0x8f: {  	_ = 	snop  }
0x90: {  	s2 =	sld [smem:$0x3FD0];
	_ =	sdelay $0x2  }
0x91: {  	s15 =	simm.s32 $0xA;
	s4 =	simm.s32 $0x10  }
0x92: {  	[smem:s4], [sflag:s15] =	dma.local [hbm:s2], $0x1  }
0x93: {  	_ =	swait.eq [sflag:s15], $0x1  }
0x94: {  	[sflag:s15] =	ssyncset.done $0x0  }
0x95: {  	[sflag:s15] =	ssyncadd.s32 $0xFFFFFFFF  }
0x96: {  	s16 =	sld [smem:$0x10];
	(tm) =	ssettm $0x1  }
0x97: {  	s17 =	sld [smem:$0x3FFB];
	_ =	sdelay $0x3  }
0x98: {  	_ =	strace s17  }
0x99: {  	s3 =	sld [smem:$0x3FFC];
	_ =	sdelay $0x3  }
0x9a: {  	_ =	strace s3  }
0x9b: {  	s3 =	sld [smem:$0x3FFD];
	_ =	sdelay $0x3  }
0x9c: {  	_ =	strace s3  }
0x9d: {  	_ =	strace $0x8FFFFFFF  }
0x9e: {  	s18 =	sld [smem:$0x3FDB];
	_ =	sdelay $0x1  }
0x9f: {  	s19 =	simm.s32 $_scs_section_size  }
0xa0: {  	s5 =	simm.s32 $_size__tile_overlayer_lowered;
	s6 =	simm.s32 $_tile_overlayer_lowered  }
0xa1: {  	s22 =	simm.s32 $0x1BFF;
	s21 =	sshll.u32 s6, $0x1;
	s3 =	sadd.s32 s19, s18  }
0xa2: {  	s7 =	simm.s32 $0x0;
	s20 =	sshll.u32 s5, $0x1;
	s5 =	sadd.s32 s21, s3  }
0xa3: {  	[timem:s7], [sflag:s22] =	dma.local [hbm:s5], s20  }
0xa4: {  	_ =	swait.ge [sflag:s22], s20  }
0xa5: {  	s4 =	ssub.s32 $0x0, s20;
	[sflag:s22] =	ssyncset.done $0x0  }
0xa6: {  	[sflag:s22] =	ssyncadd.s32 s4;
	_ =	sdelay $0x1  }
0xa7: {  	s23 =	simm.s32 $0x1B8B  }
0xa8: {  	_ =	swait.ge [sflag:s23], $0x1  }
0xa9: {  	[sflag:s23] =	ssyncset.done $0x0  }
0xaa: {  	s25 =	simm.s32 $0x1B8E;
	s24 =	sld [smem:$0x3FFE];
	[sflag:s23] =	ssyncadd.s32 $0xFFFFFFFF  }
0xab: {  	s26 =	simm.s32 $execute0_lowered;
	[smem:$0x3FD2] =	sst s25  }
0xac: {  	s5 =	sshll.u32 s26, $0x1;
	_ =	strace $0x80000049;
	[dreg:$0x1] =	wrdreg $0xFFFFFFFF  }
0xad: {  	s28 =	simm.s32 $_size_execute0_lowered;
	s3 =	sadd.s32 s3, s5;
	[dreg:$0x0] =	wrdreg $0x0  }
0xae: {  	s5 =	sshll.u32 s28, $0x1;
	[dreg:$0x2] =	wrdreg s3  }
0xaf: {  	[dreg:$0x3] =	wrdreg s5  }
0xb0: {  	[dreg:$0x4] =	wrdreg $0xC0  }
0xb1: {  	_ =	task [dreg:s7], $0x5FFFF  }
0xb2: {  	[dreg:$0x1] =	wrdreg $0xFFFFFFFF  }
0xb3: {  	[dreg:$0x0] =	wrdreg $0x60  }
0xb4: {  	[dreg:$0x2] =	wrdreg s24  }
0xb5: {  	[dreg:$0x3] =	wrdreg s16  }
0xb6: {  	[dreg:$0x4] =	wrdreg $0x48300  }
0xb7: {  	[dreg:$0x5] =	wrdreg $0x6F400  }
0xb8: {  	[dreg:$0x6] =	wrdreg $0x9  }
0xb9: {  	_ =	task.clear_ibuf [dreg:s7], $0x7FFFF;
	_ =	strace $0x90000049  }
0xba: {  	s29 =	simm.s32 $0x9;
	_ =	strace $0x8000004B  }
0xbb: {  	_ =	swait.ge [sflag:s29], $0x1  }
0xbc: {  	[sflag:s29] =	ssyncadd.s32 $0xFFFFFFFF  }
0xbd: {  	_ =	strace $0x9000004B  }
0xbe: {  	_ =	sfence  }
0xbf: {  	s30 =	sld [smem:$0x0];
	_ =	sdelay $0x2  }
0xc0: {  	s31 =	sshll.u32 s1, $0xD;
	s1 =	sshrl.u32 s1, $0x2  }
0xc1: {  	s3 =	sand.u32 $0x4000, s31;
	s1 =	sadd.s32 s1, s30  }
0xc2: {  	s0 =	sor.u32 s3, s0;
	s1 =	sshll.u32 s1, $0x11  }
0xc3: {  	s0 =	sor.u32 s1, s0  }
0xc4: {  	s0 =	sadd.s32 $0x8F2B, s0  }
0xc5: {  	[sflag:s0] =	ssyncadd.remote.s32 $0x1  }
0xc6: {  	_ =	sfence.sel $0xFFFF  }
0xc7: {  	[dreg:$0x0] =	wrdreg $0xFFFFFFFF;
	(pc) =	sbr.abs _section_cstart, $3  }
0xc8: {  	[dreg:$0x1] =	wrdreg $0xFFFFFFFF  }
0xc9: {  	_ =	task.clear_ibuf [dreg:s7], $0x2FFFF;
	_ =	strace $0x9FFFFFFF  }
0xca: {  	(tm) =	ssettm $0x7FFFFFFF  }
0xcb: {  	_ =	shalt  }
tec
execute0_lowered:
.L_overlay_start_1:
0x0: {  	(tag) =	ssettag $0x1  }
0x1: {  	s1 =	rddreg [dreg:$0x0]  }
0x2: {  	s0 =	rddreg [dreg:$0x1]  }
0x3: {  	s2 =	rddreg [dreg:$0x2];
	s4 =	srdreg.scid  }
0x4: {  	s12 =	stileid.u32;
	s3 =	rddreg [dreg:$0x3]  }
0x5: {  	s28 =	simm.s32 $0x1220;
	s29 =	simm.s32 $0x140;
	s6 =	smul.u32 $0x271, s12  }
0x6: {  	s30 =	simm.s32 $0x2D0;
	s31 =	simm.s32 $0x1720;
	s10 =	smul.u32 $0x2710, s12  }
0x7: {  	s5 =	sand.u32 $0x1, s4;
	s4 =	simm.s32 $0x0;
	s19 =	smul.u32 $0x4E20, s12  }
0x8: {  	s8 =	sadd.s32 $0x19000, s1;
	s11 =	sadd.s32 $0xF200, s1;
	s21 =	smul.u32 $0x9C40, s12  }
0x9: {  	s7 =	smul.u32 $0x2710, s5;
	[smem:$0x7FF] =	sst s4;
	s9 =	ssub.s32 $0x2, s5  }
0xa: {  	s22 =	smul.u32 $0x4E20, s5;
	_ =	strace $0x8000004A;
	s18 =	sshrl.u32 s9, $0x1  }
0xb: {  	s13 =	sadd.s32 s10, s2;
	s14 =	sadd.s32 s10, s3;
	s24 =	sadd.s32 s21, s8  }
0xc: {  	s6 =	sadd.s32 s6, s7;
	s23 =	sadd.s32 s7, s19;
	[dreg:$0xf] =	wrdreg s13  }
0xd: {  	[dreg:$0x10] =	wrdreg s14;
	s6 =	sshll.u32 s6, $0x1;
	s7 =	sshrl.u32 s23, $0x3  }
0xe: {  	s26 =	sadd.s32 $0x140, s23;
	s15 =	sadd.s32 $0xF0, s23;
	s5 =	sadd.s32 $0x50, s23  }
0xf: {  	s1 =	sadd.s32 s6, s1;
	s6 =	ssub.s32 s9, s18;
	s25 =	sadd.s32 s7, s0  }
0x10: {  	s7 =	sadd.s32 s7, s11;
	s9 =	sshrl.u32 s26, $0x3;
	[dreg:$0x5] =	wrdreg s25  }
0x11: {  	s10 =	sshll.u32 s26, $0x1;
	s20 =	sadd.s32 $0x5200, s1;
	[dreg:$0x6] =	wrdreg s7  }
0x12: {  	s17 =	sshll.u32 s15, $0x1;
	s1 =	sadd.s32 $0xB5400, s1;
	[dreg:$0x11] =	wrdreg s20  }
0x13: {  	s6 =	smax.u32 s6, $0x1;
	s12 =	sadd.s32 s9, s0;
	[dreg:$0x12] =	wrdreg s1  }
0x14: {  	s16 =	sadd.s32 s9, s11;
	s18 =	sadd.s32 s17, s8;
	[dreg:$0x13] =	wrdreg s6  }
0x15: {  	s25 =	sshll.u32 s5, $0x1;
	s17 =	simm.s32 $0x190;
	[dreg:$0x7] =	wrdreg s12  }
0x16: {  	s7 =	simm.s32 $0x2;
	s1 =	sadd.s32 s22, s24;
	[dreg:$0x8] =	wrdreg s16  }
0x17: {  	[dreg:$0x16] =	wrdreg s18;
	s20 =	sadd.s32 $0xA0, s23;
	s24 =	sshrl.u32 s5, $0x3  }
0x18: {  	s16 =	simm.s32 $0x3;
	s18 =	simm.s32 $0x320;
	[dreg:$0x14] =	wrdreg s1  }
0x19: {  	s1 =	sadd.s32 s10, s8;
	s21 =	sshll.u32 s20, $0x1;
	s6 =	sshrl.u32 s20, $0x3  }
0x1a: {  	s26 =	sadd.s32 s24, s11;
	s20 =	simm.s32 $0x1E0;
	[dreg:$0x15] =	wrdreg s1  }
0x1b: {  	s1 =	sshrl.u32 s15, $0x3;
	s22 =	sadd.s32 s6, s0;
	[dreg:$0xe] =	wrdreg s26  }
0x1c: {  	s23 =	sadd.s32 s6, s11;
	s26 =	simm.s32 $0x280;
	[dreg:$0xb] =	wrdreg s22  }
0x1d: {  	s6 =	simm.s32 $0x0;
	s19 =	sadd.s32 s1, s0;
	[dreg:$0xc] =	wrdreg s23  }
0x1e: {  	s1 =	sadd.s32 s1, s11;
	s0 =	sadd.s32 s24, s0;
	[dreg:$0x9] =	wrdreg s19  }
0x1f: {  	s22 =	simm.s32 $0xA0;
	s23 =	simm.s32 $0x230;
	[dreg:$0xa] =	wrdreg s1  }
0x20: {  	s24 =	simm.s32 $0xD20;
	s1 =	sadd.s32 s21, s8;
	[dreg:$0xd] =	wrdreg s0  }
0x21: {  	s19 =	simm.s32 $0x50;
	s21 =	simm.s32 $0x820;
	s0 =	simm.s32 $0x1C20  }
0x22: {  	[dreg:$0x17] =	wrdreg s1;
	s1 =	sadd.s32 s25, s8;
	s8 =	simm.s32 $0x2120  }
0x23: {  	v0 =	vimm.f32 $0.0e+00;
	v1 =	vimm.f32 $1.000000000e+00;
	s25 =	simm.s32 $0xF0;
	[dreg:$0x18] =	wrdreg s1;
	s1 =	simm.s32 $0x1  }
.LBB2_1:
0x24: {  	[dreg:$0x19] =	wrdreg s6;
	s5 =	simm.s32 $0x40;
	s6 =	simm.s32 $0x0  }
.LBB2_2:
0x25: {  	p0 =	sne.s32 s5, $0x9C00;
	[tilespmem:s6+$0x2120] =	vst v0;
	s6 =	smov.u32 s5;
	s5 =	sadd.s32 $0x40, s5  }
.Ltmp0:
0x26: {  	(pc) =	sbr.rel @p0 .LBB2_2-.Ltmp0, $2  }
0x27: {  	_ =	sdelay $0x2  }
0x28: {  	s6 =	sshra.s32 s6, $0x2  }
0x29: {  	[tilespmem:s6+$0x2120] =	vst v0  }
0x2a: {  	[spmem:s13] =	stream.linear.scatter [tilespmem:s8], [sflag:$0x3], $0x2710, $0x38;
	[tilespmem:$0x9650] =	vst v63  }
0x2b: {  	_ =	swait.ge [sflag:s16], $0x2710  }
0x2c: {  	[sflag:s16] =	ssyncset.done $0x0  }
0x2d: {  	[sflag:s16] =	ssyncadd.s32 $0xFFFFD8F0  }
0x2e: {  	[spmem:s14] =	stream.linear.scatter [tilespmem:s8], [sflag:$0x3], $0x2710, $0x38;
	[tilespmem:$0x9650] =	vst v63  }
0x2f: {  	_ =	swait.ge [sflag:s16], $0x2710  }
0x30: {  	[sflag:s16] =	ssyncset.done $0x0  }
0x31: {  	s5 =	simm.s32 $0x40;
	s6 =	simm.s32 $0x0;
	[sflag:s16] =	ssyncadd.s32 $0xFFFFD8F0  }
.LBB2_4:
0x32: {  	p0 =	sne.s32 s5, $0x13C0;
	[tilespmem:s6+$0x1C20] =	vst v1;
	s6 =	smov.u32 s5;
	s5 =	sadd.s32 $0x40, s5  }
.Ltmp1:
0x33: {  	(pc) =	sbr.rel @p0 .LBB2_4-.Ltmp1, $2  }
0x34: {  	_ =	sdelay $0x2  }
0x35: {  	s6 =	sshra.s32 s6, $0x2  }
0x36: {  	[tilespmem:s6+$0x1C20] =	vst v1  }
0x37: {  	[bflag:$0x0] =	sbarrier.arrive $0xFFFF  }
0x38: {  	s5 =	rddreg [dreg:$0x6]  }
0x39: {  	s10 =	rddreg [dreg:$0x5];
	s5 =	sadd.s32 $0x0, s5  }
0x3a: {  	[tilespmem:s4], [sflag:$0x1] =	stream.linear.gather [hbm4b:s5+s4], $0x50, $0x38;
	[tilespmem:$0x9650] =	vst v63  }
0x3b: {  	s12 =	rddreg [dreg:$0xe];
	s11 =	sadd.s32 $0x0, s10  }
0x3c: {  	[tilespmem:s17], [sflag:$0x1] =	stream.linear.gather [hbm4b:s11+s4], $0x50, $0x38;
	[tilespmem:$0x9650] =	vst v63  }
0x3d: {  	s13 =	rddreg [dreg:$0x14]  }
0x3e: {  	[tilespmem:s18], [sflag:$0x1] =	stream.linear.gather [hbm4b:s13+s4], $0x500, $0x38;
	[tilespmem:$0x9650] =	vst v63  }
0x3f: {  	s14 =	rddreg [dreg:$0xd];
	s6 =	sadd.s32 $0x0, s12  }
0x40: {  	[tilespmem:s19], [sflag:$0x1] =	stream.linear.gather [hbm4b:s6+s4], $0x50, $0x38;
	[tilespmem:$0x9650] =	vst v63  }
0x41: {  	s15 =	rddreg [dreg:$0xc];
	s5 =	sadd.s32 $0x0, s14  }
0x42: {  	[tilespmem:s20], [sflag:$0x1] =	stream.linear.gather [hbm4b:s5+s4], $0x50, $0x38;
	[tilespmem:$0x9650] =	vst v63  }
0x43: {  	s12 =	rddreg [dreg:$0x18]  }
0x44: {  	[tilespmem:s21], [sflag:$0x1] =	stream.linear.gather [hbm4b:s12+s4], $0x500, $0x38;
	[tilespmem:$0x9650] =	vst v63  }
0x45: {  	s8 =	rddreg [dreg:$0xb];
	s6 =	sadd.s32 $0x0, s15  }
0x46: {  	[tilespmem:s22], [sflag:$0x1] =	stream.linear.gather [hbm4b:s6+s4], $0x50, $0x38;
	[tilespmem:$0x9650] =	vst v63  }
0x47: {  	s9 =	rddreg [dreg:$0xa];
	s5 =	sadd.s32 $0x0, s8  }
0x48: {  	[tilespmem:s23], [sflag:$0x1] =	stream.linear.gather [hbm4b:s5+s4], $0x50, $0x38;
	[tilespmem:$0x9650] =	vst v63  }
0x49: {  	s10 =	rddreg [dreg:$0x17]  }
0x4a: {  	[tilespmem:s24], [sflag:$0x1] =	stream.linear.gather [hbm4b:s10+s4], $0x500, $0x38;
	[tilespmem:$0x9650] =	vst v63  }
0x4b: {  	s11 =	rddreg [dreg:$0x9];
	s6 =	sadd.s32 $0x0, s9  }
0x4c: {  	[tilespmem:s25], [sflag:$0x1] =	stream.linear.gather [hbm4b:s6+s4], $0x50, $0x38;
	[tilespmem:$0x9650] =	vst v63  }
0x4d: {  	s14 =	rddreg [dreg:$0x8];
	s5 =	sadd.s32 $0x0, s11  }
0x4e: {  	[tilespmem:s26], [sflag:$0x1] =	stream.linear.gather [hbm4b:s5+s4], $0x50, $0x38;
	[tilespmem:$0x9650] =	vst v63  }
0x4f: {  	s8 =	rddreg [dreg:$0x16]  }
0x50: {  	[tilespmem:s28], [sflag:$0x1] =	stream.linear.gather [hbm4b:s8+s4], $0x500, $0x38;
	[tilespmem:$0x9650] =	vst v63  }
0x51: {  	s15 =	rddreg [dreg:$0x7];
	s6 =	sadd.s32 $0x0, s14  }
0x52: {  	[tilespmem:s29], [sflag:$0x1] =	stream.linear.gather [hbm4b:s6+s4], $0x50, $0x38;
	[tilespmem:$0x9650] =	vst v63  }
0x53: {  	s5 =	sadd.s32 $0x0, s15  }
0x54: {  	[tilespmem:s30], [sflag:$0x1] =	stream.linear.gather [hbm4b:s5+s4], $0x50, $0x38;
	[tilespmem:$0x9650] =	vst v63  }
0x55: {  	s11 =	rddreg [dreg:$0x15]  }
0x56: {  	[tilespmem:s31], [sflag:$0x1] =	stream.linear.gather [hbm4b:s11+s4], $0x500, $0x38;
	[tilespmem:$0x9650] =	vst v63  }
0x57: {  	_ =	swait.ge [sflag:s1], $0x50  }
0x58: {  	[sflag:s1] =	ssyncset.done $0x0  }
0x59: {  	[sflag:s1] =	ssyncadd.s32 $0xFFFFFFB0  }
0x5a: {  	_ =	swait.ge [sflag:s1], $0x50  }
0x5b: {  	[sflag:s1] =	ssyncset.done $0x0  }
0x5c: {  	[sflag:s1] =	ssyncadd.s32 $0xFFFFFFB0  }
0x5d: {  	_ =	swait.ge [sflag:s1], $0x500  }
0x5e: {  	[sflag:s1] =	ssyncset.done $0x0  }
0x5f: {  	[sflag:s1] =	ssyncadd.s32 $0xFFFFFB00  }
0x60: {  	_ =	swait.ge [sflag:s1], $0x50  }
0x61: {  	[sflag:s1] =	ssyncset.done $0x0  }
0x62: {  	[sflag:s1] =	ssyncadd.s32 $0xFFFFFFB0  }
0x63: {  	_ =	swait.ge [sflag:s1], $0x50  }
0x64: {  	[sflag:s1] =	ssyncset.done $0x0  }
0x65: {  	[sflag:s1] =	ssyncadd.s32 $0xFFFFFFB0  }
0x66: {  	_ =	swait.ge [sflag:s1], $0x500  }
0x67: {  	[sflag:s1] =	ssyncset.done $0x0  }
0x68: {  	[sflag:s1] =	ssyncadd.s32 $0xFFFFFB00  }
0x69: {  	_ =	swait.ge [sflag:s1], $0x50  }
0x6a: {  	[sflag:s1] =	ssyncset.done $0x0  }
0x6b: {  	[sflag:s1] =	ssyncadd.s32 $0xFFFFFFB0  }
0x6c: {  	_ =	swait.ge [sflag:s1], $0x50  }
0x6d: {  	[sflag:s1] =	ssyncset.done $0x0  }
0x6e: {  	[sflag:s1] =	ssyncadd.s32 $0xFFFFFFB0  }
0x6f: {  	_ =	swait.ge [sflag:s1], $0x500  }
0x70: {  	[sflag:s1] =	ssyncset.done $0x0  }
0x71: {  	[sflag:s1] =	ssyncadd.s32 $0xFFFFFB00  }
0x72: {  	_ =	swait.ge [sflag:s1], $0x50  }
0x73: {  	[sflag:s1] =	ssyncset.done $0x0  }
0x74: {  	[sflag:s1] =	ssyncadd.s32 $0xFFFFFFB0  }
0x75: {  	_ =	swait.ge [sflag:s1], $0x50  }
0x76: {  	[sflag:s1] =	ssyncset.done $0x0  }
0x77: {  	[sflag:s1] =	ssyncadd.s32 $0xFFFFFFB0  }
0x78: {  	_ =	swait.ge [sflag:s1], $0x500  }
0x79: {  	[sflag:s1] =	ssyncset.done $0x0  }
0x7a: {  	[sflag:s1] =	ssyncadd.s32 $0xFFFFFB00  }
0x7b: {  	_ =	swait.ge [sflag:s1], $0x50  }
0x7c: {  	[sflag:s1] =	ssyncset.done $0x0  }
0x7d: {  	[sflag:s1] =	ssyncadd.s32 $0xFFFFFFB0  }
0x7e: {  	_ =	swait.ge [sflag:s1], $0x50  }
0x7f: {  	[sflag:s1] =	ssyncset.done $0x0  }
0x80: {  	[sflag:s1] =	ssyncadd.s32 $0xFFFFFFB0  }
0x81: {  	_ =	swait.ge [sflag:s1], $0x500  }
0x82: {  	[sflag:s1] =	ssyncset.done $0x0  }
0x83: {  	[sflag:s1] =	ssyncadd.s32 $0xFFFFFB00  }
0x84: {  	[spmem:s2] =	stream.indirect.scatter.add.f32 [tilespmem:s18], [sflag:$0x2], $0x10, s4, s19, $0xb8;
	[tilespmem:$0x9650] =	vst v63  }
0x85: {  	_ = 	snop  }
0x86: {  	[spmem:s2] =	stream.indirect.scatter.add.f32 [tilespmem:s18], [sflag:$0x2], $0x10, s17, s19, $0xb8;
	[tilespmem:$0x9650] =	vst v63  }
0x87: {  	_ = 	snop  }
0x88: {  	[spmem:s3] =	stream.indirect.scatter.add.f32 [tilespmem:s0], [sflag:$0x2], $0x10, s4, s19, $0xb8;
	[tilespmem:$0x9650] =	vst v63  }
0x89: {  	_ = 	snop  }
0x8a: {  	[spmem:s3] =	stream.indirect.scatter.add.f32 [tilespmem:s0], [sflag:$0x2], $0x10, s17, s19, $0xb8;
	[tilespmem:$0x9650] =	vst v63  }
0x8b: {  	_ = 	snop  }
0x8c: {  	[spmem:s2] =	stream.indirect.scatter.add.f32 [tilespmem:s21], [sflag:$0x2], $0x10, s19, s19, $0xb8;
	[tilespmem:$0x9650] =	vst v63  }
0x8d: {  	_ = 	snop  }
0x8e: {  	[spmem:s2] =	stream.indirect.scatter.add.f32 [tilespmem:s21], [sflag:$0x2], $0x10, s20, s19, $0xb8;
	[tilespmem:$0x9650] =	vst v63  }
0x8f: {  	_ = 	snop  }
0x90: {  	[spmem:s3] =	stream.indirect.scatter.add.f32 [tilespmem:s0], [sflag:$0x2], $0x10, s19, s19, $0xb8;
	[tilespmem:$0x9650] =	vst v63  }
0x91: {  	_ = 	snop  }
0x92: {  	[spmem:s3] =	stream.indirect.scatter.add.f32 [tilespmem:s0], [sflag:$0x2], $0x10, s20, s19, $0xb8;
	[tilespmem:$0x9650] =	vst v63  }
0x93: {  	_ = 	snop  }
0x94: {  	[spmem:s2] =	stream.indirect.scatter.add.f32 [tilespmem:s24], [sflag:$0x2], $0x10, s22, s19, $0xb8;
	[tilespmem:$0x9650] =	vst v63  }
0x95: {  	_ = 	snop  }
0x96: {  	[spmem:s2] =	stream.indirect.scatter.add.f32 [tilespmem:s24], [sflag:$0x2], $0x10, s23, s19, $0xb8;
	[tilespmem:$0x9650] =	vst v63  }
0x97: {  	_ = 	snop  }
0x98: {  	[spmem:s3] =	stream.indirect.scatter.add.f32 [tilespmem:s0], [sflag:$0x2], $0x10, s22, s19, $0xb8;
	[tilespmem:$0x9650] =	vst v63  }
0x99: {  	_ = 	snop  }
0x9a: {  	[spmem:s3] =	stream.indirect.scatter.add.f32 [tilespmem:s0], [sflag:$0x2], $0x10, s23, s19, $0xb8;
	[tilespmem:$0x9650] =	vst v63  }
0x9b: {  	_ = 	snop  }
0x9c: {  	[spmem:s2] =	stream.indirect.scatter.add.f32 [tilespmem:s28], [sflag:$0x2], $0x10, s25, s19, $0xb8;
	[tilespmem:$0x9650] =	vst v63  }
0x9d: {  	_ = 	snop  }
0x9e: {  	[spmem:s2] =	stream.indirect.scatter.add.f32 [tilespmem:s28], [sflag:$0x2], $0x10, s26, s19, $0xb8;
	[tilespmem:$0x9650] =	vst v63  }
0x9f: {  	_ = 	snop  }
0xa0: {  	[spmem:s3] =	stream.indirect.scatter.add.f32 [tilespmem:s0], [sflag:$0x2], $0x10, s25, s19, $0xb8;
	[tilespmem:$0x9650] =	vst v63  }
0xa1: {  	_ = 	snop  }
0xa2: {  	[spmem:s3] =	stream.indirect.scatter.add.f32 [tilespmem:s0], [sflag:$0x2], $0x10, s26, s19, $0xb8;
	[tilespmem:$0x9650] =	vst v63  }
0xa3: {  	_ = 	snop  }
0xa4: {  	[spmem:s2] =	stream.indirect.scatter.add.f32 [tilespmem:s31], [sflag:$0x2], $0x10, s29, s19, $0xb8;
	[tilespmem:$0x9650] =	vst v63  }
0xa5: {  	_ = 	snop  }
0xa6: {  	[spmem:s2] =	stream.indirect.scatter.add.f32 [tilespmem:s31], [sflag:$0x2], $0x10, s30, s19, $0xb8;
	[tilespmem:$0x9650] =	vst v63  }
0xa7: {  	_ = 	snop  }
0xa8: {  	[spmem:s3] =	stream.indirect.scatter.add.f32 [tilespmem:s0], [sflag:$0x2], $0x10, s29, s19, $0xb8;
	[tilespmem:$0x9650] =	vst v63  }
0xa9: {  	_ = 	snop  }
0xaa: {  	[spmem:s3] =	stream.indirect.scatter.add.f32 [tilespmem:s0], [sflag:$0x2], $0x10, s30, s19, $0xb8;
	[tilespmem:$0x9650] =	vst v63  }
0xab: {  	_ =	swait.ge [sflag:s7], $0x500  }
0xac: {  	[sflag:s7] =	ssyncset.done $0x0  }
0xad: {  	[sflag:s7] =	ssyncadd.s32 $0xFFFFFB00  }
0xae: {  	_ =	swait.ge [sflag:s7], $0x500  }
0xaf: {  	[sflag:s7] =	ssyncset.done $0x0  }
0xb0: {  	[sflag:s7] =	ssyncadd.s32 $0xFFFFFB00  }
0xb1: {  	_ =	swait.ge [sflag:s7], $0x500  }
0xb2: {  	[sflag:s7] =	ssyncset.done $0x0  }
0xb3: {  	[sflag:s7] =	ssyncadd.s32 $0xFFFFFB00  }
0xb4: {  	_ =	swait.ge [sflag:s7], $0x500  }
0xb5: {  	[sflag:s7] =	ssyncset.done $0x0  }
0xb6: {  	[sflag:s7] =	ssyncadd.s32 $0xFFFFFB00  }
0xb7: {  	_ =	swait.ge [sflag:s7], $0x500  }
0xb8: {  	[sflag:s7] =	ssyncset.done $0x0  }
0xb9: {  	[sflag:s7] =	ssyncadd.s32 $0xFFFFFB00  }
0xba: {  	_ =	swait.ge [sflag:s7], $0x500  }
0xbb: {  	[sflag:s7] =	ssyncset.done $0x0  }
0xbc: {  	[sflag:s7] =	ssyncadd.s32 $0xFFFFFB00  }
0xbd: {  	_ =	swait.ge [sflag:s7], $0x500  }
0xbe: {  	[sflag:s7] =	ssyncset.done $0x0  }
0xbf: {  	[sflag:s7] =	ssyncadd.s32 $0xFFFFFB00  }
0xc0: {  	_ =	swait.ge [sflag:s7], $0x500  }
0xc1: {  	[sflag:s7] =	ssyncset.done $0x0  }
0xc2: {  	[sflag:s7] =	ssyncadd.s32 $0xFFFFFB00  }
0xc3: {  	_ =	swait.ge [sflag:s7], $0x500  }
0xc4: {  	[sflag:s7] =	ssyncset.done $0x0  }
0xc5: {  	[sflag:s7] =	ssyncadd.s32 $0xFFFFFB00  }
0xc6: {  	_ =	swait.ge [sflag:s7], $0x500  }
0xc7: {  	[sflag:s7] =	ssyncset.done $0x0  }
0xc8: {  	[sflag:s7] =	ssyncadd.s32 $0xFFFFFB00  }
0xc9: {  	_ =	swait.ge [sflag:s7], $0x500  }
0xca: {  	[sflag:s7] =	ssyncset.done $0x0  }
0xcb: {  	[sflag:s7] =	ssyncadd.s32 $0xFFFFFB00  }
0xcc: {  	_ =	swait.ge [sflag:s7], $0x500  }
0xcd: {  	[sflag:s7] =	ssyncset.done $0x0  }
0xce: {  	[sflag:s7] =	ssyncadd.s32 $0xFFFFFB00  }
0xcf: {  	_ =	swait.ge [sflag:s7], $0x500  }
0xd0: {  	[sflag:s7] =	ssyncset.done $0x0  }
0xd1: {  	[sflag:s7] =	ssyncadd.s32 $0xFFFFFB00  }
0xd2: {  	_ =	swait.ge [sflag:s7], $0x500  }
0xd3: {  	[sflag:s7] =	ssyncset.done $0x0  }
0xd4: {  	[sflag:s7] =	ssyncadd.s32 $0xFFFFFB00  }
0xd5: {  	_ =	swait.ge [sflag:s7], $0x500  }
0xd6: {  	[sflag:s7] =	ssyncset.done $0x0  }
0xd7: {  	[sflag:s7] =	ssyncadd.s32 $0xFFFFFB00  }
0xd8: {  	_ =	swait.ge [sflag:s7], $0x500  }
0xd9: {  	[sflag:s7] =	ssyncset.done $0x0  }
0xda: {  	[sflag:s7] =	ssyncadd.s32 $0xFFFFFB00  }
0xdb: {  	_ =	swait.ge [sflag:s7], $0x500  }
0xdc: {  	[sflag:s7] =	ssyncset.done $0x0  }
0xdd: {  	[sflag:s7] =	ssyncadd.s32 $0xFFFFFB00  }
0xde: {  	_ =	swait.ge [sflag:s7], $0x500  }
0xdf: {  	[sflag:s7] =	ssyncset.done $0x0  }
0xe0: {  	[sflag:s7] =	ssyncadd.s32 $0xFFFFFB00  }
0xe1: {  	_ =	swait.ge [sflag:s7], $0x500  }
0xe2: {  	[sflag:s7] =	ssyncset.done $0x0  }
0xe3: {  	s12 =	sadd.s32 $0x320, s12;
	s9 =	simm.s32 $0x32;
	[sflag:s7] =	ssyncadd.s32 $0xFFFFFB00  }
0xe4: {  	s10 =	sadd.s32 $0x320, s10;
	s6 =	sadd.s32 $0x320, s8;
	_ =	swait.ge [sflag:s7], $0x500  }
0xe5: {  	s5 =	simm.s32 $0x64;
	s15 =	rddreg [dreg:$0x6];
	[sflag:s7] =	ssyncset.done $0x0  }
.LBB2_6:
0xe6: {  	[sflag:s7] =	ssyncadd.s32 $0xFFFFFB00;
	s8 =	rddreg [dreg:$0x5];
	s15 =	sadd.s32 s9, s15  }
0xe7: {  	[tilespmem:s4], [sflag:$0x1] =	stream.linear.gather [hbm4b:s15+s4], $0x50, $0x38;
	[tilespmem:$0x9650] =	vst v63  }
0xe8: {  	s8 =	sadd.s32 s9, s8  }
0xe9: {  	[tilespmem:s17], [sflag:$0x1] =	stream.linear.gather [hbm4b:s8+s4], $0x50, $0x38;
	[tilespmem:$0x9650] =	vst v63  }
0xea: {  	s13 =	sadd.s32 $0x320, s13;
	s15 =	rddreg [dreg:$0xe]  }
0xeb: {  	[tilespmem:s18], [sflag:$0x1] =	stream.linear.gather [hbm4b:s13+s4], $0x500, $0x38;
	[tilespmem:$0x9650] =	vst v63  }
0xec: {  	s15 =	sadd.s32 s9, s15;
	s8 =	rddreg [dreg:$0xd]  }
0xed: {  	[tilespmem:s19], [sflag:$0x1] =	stream.linear.gather [hbm4b:s15+s4], $0x50, $0x38;
	[tilespmem:$0x9650] =	vst v63  }
0xee: {  	s8 =	sadd.s32 s9, s8  }
0xef: {  	[tilespmem:s20], [sflag:$0x1] =	stream.linear.gather [hbm4b:s8+s4], $0x50, $0x38;
	[tilespmem:$0x9650] =	vst v63  }
0xf0: {  	s15 =	rddreg [dreg:$0xc]  }
0xf1: {  	[tilespmem:s21], [sflag:$0x1] =	stream.linear.gather [hbm4b:s12+s4], $0x500, $0x38;
	[tilespmem:$0x9650] =	vst v63  }
0xf2: {  	s15 =	sadd.s32 s9, s15;
	s8 =	rddreg [dreg:$0xb]  }
0xf3: {  	[tilespmem:s22], [sflag:$0x1] =	stream.linear.gather [hbm4b:s15+s4], $0x50, $0x38;
	[tilespmem:$0x9650] =	vst v63  }
0xf4: {  	s8 =	sadd.s32 s9, s8  }
0xf5: {  	[tilespmem:s23], [sflag:$0x1] =	stream.linear.gather [hbm4b:s8+s4], $0x50, $0x38;
	[tilespmem:$0x9650] =	vst v63  }
0xf6: {  	s15 =	rddreg [dreg:$0xa]  }
0xf7: {  	[tilespmem:s24], [sflag:$0x1] =	stream.linear.gather [hbm4b:s10+s4], $0x500, $0x38;
	[tilespmem:$0x9650] =	vst v63  }
0xf8: {  	s15 =	sadd.s32 s9, s15;
	s8 =	rddreg [dreg:$0x9]  }
0xf9: {  	[tilespmem:s25], [sflag:$0x1] =	stream.linear.gather [hbm4b:s15+s4], $0x50, $0x38;
	[tilespmem:$0x9650] =	vst v63  }
0xfa: {  	s8 =	sadd.s32 s9, s8  }
0xfb: {  	[tilespmem:s26], [sflag:$0x1] =	stream.linear.gather [hbm4b:s8+s4], $0x50, $0x38;
	[tilespmem:$0x9650] =	vst v63  }
0xfc: {  	s15 =	rddreg [dreg:$0x8]  }
0xfd: {  	[tilespmem:s28], [sflag:$0x1] =	stream.linear.gather [hbm4b:s6+s4], $0x500, $0x38;
	[tilespmem:$0x9650] =	vst v63  }
0xfe: {  	s15 =	sadd.s32 s9, s15;
	s8 =	rddreg [dreg:$0x7]  }
0xff: {  	[tilespmem:s29], [sflag:$0x1] =	stream.linear.gather [hbm4b:s15+s4], $0x50, $0x38;
	[tilespmem:$0x9650] =	vst v63  }
0x100: {  	s8 =	sadd.s32 s9, s8  }
0x101: {  	[tilespmem:s30], [sflag:$0x1] =	stream.linear.gather [hbm4b:s8+s4], $0x50, $0x38;
	[tilespmem:$0x9650] =	vst v63  }
0x102: {  	s11 =	sadd.s32 $0x320, s11  }
0x103: {  	[tilespmem:s31], [sflag:$0x1] =	stream.linear.gather [hbm4b:s11+s4], $0x500, $0x38;
	[tilespmem:$0x9650] =	vst v63  }
0x104: {  	_ =	swait.ge [sflag:s1], $0x50  }
0x105: {  	[sflag:s1] =	ssyncset.done $0x0  }
0x106: {  	[sflag:s1] =	ssyncadd.s32 $0xFFFFFFB0  }
0x107: {  	_ =	swait.ge [sflag:s1], $0x50  }
0x108: {  	[sflag:s1] =	ssyncset.done $0x0  }
0x109: {  	[sflag:s1] =	ssyncadd.s32 $0xFFFFFFB0  }
0x10a: {  	_ =	swait.ge [sflag:s1], $0x500  }
0x10b: {  	[sflag:s1] =	ssyncset.done $0x0  }
0x10c: {  	[sflag:s1] =	ssyncadd.s32 $0xFFFFFB00  }
0x10d: {  	_ =	swait.ge [sflag:s1], $0x50  }
0x10e: {  	[sflag:s1] =	ssyncset.done $0x0  }
0x10f: {  	[sflag:s1] =	ssyncadd.s32 $0xFFFFFFB0  }
0x110: {  	_ =	swait.ge [sflag:s1], $0x50  }
0x111: {  	[sflag:s1] =	ssyncset.done $0x0  }
0x112: {  	[sflag:s1] =	ssyncadd.s32 $0xFFFFFFB0  }
0x113: {  	_ =	swait.ge [sflag:s1], $0x500  }
0x114: {  	[sflag:s1] =	ssyncset.done $0x0  }
0x115: {  	[sflag:s1] =	ssyncadd.s32 $0xFFFFFB00  }
0x116: {  	_ =	swait.ge [sflag:s1], $0x50  }
0x117: {  	[sflag:s1] =	ssyncset.done $0x0  }
0x118: {  	[sflag:s1] =	ssyncadd.s32 $0xFFFFFFB0  }
0x119: {  	_ =	swait.ge [sflag:s1], $0x50  }
0x11a: {  	[sflag:s1] =	ssyncset.done $0x0  }
0x11b: {  	[sflag:s1] =	ssyncadd.s32 $0xFFFFFFB0  }
0x11c: {  	_ =	swait.ge [sflag:s1], $0x500  }
0x11d: {  	[sflag:s1] =	ssyncset.done $0x0  }
0x11e: {  	[sflag:s1] =	ssyncadd.s32 $0xFFFFFB00  }
0x11f: {  	_ =	swait.ge [sflag:s1], $0x50  }
0x120: {  	[sflag:s1] =	ssyncset.done $0x0  }
0x121: {  	[sflag:s1] =	ssyncadd.s32 $0xFFFFFFB0  }
0x122: {  	_ =	swait.ge [sflag:s1], $0x50  }
0x123: {  	[sflag:s1] =	ssyncset.done $0x0  }
0x124: {  	[sflag:s1] =	ssyncadd.s32 $0xFFFFFFB0  }
0x125: {  	_ =	swait.ge [sflag:s1], $0x500  }
0x126: {  	[sflag:s1] =	ssyncset.done $0x0  }
0x127: {  	[sflag:s1] =	ssyncadd.s32 $0xFFFFFB00  }
0x128: {  	_ =	swait.ge [sflag:s1], $0x50  }
0x129: {  	[sflag:s1] =	ssyncset.done $0x0  }
0x12a: {  	[sflag:s1] =	ssyncadd.s32 $0xFFFFFFB0  }
0x12b: {  	_ =	swait.ge [sflag:s1], $0x50  }
0x12c: {  	[sflag:s1] =	ssyncset.done $0x0  }
0x12d: {  	[sflag:s1] =	ssyncadd.s32 $0xFFFFFFB0  }
0x12e: {  	_ =	swait.ge [sflag:s1], $0x500  }
0x12f: {  	[sflag:s1] =	ssyncset.done $0x0  }
0x130: {  	[sflag:s1] =	ssyncadd.s32 $0xFFFFFB00  }
0x131: {  	[spmem:s2] =	stream.indirect.scatter.add.f32 [tilespmem:s18], [sflag:$0x2], $0x10, s4, s19, $0xb8;
	[tilespmem:$0x9650] =	vst v63  }
0x132: {  	_ = 	snop  }
0x133: {  	[spmem:s2] =	stream.indirect.scatter.add.f32 [tilespmem:s18], [sflag:$0x2], $0x10, s17, s19, $0xb8;
	[tilespmem:$0x9650] =	vst v63  }
0x134: {  	_ = 	snop  }
0x135: {  	[spmem:s3] =	stream.indirect.scatter.add.f32 [tilespmem:s0], [sflag:$0x2], $0x10, s4, s19, $0xb8;
	[tilespmem:$0x9650] =	vst v63  }
0x136: {  	_ = 	snop  }
0x137: {  	[spmem:s3] =	stream.indirect.scatter.add.f32 [tilespmem:s0], [sflag:$0x2], $0x10, s17, s19, $0xb8;
	[tilespmem:$0x9650] =	vst v63  }
0x138: {  	_ = 	snop  }
0x139: {  	[spmem:s2] =	stream.indirect.scatter.add.f32 [tilespmem:s21], [sflag:$0x2], $0x10, s19, s19, $0xb8;
	[tilespmem:$0x9650] =	vst v63  }
0x13a: {  	_ = 	snop  }
0x13b: {  	[spmem:s2] =	stream.indirect.scatter.add.f32 [tilespmem:s21], [sflag:$0x2], $0x10, s20, s19, $0xb8;
	[tilespmem:$0x9650] =	vst v63  }
0x13c: {  	_ = 	snop  }
0x13d: {  	[spmem:s3] =	stream.indirect.scatter.add.f32 [tilespmem:s0], [sflag:$0x2], $0x10, s19, s19, $0xb8;
	[tilespmem:$0x9650] =	vst v63  }
0x13e: {  	_ = 	snop  }
0x13f: {  	[spmem:s3] =	stream.indirect.scatter.add.f32 [tilespmem:s0], [sflag:$0x2], $0x10, s20, s19, $0xb8;
	[tilespmem:$0x9650] =	vst v63  }
0x140: {  	_ = 	snop  }
0x141: {  	[spmem:s2] =	stream.indirect.scatter.add.f32 [tilespmem:s24], [sflag:$0x2], $0x10, s22, s19, $0xb8;
	[tilespmem:$0x9650] =	vst v63  }
0x142: {  	_ = 	snop  }
0x143: {  	[spmem:s2] =	stream.indirect.scatter.add.f32 [tilespmem:s24], [sflag:$0x2], $0x10, s23, s19, $0xb8;
	[tilespmem:$0x9650] =	vst v63  }
0x144: {  	_ = 	snop  }
0x145: {  	[spmem:s3] =	stream.indirect.scatter.add.f32 [tilespmem:s0], [sflag:$0x2], $0x10, s22, s19, $0xb8;
	[tilespmem:$0x9650] =	vst v63  }
0x146: {  	_ = 	snop  }
0x147: {  	[spmem:s3] =	stream.indirect.scatter.add.f32 [tilespmem:s0], [sflag:$0x2], $0x10, s23, s19, $0xb8;
	[tilespmem:$0x9650] =	vst v63  }
0x148: {  	_ = 	snop  }
0x149: {  	[spmem:s2] =	stream.indirect.scatter.add.f32 [tilespmem:s28], [sflag:$0x2], $0x10, s25, s19, $0xb8;
	[tilespmem:$0x9650] =	vst v63  }
0x14a: {  	_ = 	snop  }
0x14b: {  	[spmem:s2] =	stream.indirect.scatter.add.f32 [tilespmem:s28], [sflag:$0x2], $0x10, s26, s19, $0xb8;
	[tilespmem:$0x9650] =	vst v63  }
0x14c: {  	_ = 	snop  }
0x14d: {  	[spmem:s3] =	stream.indirect.scatter.add.f32 [tilespmem:s0], [sflag:$0x2], $0x10, s25, s19, $0xb8;
	[tilespmem:$0x9650] =	vst v63  }
0x14e: {  	_ = 	snop  }
0x14f: {  	[spmem:s3] =	stream.indirect.scatter.add.f32 [tilespmem:s0], [sflag:$0x2], $0x10, s26, s19, $0xb8;
	[tilespmem:$0x9650] =	vst v63  }
0x150: {  	_ = 	snop  }
0x151: {  	[spmem:s2] =	stream.indirect.scatter.add.f32 [tilespmem:s31], [sflag:$0x2], $0x10, s29, s19, $0xb8;
	[tilespmem:$0x9650] =	vst v63  }
0x152: {  	_ = 	snop  }
0x153: {  	[spmem:s2] =	stream.indirect.scatter.add.f32 [tilespmem:s31], [sflag:$0x2], $0x10, s30, s19, $0xb8;
	[tilespmem:$0x9650] =	vst v63  }
0x154: {  	_ = 	snop  }
0x155: {  	[spmem:s3] =	stream.indirect.scatter.add.f32 [tilespmem:s0], [sflag:$0x2], $0x10, s29, s19, $0xb8;
	[tilespmem:$0x9650] =	vst v63  }
0x156: {  	_ = 	snop  }
0x157: {  	[spmem:s3] =	stream.indirect.scatter.add.f32 [tilespmem:s0], [sflag:$0x2], $0x10, s30, s19, $0xb8;
	[tilespmem:$0x9650] =	vst v63  }
0x158: {  	_ =	swait.ge [sflag:s7], $0x500  }
0x159: {  	[sflag:s7] =	ssyncset.done $0x0  }
0x15a: {  	[sflag:s7] =	ssyncadd.s32 $0xFFFFFB00  }
0x15b: {  	_ =	swait.ge [sflag:s7], $0x500  }
0x15c: {  	[sflag:s7] =	ssyncset.done $0x0  }
0x15d: {  	[sflag:s7] =	ssyncadd.s32 $0xFFFFFB00  }
0x15e: {  	_ =	swait.ge [sflag:s7], $0x500  }
0x15f: {  	[sflag:s7] =	ssyncset.done $0x0  }
0x160: {  	[sflag:s7] =	ssyncadd.s32 $0xFFFFFB00  }
0x161: {  	_ =	swait.ge [sflag:s7], $0x500  }
0x162: {  	[sflag:s7] =	ssyncset.done $0x0  }
0x163: {  	[sflag:s7] =	ssyncadd.s32 $0xFFFFFB00  }
0x164: {  	_ =	swait.ge [sflag:s7], $0x500  }
0x165: {  	[sflag:s7] =	ssyncset.done $0x0  }
0x166: {  	[sflag:s7] =	ssyncadd.s32 $0xFFFFFB00  }
0x167: {  	_ =	swait.ge [sflag:s7], $0x500  }
0x168: {  	[sflag:s7] =	ssyncset.done $0x0  }
0x169: {  	[sflag:s7] =	ssyncadd.s32 $0xFFFFFB00  }
0x16a: {  	_ =	swait.ge [sflag:s7], $0x500  }
0x16b: {  	[sflag:s7] =	ssyncset.done $0x0  }
0x16c: {  	[sflag:s7] =	ssyncadd.s32 $0xFFFFFB00  }
0x16d: {  	_ =	swait.ge [sflag:s7], $0x500  }
0x16e: {  	[sflag:s7] =	ssyncset.done $0x0  }
0x16f: {  	[sflag:s7] =	ssyncadd.s32 $0xFFFFFB00  }
0x170: {  	_ =	swait.ge [sflag:s7], $0x500  }
0x171: {  	[sflag:s7] =	ssyncset.done $0x0  }
0x172: {  	[sflag:s7] =	ssyncadd.s32 $0xFFFFFB00  }
0x173: {  	_ =	swait.ge [sflag:s7], $0x500  }
0x174: {  	[sflag:s7] =	ssyncset.done $0x0  }
0x175: {  	[sflag:s7] =	ssyncadd.s32 $0xFFFFFB00  }
0x176: {  	_ =	swait.ge [sflag:s7], $0x500  }
0x177: {  	[sflag:s7] =	ssyncset.done $0x0  }
0x178: {  	[sflag:s7] =	ssyncadd.s32 $0xFFFFFB00  }
0x179: {  	_ =	swait.ge [sflag:s7], $0x500  }
0x17a: {  	[sflag:s7] =	ssyncset.done $0x0  }
0x17b: {  	[sflag:s7] =	ssyncadd.s32 $0xFFFFFB00  }
0x17c: {  	_ =	swait.ge [sflag:s7], $0x500  }
0x17d: {  	[sflag:s7] =	ssyncset.done $0x0  }
0x17e: {  	[sflag:s7] =	ssyncadd.s32 $0xFFFFFB00  }
0x17f: {  	_ =	swait.ge [sflag:s7], $0x500  }
0x180: {  	[sflag:s7] =	ssyncset.done $0x0  }
0x181: {  	[sflag:s7] =	ssyncadd.s32 $0xFFFFFB00  }
0x182: {  	_ =	swait.ge [sflag:s7], $0x500  }
0x183: {  	[sflag:s7] =	ssyncset.done $0x0  }
0x184: {  	[sflag:s7] =	ssyncadd.s32 $0xFFFFFB00  }
0x185: {  	_ =	swait.ge [sflag:s7], $0x500  }
0x186: {  	[sflag:s7] =	ssyncset.done $0x0  }
0x187: {  	[sflag:s7] =	ssyncadd.s32 $0xFFFFFB00  }
0x188: {  	_ =	swait.ge [sflag:s7], $0x500  }
0x189: {  	[sflag:s7] =	ssyncset.done $0x0  }
0x18a: {  	[sflag:s7] =	ssyncadd.s32 $0xFFFFFB00  }
0x18b: {  	_ =	swait.ge [sflag:s7], $0x500  }
0x18c: {  	[sflag:s7] =	ssyncset.done $0x0  }
0x18d: {  	p0 =	sne.s32 s5, $0x4B0;
	[sflag:s7] =	ssyncadd.s32 $0xFFFFFB00  }
.Ltmp2:
0x18e: {  	_ =	swait.ge [sflag:s7], $0x500;
	(pc) =	sbr.rel @p0 .LBB2_6-.Ltmp2, $4  }
0x18f: {  	s14 =	smov.u32 s5;
	[sflag:s7] =	ssyncset.done $0x0  }
0x190: {  	s5 =	sadd.s32 $0x32, s5;
	s12 =	sadd.s32 $0x320, s12;
	[sflag:s7] =	ssyncadd.s32 $0xFFFFFB00  }
0x191: {  	s10 =	sadd.s32 $0x320, s10;
	s9 =	smov.u32 s14;
	_ =	swait.ge [sflag:s7], $0x500  }
0x192: {  	s6 =	sadd.s32 $0x320, s6;
	s15 =	rddreg [dreg:$0x6];
	[sflag:s7] =	ssyncset.done $0x0  }
0x193: {  	s5 =	rddreg [dreg:$0x5];
	[sflag:s7] =	ssyncadd.s32 $0xFFFFFB00;
	s8 =	sadd.s32 s9, s15  }
0x194: {  	[tilespmem:s4], [sflag:$0x1] =	stream.linear.gather [hbm4b:s8+s4], $0x50, $0x38;
	[tilespmem:$0x9650] =	vst v63  }
0x195: {  	s5 =	sadd.s32 s9, s5  }
0x196: {  	[tilespmem:s17], [sflag:$0x1] =	stream.linear.gather [hbm4b:s5+s4], $0x50, $0x38;
	[tilespmem:$0x9650] =	vst v63  }
0x197: {  	s13 =	sadd.s32 $0x320, s13;
	s14 =	rddreg [dreg:$0xe]  }
0x198: {  	[tilespmem:s18], [sflag:$0x1] =	stream.linear.gather [hbm4b:s13+s4], $0x500, $0x38;
	[tilespmem:$0x9650] =	vst v63  }
0x199: {  	s15 =	rddreg [dreg:$0xd];
	s8 =	sadd.s32 s9, s14  }
0x19a: {  	[tilespmem:s19], [sflag:$0x1] =	stream.linear.gather [hbm4b:s8+s4], $0x50, $0x38;
	[tilespmem:$0x9650] =	vst v63  }
0x19b: {  	s5 =	sadd.s32 s9, s15  }
0x19c: {  	[tilespmem:s20], [sflag:$0x1] =	stream.linear.gather [hbm4b:s5+s4], $0x50, $0x38;
	[tilespmem:$0x9650] =	vst v63  }
0x19d: {  	s13 =	rddreg [dreg:$0xc]  }
0x19e: {  	[tilespmem:s21], [sflag:$0x1] =	stream.linear.gather [hbm4b:s12+s4], $0x500, $0x38;
	[tilespmem:$0x9650] =	vst v63  }
0x19f: {  	s14 =	rddreg [dreg:$0xb];
	s5 =	sadd.s32 s9, s13  }
0x1a0: {  	[tilespmem:s22], [sflag:$0x1] =	stream.linear.gather [hbm4b:s5+s4], $0x50, $0x38;
	[tilespmem:$0x9650] =	vst v63  }
0x1a1: {  	s15 =	sadd.s32 s9, s14  }
0x1a2: {  	[tilespmem:s23], [sflag:$0x1] =	stream.linear.gather [hbm4b:s15+s4], $0x50, $0x38;
	[tilespmem:$0x9650] =	vst v63  }
0x1a3: {  	s8 =	rddreg [dreg:$0xa]  }
0x1a4: {  	[tilespmem:s24], [sflag:$0x1] =	stream.linear.gather [hbm4b:s10+s4], $0x500, $0x38;
	[tilespmem:$0x9650] =	vst v63  }
0x1a5: {  	s12 =	rddreg [dreg:$0x9];
	s5 =	sadd.s32 s9, s8  }
0x1a6: {  	[tilespmem:s25], [sflag:$0x1] =	stream.linear.gather [hbm4b:s5+s4], $0x50, $0x38;
	[tilespmem:$0x9650] =	vst v63  }
0x1a7: {  	s13 =	sadd.s32 s9, s12  }
0x1a8: {  	[tilespmem:s26], [sflag:$0x1] =	stream.linear.gather [hbm4b:s13+s4], $0x50, $0x38;
	[tilespmem:$0x9650] =	vst v63  }
0x1a9: {  	s14 =	rddreg [dreg:$0x8]  }
0x1aa: {  	[tilespmem:s28], [sflag:$0x1] =	stream.linear.gather [hbm4b:s6+s4], $0x500, $0x38;
	[tilespmem:$0x9650] =	vst v63  }
0x1ab: {  	s15 =	rddreg [dreg:$0x7];
	s5 =	sadd.s32 s9, s14  }
0x1ac: {  	[tilespmem:s29], [sflag:$0x1] =	stream.linear.gather [hbm4b:s5+s4], $0x50, $0x38;
	[tilespmem:$0x9650] =	vst v63  }
0x1ad: {  	s8 =	sadd.s32 s9, s15  }
0x1ae: {  	[tilespmem:s30], [sflag:$0x1] =	stream.linear.gather [hbm4b:s8+s4], $0x50, $0x38;
	[tilespmem:$0x9650] =	vst v63  }
0x1af: {  	s9 =	sadd.s32 $0x320, s11  }
0x1b0: {  	[tilespmem:s31], [sflag:$0x1] =	stream.linear.gather [hbm4b:s9+s4], $0x500, $0x38;
	[tilespmem:$0x9650] =	vst v63  }
0x1b1: {  	_ =	swait.ge [sflag:s1], $0x50  }
0x1b2: {  	[sflag:s1] =	ssyncset.done $0x0  }
0x1b3: {  	[sflag:s1] =	ssyncadd.s32 $0xFFFFFFB0  }
0x1b4: {  	_ =	swait.ge [sflag:s1], $0x50  }
0x1b5: {  	[sflag:s1] =	ssyncset.done $0x0  }
0x1b6: {  	[sflag:s1] =	ssyncadd.s32 $0xFFFFFFB0  }
0x1b7: {  	_ =	swait.ge [sflag:s1], $0x500  }
0x1b8: {  	[sflag:s1] =	ssyncset.done $0x0  }
0x1b9: {  	[sflag:s1] =	ssyncadd.s32 $0xFFFFFB00  }
0x1ba: {  	_ =	swait.ge [sflag:s1], $0x50  }
0x1bb: {  	[sflag:s1] =	ssyncset.done $0x0  }
0x1bc: {  	[sflag:s1] =	ssyncadd.s32 $0xFFFFFFB0  }
0x1bd: {  	_ =	swait.ge [sflag:s1], $0x50  }
0x1be: {  	[sflag:s1] =	ssyncset.done $0x0  }
0x1bf: {  	[sflag:s1] =	ssyncadd.s32 $0xFFFFFFB0  }
0x1c0: {  	_ =	swait.ge [sflag:s1], $0x500  }
0x1c1: {  	[sflag:s1] =	ssyncset.done $0x0  }
0x1c2: {  	[sflag:s1] =	ssyncadd.s32 $0xFFFFFB00  }
0x1c3: {  	_ =	swait.ge [sflag:s1], $0x50  }
0x1c4: {  	[sflag:s1] =	ssyncset.done $0x0  }
0x1c5: {  	[sflag:s1] =	ssyncadd.s32 $0xFFFFFFB0  }
0x1c6: {  	_ =	swait.ge [sflag:s1], $0x50  }
0x1c7: {  	[sflag:s1] =	ssyncset.done $0x0  }
0x1c8: {  	[sflag:s1] =	ssyncadd.s32 $0xFFFFFFB0  }
0x1c9: {  	_ =	swait.ge [sflag:s1], $0x500  }
0x1ca: {  	[sflag:s1] =	ssyncset.done $0x0  }
0x1cb: {  	[sflag:s1] =	ssyncadd.s32 $0xFFFFFB00  }
0x1cc: {  	_ =	swait.ge [sflag:s1], $0x50  }
0x1cd: {  	[sflag:s1] =	ssyncset.done $0x0  }
0x1ce: {  	[sflag:s1] =	ssyncadd.s32 $0xFFFFFFB0  }
0x1cf: {  	_ =	swait.ge [sflag:s1], $0x50  }
0x1d0: {  	[sflag:s1] =	ssyncset.done $0x0  }
0x1d1: {  	[sflag:s1] =	ssyncadd.s32 $0xFFFFFFB0  }
0x1d2: {  	_ =	swait.ge [sflag:s1], $0x500  }
0x1d3: {  	[sflag:s1] =	ssyncset.done $0x0  }
0x1d4: {  	[sflag:s1] =	ssyncadd.s32 $0xFFFFFB00  }
0x1d5: {  	_ =	swait.ge [sflag:s1], $0x50  }
0x1d6: {  	[sflag:s1] =	ssyncset.done $0x0  }
0x1d7: {  	[sflag:s1] =	ssyncadd.s32 $0xFFFFFFB0  }
0x1d8: {  	_ =	swait.ge [sflag:s1], $0x50  }
0x1d9: {  	[sflag:s1] =	ssyncset.done $0x0  }
0x1da: {  	[sflag:s1] =	ssyncadd.s32 $0xFFFFFFB0  }
0x1db: {  	_ =	swait.ge [sflag:s1], $0x500  }
0x1dc: {  	[sflag:s1] =	ssyncset.done $0x0  }
0x1dd: {  	[sflag:s1] =	ssyncadd.s32 $0xFFFFFB00  }
0x1de: {  	[spmem:s2] =	stream.indirect.scatter.add.f32 [tilespmem:s18], [sflag:$0x2], $0x10, s4, s19, $0xb8;
	[tilespmem:$0x9650] =	vst v63  }
0x1df: {  	_ = 	snop  }
0x1e0: {  	[spmem:s2] =	stream.indirect.scatter.add.f32 [tilespmem:s18], [sflag:$0x2], $0x10, s17, s19, $0xb8;
	[tilespmem:$0x9650] =	vst v63  }
0x1e1: {  	_ = 	snop  }
0x1e2: {  	[spmem:s3] =	stream.indirect.scatter.add.f32 [tilespmem:s0], [sflag:$0x2], $0x10, s4, s19, $0xb8;
	[tilespmem:$0x9650] =	vst v63  }
0x1e3: {  	_ = 	snop  }
0x1e4: {  	[spmem:s3] =	stream.indirect.scatter.add.f32 [tilespmem:s0], [sflag:$0x2], $0x10, s17, s19, $0xb8;
	[tilespmem:$0x9650] =	vst v63  }
0x1e5: {  	_ = 	snop  }
0x1e6: {  	[spmem:s2] =	stream.indirect.scatter.add.f32 [tilespmem:s21], [sflag:$0x2], $0x10, s19, s19, $0xb8;
	[tilespmem:$0x9650] =	vst v63  }
0x1e7: {  	_ = 	snop  }
0x1e8: {  	[spmem:s2] =	stream.indirect.scatter.add.f32 [tilespmem:s21], [sflag:$0x2], $0x10, s20, s19, $0xb8;
	[tilespmem:$0x9650] =	vst v63  }
0x1e9: {  	_ = 	snop  }
0x1ea: {  	[spmem:s3] =	stream.indirect.scatter.add.f32 [tilespmem:s0], [sflag:$0x2], $0x10, s19, s19, $0xb8;
	[tilespmem:$0x9650] =	vst v63  }
0x1eb: {  	_ = 	snop  }
0x1ec: {  	[spmem:s3] =	stream.indirect.scatter.add.f32 [tilespmem:s0], [sflag:$0x2], $0x10, s20, s19, $0xb8;
	[tilespmem:$0x9650] =	vst v63  }
0x1ed: {  	_ = 	snop  }
0x1ee: {  	[spmem:s2] =	stream.indirect.scatter.add.f32 [tilespmem:s24], [sflag:$0x2], $0x10, s22, s19, $0xb8;
	[tilespmem:$0x9650] =	vst v63  }
0x1ef: {  	_ = 	snop  }
0x1f0: {  	[spmem:s2] =	stream.indirect.scatter.add.f32 [tilespmem:s24], [sflag:$0x2], $0x10, s23, s19, $0xb8;
	[tilespmem:$0x9650] =	vst v63  }
0x1f1: {  	_ = 	snop  }
0x1f2: {  	[spmem:s3] =	stream.indirect.scatter.add.f32 [tilespmem:s0], [sflag:$0x2], $0x10, s22, s19, $0xb8;
	[tilespmem:$0x9650] =	vst v63  }
0x1f3: {  	_ = 	snop  }
0x1f4: {  	[spmem:s3] =	stream.indirect.scatter.add.f32 [tilespmem:s0], [sflag:$0x2], $0x10, s23, s19, $0xb8;
	[tilespmem:$0x9650] =	vst v63  }
0x1f5: {  	_ = 	snop  }
0x1f6: {  	[spmem:s2] =	stream.indirect.scatter.add.f32 [tilespmem:s28], [sflag:$0x2], $0x10, s25, s19, $0xb8;
	[tilespmem:$0x9650] =	vst v63  }
0x1f7: {  	_ = 	snop  }
0x1f8: {  	[spmem:s2] =	stream.indirect.scatter.add.f32 [tilespmem:s28], [sflag:$0x2], $0x10, s26, s19, $0xb8;
	[tilespmem:$0x9650] =	vst v63  }
0x1f9: {  	_ = 	snop  }
0x1fa: {  	[spmem:s3] =	stream.indirect.scatter.add.f32 [tilespmem:s0], [sflag:$0x2], $0x10, s25, s19, $0xb8;
	[tilespmem:$0x9650] =	vst v63  }
0x1fb: {  	_ = 	snop  }
0x1fc: {  	[spmem:s3] =	stream.indirect.scatter.add.f32 [tilespmem:s0], [sflag:$0x2], $0x10, s26, s19, $0xb8;
	[tilespmem:$0x9650] =	vst v63  }
0x1fd: {  	_ = 	snop  }
0x1fe: {  	[spmem:s2] =	stream.indirect.scatter.add.f32 [tilespmem:s31], [sflag:$0x2], $0x10, s29, s19, $0xb8;
	[tilespmem:$0x9650] =	vst v63  }
0x1ff: {  	_ = 	snop  }
0x200: {  	[spmem:s2] =	stream.indirect.scatter.add.f32 [tilespmem:s31], [sflag:$0x2], $0x10, s30, s19, $0xb8;
	[tilespmem:$0x9650] =	vst v63  }
0x201: {  	_ = 	snop  }
0x202: {  	[spmem:s3] =	stream.indirect.scatter.add.f32 [tilespmem:s0], [sflag:$0x2], $0x10, s29, s19, $0xb8;
	[tilespmem:$0x9650] =	vst v63  }
0x203: {  	_ = 	snop  }
0x204: {  	[spmem:s3] =	stream.indirect.scatter.add.f32 [tilespmem:s0], [sflag:$0x2], $0x10, s30, s19, $0xb8;
	[tilespmem:$0x9650] =	vst v63  }
0x205: {  	_ =	swait.ge [sflag:s7], $0x500  }
0x206: {  	[sflag:s7] =	ssyncset.done $0x0  }
0x207: {  	[sflag:s7] =	ssyncadd.s32 $0xFFFFFB00  }
0x208: {  	_ =	swait.ge [sflag:s7], $0x500  }
0x209: {  	[sflag:s7] =	ssyncset.done $0x0  }
0x20a: {  	[sflag:s7] =	ssyncadd.s32 $0xFFFFFB00  }
0x20b: {  	_ =	swait.ge [sflag:s7], $0x500  }
0x20c: {  	[sflag:s7] =	ssyncset.done $0x0  }
0x20d: {  	[sflag:s7] =	ssyncadd.s32 $0xFFFFFB00  }
0x20e: {  	_ =	swait.ge [sflag:s7], $0x500  }
0x20f: {  	[sflag:s7] =	ssyncset.done $0x0  }
0x210: {  	[sflag:s7] =	ssyncadd.s32 $0xFFFFFB00  }
0x211: {  	_ =	swait.ge [sflag:s7], $0x500  }
0x212: {  	[sflag:s7] =	ssyncset.done $0x0  }
0x213: {  	[sflag:s7] =	ssyncadd.s32 $0xFFFFFB00  }
0x214: {  	_ =	swait.ge [sflag:s7], $0x500  }
0x215: {  	[sflag:s7] =	ssyncset.done $0x0  }
0x216: {  	[sflag:s7] =	ssyncadd.s32 $0xFFFFFB00  }
0x217: {  	_ =	swait.ge [sflag:s7], $0x500  }
0x218: {  	[sflag:s7] =	ssyncset.done $0x0  }
0x219: {  	[sflag:s7] =	ssyncadd.s32 $0xFFFFFB00  }
0x21a: {  	_ =	swait.ge [sflag:s7], $0x500  }
0x21b: {  	[sflag:s7] =	ssyncset.done $0x0  }
0x21c: {  	[sflag:s7] =	ssyncadd.s32 $0xFFFFFB00  }
0x21d: {  	_ =	swait.ge [sflag:s7], $0x500  }
0x21e: {  	[sflag:s7] =	ssyncset.done $0x0  }
0x21f: {  	[sflag:s7] =	ssyncadd.s32 $0xFFFFFB00  }
0x220: {  	_ =	swait.ge [sflag:s7], $0x500  }
0x221: {  	[sflag:s7] =	ssyncset.done $0x0  }
0x222: {  	[sflag:s7] =	ssyncadd.s32 $0xFFFFFB00  }
0x223: {  	_ =	swait.ge [sflag:s7], $0x500  }
0x224: {  	[sflag:s7] =	ssyncset.done $0x0  }
0x225: {  	[sflag:s7] =	ssyncadd.s32 $0xFFFFFB00  }
0x226: {  	_ =	swait.ge [sflag:s7], $0x500  }
0x227: {  	[sflag:s7] =	ssyncset.done $0x0  }
0x228: {  	[sflag:s7] =	ssyncadd.s32 $0xFFFFFB00  }
0x229: {  	_ =	swait.ge [sflag:s7], $0x500  }
0x22a: {  	[sflag:s7] =	ssyncset.done $0x0  }
0x22b: {  	[sflag:s7] =	ssyncadd.s32 $0xFFFFFB00  }
0x22c: {  	_ =	swait.ge [sflag:s7], $0x500  }
0x22d: {  	[sflag:s7] =	ssyncset.done $0x0  }
0x22e: {  	[sflag:s7] =	ssyncadd.s32 $0xFFFFFB00  }
0x22f: {  	_ =	swait.ge [sflag:s7], $0x500  }
0x230: {  	[sflag:s7] =	ssyncset.done $0x0  }
0x231: {  	[sflag:s7] =	ssyncadd.s32 $0xFFFFFB00  }
0x232: {  	_ =	swait.ge [sflag:s7], $0x500  }
0x233: {  	[sflag:s7] =	ssyncset.done $0x0  }
0x234: {  	[sflag:s7] =	ssyncadd.s32 $0xFFFFFB00  }
0x235: {  	_ =	swait.ge [sflag:s7], $0x500  }
0x236: {  	[sflag:s7] =	ssyncset.done $0x0  }
0x237: {  	[sflag:s7] =	ssyncadd.s32 $0xFFFFFB00  }
0x238: {  	_ =	swait.ge [sflag:s7], $0x500  }
0x239: {  	[sflag:s7] =	ssyncset.done $0x0  }
0x23a: {  	[sflag:s7] =	ssyncadd.s32 $0xFFFFFB00  }
0x23b: {  	_ =	swait.ge [sflag:s7], $0x500  }
0x23c: {  	[sflag:s7] =	ssyncset.done $0x0  }
0x23d: {  	[sflag:s7] =	ssyncadd.s32 $0xFFFFFB00  }
0x23e: {  	_ =	swait.ge [sflag:s7], $0x500  }
0x23f: {  	[sflag:s7] =	ssyncset.done $0x0  }
0x240: {  	[sflag:s7] =	ssyncadd.s32 $0xFFFFFB00  }
0x241: {  	[bflag:$0x0] =	sbarrier.arrive $0xFFFF  }
0x242: {  	s8 =	simm.s32 $0x2120;
	s13 =	rddreg [dreg:$0xf]  }
0x243: {  	[tilespmem:s8], [sflag:$0x3] =	stream.linear.gather [spmem:s13], $0x2710, $0x38;
	[tilespmem:$0x9650] =	vst v63  }
0x244: {  	_ =	swait.ge [sflag:s16], $0x2710  }
0x245: {  	[sflag:s16] =	ssyncset.done $0x0  }
0x246: {  	s10 =	rddreg [dreg:$0x11];
	[sflag:s16] =	ssyncadd.s32 $0xFFFFD8F0  }
0x247: {  	[hbm4b:s10+s4] =	stream.linear.scatter [tilespmem:s8], [sflag:$0x3], $0x2710, $0x38;
	[tilespmem:$0x9650] =	vst v63  }
0x248: {  	_ =	swait.ge [sflag:s16], $0x2710  }
0x249: {  	[sflag:s16] =	ssyncset.done $0x0  }
0x24a: {  	s14 =	rddreg [dreg:$0x10];
	[sflag:s16] =	ssyncadd.s32 $0xFFFFD8F0  }
0x24b: {  	[tilespmem:s8], [sflag:$0x3] =	stream.linear.gather [spmem:s14], $0x2710, $0x38;
	[tilespmem:$0x9650] =	vst v63  }
0x24c: {  	_ =	swait.ge [sflag:s16], $0x2710  }
0x24d: {  	[sflag:s16] =	ssyncset.done $0x0  }
0x24e: {  	s11 =	rddreg [dreg:$0x12];
	[sflag:s16] =	ssyncadd.s32 $0xFFFFD8F0  }
0x24f: {  	[hbm4b:s11+s4] =	stream.linear.scatter [tilespmem:s8], [sflag:$0x3], $0x2710, $0x38;
	[tilespmem:$0x9650] =	vst v63  }
0x250: {  	_ =	swait.ge [sflag:s16], $0x2710  }
0x251: {  	s12 =	rddreg [dreg:$0x19]  }
0x252: {  	s15 =	rddreg [dreg:$0x13];
	s6 =	sadd.s32 $0x1, s12  }
0x253: {  	p0 =	sne.s32 s6, s15  }
.Ltmp3:
0x254: {  	_ = 	snop;
	(pc) =	sbr.rel @p0 .LBB2_1-.Ltmp3, $3  }
0x255: {  	_ =	sdelay $0x1  }
0x256: {  	[sflag:s16] =	ssyncset.done $0x0  }
0x257: {  	[sflag:s16] =	ssyncadd.s32 $0xFFFFD8F0  }
0x258: {  	_ =	sfence.sel $0x180000  }
0x259: {  	[bflag:$0x0] =	sbarrier.arrive $0xFFFF  }
0x25a: {  	_ =	strace $0x9000004A  }
0x25b: {  	s0 =	stileid.u32;
	[bflag:$0x2] =	sbarrier.arrive $0xFFFF  }
0x25c: {  	p0 =	sne.s32 s0, $0x0;
	s0 =	rddreg [dreg:$0x4]  }
0x25d: {  	s0 =	sadd.s32 @!p0 $0x100000, s0  }
0x25e: {  	[sflag:s0] =	ssyncadd.tile.s32 @!p0 $0x1;
	_ =	shalt  }
.Lfunc_end2:
_tile_overlayer_lowered:
.L_overlay_start_2:
0x25f: {  	(tag) =	ssettag $0x2  }
0x260: {  	s0 =	rddreg [dreg:$0x0];
	s2 =	stileid.u32  }
0x261: {  	s1 =	rddreg [dreg:$0x1];
	p0 =	sne.s32 s2, $0x0  }
0x262: {  	s3 =	rddreg [dreg:$0x2];
	[bflag:$0x3] =	sbarrier.arrive $0xFFFF;
	s2 =	simm.s32 @!p0 $0x1C03  }
0x263: {  	[timem:s3], [sflag:s2] =	dma.local @!p0 [hbm:s0], s1  }
0x264: {  	s0 =	simm.s32 @!p0 $0x3  }
0x265: {  	_ =	swait.ge @!p0 [sflag:s0], s1  }
0x266: {  	s1 =	ssub.s32 @!p0 $0x0, s1;
	[sflag:s0] =	ssyncset.done @!p0 $0x0  }
0x267: {  	[sflag:s0] =	ssyncadd.s32 @!p0 s1  }
0x268: {  	[bflag:$0x3] =	sbarrier.arrive $0xFFFF  }
0x269: {  	_ =	shalt  }

// kernel: kernel.7.cloned.1.call-start
scs
__scs_entry_jumppad:
0x0: {  	(pc) =	sbr.rel $0x88, $3  }
0x1: {  	(tag) =	ssettag $0x0;
	lr =	simm.s32 $0x1  }
0x2: {  	[smem:$0x3F96] =	sst lr;
	_ =	strace $0xD0000000  }
0x3: {  	_ = 	snop  }
0x4: {  	_ = 	snop  }
0x5: {  	_ = 	snop  }
0x6: {  	_ = 	snop  }
0x7: {  	_ = 	snop  }
__scs_overlays_trampoline_lowered:
0x8: {  	[smem:$0x3FA5] =	sst s0  }
0x9: {  	[smem:$0x3FA6] =	sst s1  }
0xa: {  	[smem:$0x3FA7] =	sst s2  }
0xb: {  	[smem:$0x3FA8] =	sst s3  }
0xc: {  	[smem:$0x3FA9] =	sst s4  }
0xd: {  	[smem:$0x3FAA] =	sst s5  }
0xe: {  	[smem:$0x3FAB] =	sst s6  }
0xf: {  	[smem:$0x3FAC] =	sst s7  }
0x10: {  	[smem:$0x3FAD] =	sst s8  }
0x11: {  	[smem:$0x3FAE] =	sst s9;
	s0 =	simm.s32 @!p0 $0x0  }
0x12: {  	s1 =	sld [smem:$0x3F94];
	s0 =	simm.s32 @p0 $0x1  }
0x13: {  	[smem:$0x3FAF] =	sst s0;
	s0 =	simm.s32 @!p1 $0x0  }
0x14: {  	s2 =	sld [smem:$0x3F93];
	s0 =	simm.s32 @p1 $0x1  }
0x15: {  	[smem:$0x3FB0] =	sst s0;
	s0 =	simm.s32 @!p2 $0x0  }
0x16: {  	s3 =	sld [smem:$0x3FDB];
	s0 =	simm.s32 @p2 $0x1  }
0x17: {  	s4 =	simm.s32 $0x1BF5;
	[smem:$0x3FB2] =	sst s0  }
0x18: {  	s0 =	sld [smem:$0x3F95];
	_ =	swait.ge [sflag:s4], $0x0  }
0x19: {  	s7 =	sld [smem:$0x3F96]  }
0x1a: {  	s8 =	sadd.s32 $0xFFFFE003, lr  }
0x1b: {  	s9 =	sadd.s32 $0xFFFFFEF7, lr;
	s5 =	simm.s32 $0xFFFFFFFF;
	p2 =	slt.u32 s8, $0xFFFFF086  }
0x1c: {  	p1 =	slt.u32 s9, $0xF7A;
	s5 =	simm.s32 @!p2 $0x0  }
0x1d: {  	s5 =	simm.s32 @p1 $0x1;
	p0 =	seq.s32 s7, s2  }
0x1e: {  	s7 =	smul.u32 @!p0 $0xF7A, s2;
	p2 =	seq.s32 @!p0 s5, $0x0  }
0x1f: {  	s9 =	smul.u32 $0xF7A, s1;
	s8 =	simm.s32 @!p0 $0x1BF5;
	p2 =	por !p2, p0  }
0x20: {  	[sflag:s8] =	ssyncset.s32 @!p0 $0xFFFFF086;
	s6 =	sadd.s32 @!p0 s3, s7;
	s7 =	simm.s32 @!p0 $0x108  }
0x21: {  	s3 =	sadd.s32 s3, s9;
	s6 =	sadd.s32 @!p0 $0x88, s6;
	s7 =	simm.s32 @p2 $0x1082  }
0x22: {  	[simem:s7], [sflag:s8] =	dma.local @!p0 [hbm:s6], $0xF7A  }
0x23: {  	s9 =	sor.u32 $0xD0000000, s2;
	s6 =	simm.s32 $0x108;
	_ =	swait.ge @!p0 [sflag:s8], $0x0  }
0x24: {  	s3 =	sadd.s32 $0x88, s3;
	s6 =	simm.s32 @!p1 $0x1082;
	[sflag:s4] =	ssyncset.s32 $0xFFFFF086  }
0x25: {  	[simem:s6], [sflag:s4] =	dma.local [hbm:s3], $0xF7A  }
0x26: {  	[smem:$0x3F96] =	sst s1;
	(tag) =	ssettag s2;
	_ =	strace s9  }
0x27: {  	s1 =	sld [smem:$0x3FA6]  }
0x28: {  	s2 =	sld [smem:$0x3FA7]  }
0x29: {  	s4 =	sld [smem:$0x3FA9]  }
0x2a: {  	p0 =	seq.s32 s5, $0x0;
	s5 =	sld [smem:$0x3FAA]  }
0x2b: {  	s6 =	sld [smem:$0x3FAB]  }
0x2c: {  	s7 =	sld [smem:$0x3FAC]  }
0x2d: {  	s3 =	simm.s32 $0x108;
	s8 =	sld [smem:$0x3FAD]  }
0x2e: {  	s3 =	simm.s32 @!p0 $0x1082;
	s9 =	sld [smem:$0x3FAE]  }
0x2f: {  	lr =	sadd.s32 s0, s3;
	s0 =	sld [smem:$0x3FA5]  }
0x30: {  	s3 =	sld [smem:$0x3FA8]  }
0x31: {  	[smem:$0x3FB1] =	sst s10  }
0x32: {  	s10 =	sld [smem:$0x3FAF];
	_ =	sdelay $0x3  }
0x33: {  	p0 =	seq.s32 s10, $0x1;
	s10 =	sld [smem:$0x3FB1];
	_ =	sdelay $0x3  }
0x34: {  	[smem:$0x3FB1] =	sst s10  }
0x35: {  	s10 =	sld [smem:$0x3FB0];
	_ =	sdelay $0x3  }
0x36: {  	p1 =	seq.s32 s10, $0x1;
	s10 =	sld [smem:$0x3FB1];
	_ =	sdelay $0x3  }
0x37: {  	[smem:$0x3FB1] =	sst s10  }
0x38: {  	s10 =	sld [smem:$0x3FB2]  }
0x39: {  	_ = 	snop;
	(pc) =	sbr.ind lr, $3  }
0x3a: {  	_ = 	snop  }
0x3b: {  	_ = 	snop  }
0x3c: {  	p2 =	seq.s32 s10, $0x1;
	s10 =	sld [smem:$0x3FB1]  }
0x3d: {  	_ =	shalt  }
0x3e: {  	_ =	shalt  }
0x3f: {  	_ =	shalt  }
0x40: {  	_ =	shalt  }
0x41: {  	_ =	shalt  }
0x42: {  	_ =	shalt  }
0x43: {  	_ =	shalt  }
0x44: {  	_ =	shalt  }
0x45: {  	_ =	shalt  }
0x46: {  	_ =	shalt  }
0x47: {  	_ =	shalt  }
0x48: {  	_ =	shalt  }
0x49: {  	_ =	shalt  }
0x4a: {  	_ =	shalt  }
0x4b: {  	_ =	shalt  }
0x4c: {  	_ =	shalt  }
0x4d: {  	_ =	shalt  }
0x4e: {  	_ =	shalt  }
0x4f: {  	_ =	shalt  }
0x50: {  	_ =	shalt  }
0x51: {  	_ =	shalt  }
0x52: {  	_ =	shalt  }
0x53: {  	_ =	shalt  }
0x54: {  	_ =	shalt  }
0x55: {  	_ =	shalt  }
0x56: {  	_ =	shalt  }
0x57: {  	_ =	shalt  }
0x58: {  	_ =	shalt  }
0x59: {  	_ =	shalt  }
0x5a: {  	_ =	shalt  }
0x5b: {  	_ =	shalt  }
0x5c: {  	_ =	shalt  }
0x5d: {  	_ =	shalt  }
0x5e: {  	_ =	shalt  }
0x5f: {  	_ =	shalt  }
0x60: {  	_ =	shalt  }
0x61: {  	_ =	shalt  }
0x62: {  	_ =	shalt  }
0x63: {  	_ =	shalt  }
0x64: {  	_ =	shalt  }
0x65: {  	_ =	shalt  }
0x66: {  	_ =	shalt  }
0x67: {  	_ =	shalt  }
0x68: {  	_ =	shalt  }
0x69: {  	_ =	shalt  }
0x6a: {  	_ =	shalt  }
0x6b: {  	_ =	shalt  }
0x6c: {  	_ =	shalt  }
0x6d: {  	_ =	shalt  }
0x6e: {  	_ =	shalt  }
0x6f: {  	_ =	shalt  }
0x70: {  	_ =	shalt  }
0x71: {  	_ =	shalt  }
0x72: {  	_ =	shalt  }
0x73: {  	_ =	shalt  }
0x74: {  	_ =	shalt  }
0x75: {  	_ =	shalt  }
0x76: {  	_ =	shalt  }
0x77: {  	_ =	shalt  }
0x78: {  	_ =	shalt  }
0x79: {  	_ =	shalt  }
0x7a: {  	_ =	shalt  }
0x7b: {  	_ =	shalt  }
0x7c: {  	_ =	shalt  }
0x7d: {  	_ =	shalt  }
0x7e: {  	_ =	shalt  }
0x7f: {  	_ =	shalt  }
0x80: {  	_ =	shalt  }
0x81: {  	_ =	shalt  }
0x82: {  	_ =	shalt  }
0x83: {  	_ =	shalt  }
0x84: {  	_ =	shalt  }
0x85: {  	_ =	shalt  }
0x86: {  	_ =	shalt  }
0x87: {  	_ =	shalt  }
.Lfunc_end0:
.L_simem_size_0:
called_computation_lowered:
.L_overlay_start_0:
0x88: {  	s2 =	sld [smem:$0x3FD9]  }
0x89: {  	s3 =	sld [smem:$0x3FFE];
	_ =	sdelay $0x1  }
0x8a: {  	s1 =	srdreg.scid  }
0x8b: {  	s0 =	sand.u32 $0x1, s1  }
0x8c: {  	s14 =	sshll.u32 s0, $0xA;
	s2 =	sadd.s32 s3, s2  }
0x8d: {  	s2 =	sadd.s32 s2, s14  }
0x8e: {  	[smem:$0x3FBD] =	sst s2  }
0x8f: {  	_ = 	snop  }
0x90: {  	s2 =	sld [smem:$0x3FD0];
	_ =	sdelay $0x2  }
0x91: {  	s15 =	simm.s32 $0xA;
	s4 =	simm.s32 $0x10  }
0x92: {  	[smem:s4], [sflag:s15] =	dma.local [hbm:s2], $0x1  }
0x93: {  	_ =	swait.eq [sflag:s15], $0x1  }
0x94: {  	[sflag:s15] =	ssyncset.done $0x0  }
0x95: {  	[sflag:s15] =	ssyncadd.s32 $0xFFFFFFFF  }
0x96: {  	s16 =	sld [smem:$0x10];
	(tm) =	ssettm $0x1  }
0x97: {  	s17 =	sld [smem:$0x3FFB];
	_ =	sdelay $0x3  }
0x98: {  	_ =	strace s17  }
0x99: {  	s3 =	sld [smem:$0x3FFC];
	_ =	sdelay $0x3  }
0x9a: {  	_ =	strace s3  }
0x9b: {  	s3 =	sld [smem:$0x3FFD];
	_ =	sdelay $0x3  }
0x9c: {  	_ =	strace s3  }
0x9d: {  	_ =	strace $0x8FFFFFFF  }
0x9e: {  	s18 =	sld [smem:$0x3FDB];
	_ =	sdelay $0x1  }
0x9f: {  	s19 =	simm.s32 $_scs_section_size  }
0xa0: {  	s5 =	simm.s32 $_size__tile_overlayer_lowered;
	s6 =	simm.s32 $_tile_overlayer_lowered  }
0xa1: {  	s22 =	simm.s32 $0x1BFF;
	s21 =	sshll.u32 s6, $0x1;
	s3 =	sadd.s32 s19, s18  }
0xa2: {  	s7 =	simm.s32 $0x0;
	s20 =	sshll.u32 s5, $0x1;
	s5 =	sadd.s32 s21, s3  }
0xa3: {  	[timem:s7], [sflag:s22] =	dma.local [hbm:s5], s20  }
0xa4: {  	_ =	swait.ge [sflag:s22], s20  }
0xa5: {  	s4 =	ssub.s32 $0x0, s20;
	[sflag:s22] =	ssyncset.done $0x0  }
0xa6: {  	[sflag:s22] =	ssyncadd.s32 s4;
	_ =	sdelay $0x1  }
0xa7: {  	s23 =	simm.s32 $0x1B8B  }
0xa8: {  	_ =	swait.ge [sflag:s23], $0x1  }
0xa9: {  	[sflag:s23] =	ssyncset.done $0x0  }
0xaa: {  	s25 =	simm.s32 $0x1B8E;
	s24 =	sld [smem:$0x3FFE];
	[sflag:s23] =	ssyncadd.s32 $0xFFFFFFFF  }
0xab: {  	s26 =	simm.s32 $execute0_lowered;
	[smem:$0x3FD2] =	sst s25  }
0xac: {  	s5 =	sshll.u32 s26, $0x1;
	_ =	strace $0x80000046;
	[dreg:$0x1] =	wrdreg $0xFFFFFFFF  }
0xad: {  	s28 =	simm.s32 $_size_execute0_lowered;
	s3 =	sadd.s32 s3, s5;
	[dreg:$0x0] =	wrdreg $0x0  }
0xae: {  	s5 =	sshll.u32 s28, $0x1;
	[dreg:$0x2] =	wrdreg s3  }
0xaf: {  	[dreg:$0x3] =	wrdreg s5  }
0xb0: {  	[dreg:$0x4] =	wrdreg $0xC0  }
0xb1: {  	_ =	task [dreg:s7], $0x5FFFF  }
0xb2: {  	[dreg:$0x1] =	wrdreg $0xFFFFFFFF  }
0xb3: {  	[dreg:$0x0] =	wrdreg $0x60  }
0xb4: {  	[dreg:$0x2] =	wrdreg s24  }
0xb5: {  	[dreg:$0x3] =	wrdreg s16  }
0xb6: {  	[dreg:$0x4] =	wrdreg $0x9  }
0xb7: {  	_ =	task.clear_ibuf [dreg:s7], $0x5FFFF;
	_ =	strace $0x90000046  }
0xb8: {  	s29 =	simm.s32 $0x9;
	_ =	strace $0x80000048  }
0xb9: {  	_ =	swait.ge [sflag:s29], $0x1  }
0xba: {  	[sflag:s29] =	ssyncadd.s32 $0xFFFFFFFF  }
0xbb: {  	_ =	strace $0x90000048  }
0xbc: {  	_ =	sfence  }
0xbd: {  	s30 =	sld [smem:$0x0];
	_ =	sdelay $0x2  }
0xbe: {  	s31 =	sshll.u32 s1, $0xD;
	s1 =	sshrl.u32 s1, $0x2  }
0xbf: {  	s3 =	sand.u32 $0x4000, s31;
	s1 =	sadd.s32 s1, s30  }
0xc0: {  	s0 =	sor.u32 s3, s0;
	s1 =	sshll.u32 s1, $0x11  }
0xc1: {  	s0 =	sor.u32 s1, s0  }
0xc2: {  	s0 =	sadd.s32 $0x8F2B, s0  }
0xc3: {  	[sflag:s0] =	ssyncadd.remote.s32 $0x1  }
0xc4: {  	_ =	sfence.sel $0xFFFF  }
0xc5: {  	[dreg:$0x0] =	wrdreg $0xFFFFFFFF;
	(pc) =	sbr.abs _section_cstart, $3  }
0xc6: {  	[dreg:$0x1] =	wrdreg $0xFFFFFFFF  }
0xc7: {  	_ =	task.clear_ibuf [dreg:s7], $0x2FFFF;
	_ =	strace $0x9FFFFFFF  }
0xc8: {  	(tm) =	ssettm $0x7FFFFFFF  }
0xc9: {  	_ =	shalt  }
tec
execute0_lowered:
.L_overlay_start_1:
0x0: {  	(tag) =	ssettag $0x1  }
0x1: {  	s0 =	rddreg [dreg:$0x0]  }
0x2: {  	s1 =	rddreg [dreg:$0x1];
	s2 =	simm.s32 $0x0  }
0x3: {  	s3 =	srdreg.scid;
	s11 =	stileid.u32;
	s28 =	simm.s32 $0x3  }
0x4: {  	[smem:$0x7FF] =	sst s2;
	s5 =	sand.u32 $0x1, s3;
	s6 =	smul.u32 $0x4E20, s11  }
0x5: {  	s3 =	sadd.s32 $0x5200, s0;
	s4 =	sadd.s32 $0xA200, s0;
	s11 =	smul.u32 $0x9C40, s11  }
0x6: {  	s8 =	sadd.s32 $0xF200, s0;
	s0 =	sadd.s32 $0x19000, s0;
	s7 =	smul.u32 $0x2710, s5  }
0x7: {  	_ =	strace $0x80000047;
	s9 =	ssub.s32 $0x2, s5;
	s5 =	smul.u32 $0x4E20, s5  }
0x8: {  	s10 =	sshrl.u32 s9, $0x1;
	s11 =	sadd.s32 s11, s0;
	s6 =	sadd.s32 s7, s6  }
0x9: {  	s30 =	ssub.s32 s9, s10;
	s5 =	sadd.s32 s5, s11;
	s11 =	simm.s32 $0x190  }
0xa: {  	s31 =	sshrl.u32 s6, $0x3;
	s7 =	smax.u32 s30, $0x1;
	[dreg:$0xe] =	wrdreg s5  }
0xb: {  	s13 =	sadd.s32 $0x140, s6;
	s18 =	sadd.s32 $0xF0, s6;
	s21 =	sadd.s32 $0xA0, s6  }
0xc: {  	s6 =	sadd.s32 $0x50, s6;
	[dreg:$0xd] =	wrdreg s7;
	s12 =	sadd.s32 s31, s1  }
0xd: {  	s14 =	sadd.s32 s31, s8;
	s15 =	sshll.u32 s13, $0x1;
	s5 =	sshrl.u32 s13, $0x3  }
0xe: {  	s19 =	sshll.u32 s18, $0x1;
	s7 =	sshrl.u32 s18, $0x3;
	s23 =	sshrl.u32 s21, $0x3  }
0xf: {  	s26 =	sshrl.u32 s6, $0x3;
	s9 =	sshll.u32 s21, $0x1;
	[dreg:$0x3] =	wrdreg s12  }
0x10: {  	s29 =	sshll.u32 s6, $0x1;
	[dreg:$0x4] =	wrdreg s14;
	s16 =	sadd.s32 s15, s0  }
0x11: {  	s13 =	simm.s32 $0x1E0;
	s17 =	sadd.s32 s5, s1;
	[dreg:$0xf] =	wrdreg s16  }
0x12: {  	s18 =	simm.s32 $0x140;
	s5 =	sadd.s32 s5, s8;
	[dreg:$0x5] =	wrdreg s17  }
0x13: {  	s21 =	simm.s32 $0x320;
	s20 =	sadd.s32 s7, s1;
	[dreg:$0x6] =	wrdreg s5  }
0x14: {  	s22 =	sadd.s32 s7, s8;
	s24 =	sadd.s32 s23, s1;
	[dreg:$0x7] =	wrdreg s20  }
0x15: {  	s25 =	sadd.s32 s23, s8;
	s1 =	sadd.s32 s26, s1;
	[dreg:$0x8] =	wrdreg s22  }
0x16: {  	s30 =	sadd.s32 s26, s8;
	s31 =	sadd.s32 s9, s0;
	[dreg:$0x9] =	wrdreg s24  }
0x17: {  	s12 =	simm.s32 $0x50;
	s14 =	simm.s32 $0xA0;
	[dreg:$0xa] =	wrdreg s25  }
0x18: {  	s15 =	simm.s32 $0x230;
	s23 =	simm.s32 $0xD20;
	[dreg:$0xb] =	wrdreg s1  }
0x19: {  	s26 =	simm.s32 $0x2;
	s5 =	sadd.s32 s19, s0;
	[dreg:$0x11] =	wrdreg s31  }
0x1a: {  	s0 =	sadd.s32 s29, s0;
	[dreg:$0xc] =	wrdreg s30;
	s16 =	simm.s32 $0xF0  }
0x1b: {  	s17 =	simm.s32 $0x280;
	s19 =	simm.s32 $0x2D0;
	s20 =	simm.s32 $0x1  }
0x1c: {  	s22 =	simm.s32 $0x820;
	s24 =	simm.s32 $0x1220;
	[dreg:$0x10] =	wrdreg s5  }
0x1d: {  	s25 =	simm.s32 $0x1720;
	s1 =	simm.s32 $0x0;
	[dreg:$0x12] =	wrdreg s0  }
.LBB2_1:
0x1e: {  	s0 =	rddreg [dreg:$0x4]  }
0x1f: {  	s7 =	rddreg [dreg:$0x3];
	s0 =	sadd.s32 $0x0, s0  }
0x20: {  	[tilespmem:s2], [sflag:$0x1] =	stream.linear.gather [hbm4b:s0+s2], $0x50, $0x38;
	[tilespmem:$0x1C20] =	vst v63  }
0x21: {  	s5 =	rddreg [dreg:$0xc];
	s8 =	sadd.s32 $0x0, s7  }
0x22: {  	[tilespmem:s11], [sflag:$0x1] =	stream.linear.gather [hbm4b:s8+s2], $0x50, $0x38;
	[tilespmem:$0x1C20] =	vst v63  }
0x23: {  	s9 =	rddreg [dreg:$0xb];
	s10 =	sadd.s32 $0x0, s5  }
0x24: {  	[tilespmem:s12], [sflag:$0x1] =	stream.linear.gather [hbm4b:s10+s2], $0x50, $0x38;
	[tilespmem:$0x1C20] =	vst v63  }
0x25: {  	s29 =	rddreg [dreg:$0xa];
	s6 =	sadd.s32 $0x0, s9  }
0x26: {  	[tilespmem:s13], [sflag:$0x1] =	stream.linear.gather [hbm4b:s6+s2], $0x50, $0x38;
	[tilespmem:$0x1C20] =	vst v63  }
0x27: {  	s7 =	rddreg [dreg:$0x9];
	s8 =	sadd.s32 $0x0, s29  }
0x28: {  	[tilespmem:s14], [sflag:$0x1] =	stream.linear.gather [hbm4b:s8+s2], $0x50, $0x38;
	[tilespmem:$0x1C20] =	vst v63  }
0x29: {  	s9 =	rddreg [dreg:$0x8];
	s10 =	sadd.s32 $0x0, s7  }
0x2a: {  	[tilespmem:s15], [sflag:$0x1] =	stream.linear.gather [hbm4b:s10+s2], $0x50, $0x38;
	[tilespmem:$0x1C20] =	vst v63  }
0x2b: {  	s5 =	sadd.s32 $0x0, s9;
	s29 =	rddreg [dreg:$0x7]  }
0x2c: {  	[tilespmem:s16], [sflag:$0x1] =	stream.linear.gather [hbm4b:s5+s2], $0x50, $0x38;
	[tilespmem:$0x1C20] =	vst v63  }
0x2d: {  	s7 =	sadd.s32 $0x0, s29;
	s6 =	rddreg [dreg:$0x6]  }
0x2e: {  	[tilespmem:s17], [sflag:$0x1] =	stream.linear.gather [hbm4b:s7+s2], $0x50, $0x38;
	[tilespmem:$0x1C20] =	vst v63  }
0x2f: {  	s9 =	sadd.s32 $0x0, s6;
	s8 =	rddreg [dreg:$0x5]  }
0x30: {  	[tilespmem:s18], [sflag:$0x1] =	stream.linear.gather [hbm4b:s9+s2], $0x50, $0x38;
	[tilespmem:$0x1C20] =	vst v63  }
0x31: {  	[dreg:$0x13] =	wrdreg s1;
	s10 =	sadd.s32 $0x0, s8  }
0x32: {  	[tilespmem:s19], [sflag:$0x1] =	stream.linear.gather [hbm4b:s10+s2], $0x50, $0x38;
	[tilespmem:$0x1C20] =	vst v63  }
0x33: {  	_ =	swait.ge [sflag:s20], $0x50  }
0x34: {  	[sflag:s20] =	ssyncset.done $0x0  }
0x35: {  	[sflag:s20] =	ssyncadd.s32 $0xFFFFFFB0  }
0x36: {  	_ =	swait.ge [sflag:s20], $0x50  }
0x37: {  	[sflag:s20] =	ssyncset.done $0x0  }
0x38: {  	[sflag:s20] =	ssyncadd.s32 $0xFFFFFFB0  }
0x39: {  	_ =	swait.ge [sflag:s20], $0x50  }
0x3a: {  	[sflag:s20] =	ssyncset.done $0x0  }
0x3b: {  	[sflag:s20] =	ssyncadd.s32 $0xFFFFFFB0  }
0x3c: {  	_ =	swait.ge [sflag:s20], $0x50  }
0x3d: {  	[sflag:s20] =	ssyncset.done $0x0  }
0x3e: {  	[sflag:s20] =	ssyncadd.s32 $0xFFFFFFB0  }
0x3f: {  	_ =	swait.ge [sflag:s20], $0x50  }
0x40: {  	[sflag:s20] =	ssyncset.done $0x0  }
0x41: {  	[sflag:s20] =	ssyncadd.s32 $0xFFFFFFB0  }
0x42: {  	_ =	swait.ge [sflag:s20], $0x50  }
0x43: {  	[sflag:s20] =	ssyncset.done $0x0  }
0x44: {  	[sflag:s20] =	ssyncadd.s32 $0xFFFFFFB0  }
0x45: {  	_ =	swait.ge [sflag:s20], $0x50  }
0x46: {  	[sflag:s20] =	ssyncset.done $0x0  }
0x47: {  	[sflag:s20] =	ssyncadd.s32 $0xFFFFFFB0  }
0x48: {  	_ =	swait.ge [sflag:s20], $0x50  }
0x49: {  	[sflag:s20] =	ssyncset.done $0x0  }
0x4a: {  	[sflag:s20] =	ssyncadd.s32 $0xFFFFFFB0  }
0x4b: {  	_ =	swait.ge [sflag:s20], $0x50  }
0x4c: {  	[sflag:s20] =	ssyncset.done $0x0  }
0x4d: {  	[sflag:s20] =	ssyncadd.s32 $0xFFFFFFB0  }
0x4e: {  	_ =	swait.ge [sflag:s20], $0x50  }
0x4f: {  	[sflag:s20] =	ssyncset.done $0x0  }
0x50: {  	[sflag:s20] =	ssyncadd.s32 $0xFFFFFFB0  }
0x51: {  	[tilespmem:s21], [sflag:$0x2] =	stream.indirect.gather [hbm4b:s4+s12], $0x10, s11, s12, $0xb8;
	[tilespmem:$0x1C20] =	vst v63  }
0x52: {  	_ = 	snop  }
0x53: {  	[tilespmem:s22], [sflag:$0x2] =	stream.indirect.gather [hbm4b:s4+s12], $0x10, s13, s12, $0xb8;
	[tilespmem:$0x1C20] =	vst v63  }
0x54: {  	_ = 	snop  }
0x55: {  	[tilespmem:s23], [sflag:$0x2] =	stream.indirect.gather [hbm4b:s4+s12], $0x10, s15, s12, $0xb8;
	[tilespmem:$0x1C20] =	vst v63  }
0x56: {  	_ = 	snop  }
0x57: {  	[tilespmem:s24], [sflag:$0x2] =	stream.indirect.gather [hbm4b:s4+s12], $0x10, s17, s12, $0xb8;
	[tilespmem:$0x1C20] =	vst v63  }
0x58: {  	_ = 	snop  }
0x59: {  	[tilespmem:s25], [sflag:$0x2] =	stream.indirect.gather [hbm4b:s4+s12], $0x10, s19, s12, $0xb8;
	[tilespmem:$0x1C20] =	vst v63  }
0x5a: {  	_ =	swait.ge [sflag:s26], $0x500  }
0x5b: {  	[sflag:s26] =	ssyncset.done $0x0  }
0x5c: {  	[sflag:s26] =	ssyncadd.s32 $0xFFFFFB00  }
0x5d: {  	_ =	swait.ge [sflag:s26], $0x500  }
0x5e: {  	[sflag:s26] =	ssyncset.done $0x0  }
0x5f: {  	[sflag:s26] =	ssyncadd.s32 $0xFFFFFB00  }
0x60: {  	_ =	swait.ge [sflag:s26], $0x500  }
0x61: {  	[sflag:s26] =	ssyncset.done $0x0  }
0x62: {  	[sflag:s26] =	ssyncadd.s32 $0xFFFFFB00  }
0x63: {  	_ =	swait.ge [sflag:s26], $0x500  }
0x64: {  	[sflag:s26] =	ssyncset.done $0x0  }
0x65: {  	[sflag:s26] =	ssyncadd.s32 $0xFFFFFB00  }
0x66: {  	_ =	swait.ge [sflag:s26], $0x500  }
0x67: {  	[sflag:s26] =	ssyncset.done $0x0  }
0x68: {  	[sflag:s26] =	ssyncadd.s32 $0xFFFFFB00  }
0x69: {  	[tilespmem:s21], [sflag:$0x2] =	stream.indirect.gather.add.f32 [hbm:s3], $0x10, s2, s12, $0xb8;
	[tilespmem:$0x1C20] =	vst v63  }
0x6a: {  	_ = 	snop  }
0x6b: {  	[tilespmem:s22], [sflag:$0x2] =	stream.indirect.gather.add.f32 [hbm:s3], $0x10, s12, s12, $0xb8;
	[tilespmem:$0x1C20] =	vst v63  }
0x6c: {  	_ = 	snop  }
0x6d: {  	[tilespmem:s23], [sflag:$0x2] =	stream.indirect.gather.add.f32 [hbm:s3], $0x10, s14, s12, $0xb8;
	[tilespmem:$0x1C20] =	vst v63  }
0x6e: {  	_ = 	snop  }
0x6f: {  	[tilespmem:s24], [sflag:$0x2] =	stream.indirect.gather.add.f32 [hbm:s3], $0x10, s16, s12, $0xb8;
	[tilespmem:$0x1C20] =	vst v63  }
0x70: {  	_ = 	snop  }
0x71: {  	[tilespmem:s25], [sflag:$0x2] =	stream.indirect.gather.add.f32 [hbm:s3], $0x10, s18, s12, $0xb8;
	[tilespmem:$0x1C20] =	vst v63  }
0x72: {  	_ =	swait.ge [sflag:s26], $0x500  }
0x73: {  	[sflag:s26] =	ssyncset.done $0x0  }
0x74: {  	[sflag:s26] =	ssyncadd.s32 $0xFFFFFB00  }
0x75: {  	_ =	swait.ge [sflag:s26], $0x500  }
0x76: {  	[sflag:s26] =	ssyncset.done $0x0  }
0x77: {  	[sflag:s26] =	ssyncadd.s32 $0xFFFFFB00  }
0x78: {  	_ =	swait.ge [sflag:s26], $0x500  }
0x79: {  	[sflag:s26] =	ssyncset.done $0x0  }
0x7a: {  	[sflag:s26] =	ssyncadd.s32 $0xFFFFFB00  }
0x7b: {  	_ =	swait.ge [sflag:s26], $0x500  }
0x7c: {  	[sflag:s26] =	ssyncset.done $0x0  }
0x7d: {  	[sflag:s26] =	ssyncadd.s32 $0xFFFFFB00  }
0x7e: {  	_ =	swait.ge [sflag:s26], $0x500  }
0x7f: {  	[sflag:s26] =	ssyncset.done $0x0  }
0x80: {  	s6 =	rddreg [dreg:$0xe];
	[sflag:s26] =	ssyncadd.s32 $0xFFFFFB00  }
0x81: {  	[hbm4b:s6+s2] =	stream.linear.scatter [tilespmem:s21], [sflag:$0x3], $0x500, $0x38;
	[tilespmem:$0x1C20] =	vst v63  }
0x82: {  	s9 =	rddreg [dreg:$0x12]  }
0x83: {  	[hbm4b:s9+s2] =	stream.linear.scatter [tilespmem:s22], [sflag:$0x3], $0x500, $0x38;
	[tilespmem:$0x1C20] =	vst v63  }
0x84: {  	s8 =	rddreg [dreg:$0x11]  }
0x85: {  	[hbm4b:s8+s2] =	stream.linear.scatter [tilespmem:s23], [sflag:$0x3], $0x500, $0x38;
	[tilespmem:$0x1C20] =	vst v63  }
0x86: {  	s29 =	rddreg [dreg:$0x10]  }
0x87: {  	[hbm4b:s29+s2] =	stream.linear.scatter [tilespmem:s24], [sflag:$0x3], $0x500, $0x38;
	[tilespmem:$0x1C20] =	vst v63  }
0x88: {  	s7 =	rddreg [dreg:$0xf]  }
0x89: {  	[hbm4b:s7+s2] =	stream.linear.scatter [tilespmem:s25], [sflag:$0x3], $0x500, $0x38;
	[tilespmem:$0x1C20] =	vst v63  }
0x8a: {  	_ =	swait.ge [sflag:s28], $0x500  }
0x8b: {  	[sflag:s28] =	ssyncset.done $0x0  }
0x8c: {  	[sflag:s28] =	ssyncadd.s32 $0xFFFFFB00  }
0x8d: {  	_ =	swait.ge [sflag:s28], $0x500  }
0x8e: {  	[sflag:s28] =	ssyncset.done $0x0  }
0x8f: {  	[sflag:s28] =	ssyncadd.s32 $0xFFFFFB00  }
0x90: {  	_ =	swait.ge [sflag:s28], $0x500  }
0x91: {  	[sflag:s28] =	ssyncset.done $0x0  }
0x92: {  	[sflag:s28] =	ssyncadd.s32 $0xFFFFFB00  }
0x93: {  	_ =	swait.ge [sflag:s28], $0x500  }
0x94: {  	[sflag:s28] =	ssyncset.done $0x0  }
0x95: {  	s1 =	simm.s32 $0x64;
	s5 =	simm.s32 $0x32;
	[sflag:s28] =	ssyncadd.s32 $0xFFFFFB00  }
0x96: {  	s30 =	sadd.s32 $0x320, s8;
	s31 =	sadd.s32 $0x320, s9;
	_ =	swait.ge [sflag:s28], $0x500  }
0x97: {  	s0 =	sadd.s32 $0x320, s29;
	s8 =	rddreg [dreg:$0x4];
	[sflag:s28] =	ssyncset.done $0x0  }
.LBB2_2:
0x98: {  	[sflag:s28] =	ssyncadd.s32 $0xFFFFFB00;
	s10 =	rddreg [dreg:$0x3];
	s8 =	sadd.s32 s5, s8  }
0x99: {  	[tilespmem:s2], [sflag:$0x1] =	stream.linear.gather [hbm4b:s8+s2], $0x50, $0x38;
	[tilespmem:$0x1C20] =	vst v63  }
0x9a: {  	s29 =	rddreg [dreg:$0xc];
	s8 =	sadd.s32 s5, s10  }
0x9b: {  	[tilespmem:s11], [sflag:$0x1] =	stream.linear.gather [hbm4b:s8+s2], $0x50, $0x38;
	[tilespmem:$0x1C20] =	vst v63  }
0x9c: {  	s10 =	rddreg [dreg:$0xb];
	s8 =	sadd.s32 s5, s29  }
0x9d: {  	[tilespmem:s12], [sflag:$0x1] =	stream.linear.gather [hbm4b:s8+s2], $0x50, $0x38;
	[tilespmem:$0x1C20] =	vst v63  }
0x9e: {  	s29 =	rddreg [dreg:$0xa];
	s8 =	sadd.s32 s5, s10  }
0x9f: {  	[tilespmem:s13], [sflag:$0x1] =	stream.linear.gather [hbm4b:s8+s2], $0x50, $0x38;
	[tilespmem:$0x1C20] =	vst v63  }
0xa0: {  	s10 =	rddreg [dreg:$0x9];
	s8 =	sadd.s32 s5, s29  }
0xa1: {  	[tilespmem:s14], [sflag:$0x1] =	stream.linear.gather [hbm4b:s8+s2], $0x50, $0x38;
	[tilespmem:$0x1C20] =	vst v63  }
0xa2: {  	s29 =	rddreg [dreg:$0x8];
	s8 =	sadd.s32 s5, s10  }
0xa3: {  	[tilespmem:s15], [sflag:$0x1] =	stream.linear.gather [hbm4b:s8+s2], $0x50, $0x38;
	[tilespmem:$0x1C20] =	vst v63  }
0xa4: {  	s10 =	rddreg [dreg:$0x7];
	s8 =	sadd.s32 s5, s29  }
0xa5: {  	[tilespmem:s16], [sflag:$0x1] =	stream.linear.gather [hbm4b:s8+s2], $0x50, $0x38;
	[tilespmem:$0x1C20] =	vst v63  }
0xa6: {  	s29 =	rddreg [dreg:$0x6];
	s8 =	sadd.s32 s5, s10  }
0xa7: {  	[tilespmem:s17], [sflag:$0x1] =	stream.linear.gather [hbm4b:s8+s2], $0x50, $0x38;
	[tilespmem:$0x1C20] =	vst v63  }
0xa8: {  	s29 =	sadd.s32 s5, s29;
	s10 =	rddreg [dreg:$0x5]  }
0xa9: {  	[tilespmem:s18], [sflag:$0x1] =	stream.linear.gather [hbm4b:s29+s2], $0x50, $0x38;
	[tilespmem:$0x1C20] =	vst v63  }
0xaa: {  	s29 =	sadd.s32 s5, s10  }
0xab: {  	[tilespmem:s19], [sflag:$0x1] =	stream.linear.gather [hbm4b:s29+s2], $0x50, $0x38;
	[tilespmem:$0x1C20] =	vst v63  }
0xac: {  	_ =	swait.ge [sflag:s20], $0x50  }
0xad: {  	[sflag:s20] =	ssyncset.done $0x0  }
0xae: {  	[sflag:s20] =	ssyncadd.s32 $0xFFFFFFB0  }
0xaf: {  	_ =	swait.ge [sflag:s20], $0x50  }
0xb0: {  	[sflag:s20] =	ssyncset.done $0x0  }
0xb1: {  	[sflag:s20] =	ssyncadd.s32 $0xFFFFFFB0  }
0xb2: {  	_ =	swait.ge [sflag:s20], $0x50  }
0xb3: {  	[sflag:s20] =	ssyncset.done $0x0  }
0xb4: {  	[sflag:s20] =	ssyncadd.s32 $0xFFFFFFB0  }
0xb5: {  	_ =	swait.ge [sflag:s20], $0x50  }
0xb6: {  	[sflag:s20] =	ssyncset.done $0x0  }
0xb7: {  	[sflag:s20] =	ssyncadd.s32 $0xFFFFFFB0  }
0xb8: {  	_ =	swait.ge [sflag:s20], $0x50  }
0xb9: {  	[sflag:s20] =	ssyncset.done $0x0  }
0xba: {  	[sflag:s20] =	ssyncadd.s32 $0xFFFFFFB0  }
0xbb: {  	_ =	swait.ge [sflag:s20], $0x50  }
0xbc: {  	[sflag:s20] =	ssyncset.done $0x0  }
0xbd: {  	[sflag:s20] =	ssyncadd.s32 $0xFFFFFFB0  }
0xbe: {  	_ =	swait.ge [sflag:s20], $0x50  }
0xbf: {  	[sflag:s20] =	ssyncset.done $0x0  }
0xc0: {  	[sflag:s20] =	ssyncadd.s32 $0xFFFFFFB0  }
0xc1: {  	_ =	swait.ge [sflag:s20], $0x50  }
0xc2: {  	[sflag:s20] =	ssyncset.done $0x0  }
0xc3: {  	[sflag:s20] =	ssyncadd.s32 $0xFFFFFFB0  }
0xc4: {  	_ =	swait.ge [sflag:s20], $0x50  }
0xc5: {  	[sflag:s20] =	ssyncset.done $0x0  }
0xc6: {  	[sflag:s20] =	ssyncadd.s32 $0xFFFFFFB0  }
0xc7: {  	_ =	swait.ge [sflag:s20], $0x50  }
0xc8: {  	[sflag:s20] =	ssyncset.done $0x0  }
0xc9: {  	[sflag:s20] =	ssyncadd.s32 $0xFFFFFFB0  }
0xca: {  	[tilespmem:s21], [sflag:$0x2] =	stream.indirect.gather [hbm4b:s4+s12], $0x10, s11, s12, $0xb8;
	[tilespmem:$0x1C20] =	vst v63  }
0xcb: {  	_ = 	snop  }
0xcc: {  	[tilespmem:s22], [sflag:$0x2] =	stream.indirect.gather [hbm4b:s4+s12], $0x10, s13, s12, $0xb8;
	[tilespmem:$0x1C20] =	vst v63  }
0xcd: {  	_ = 	snop  }
0xce: {  	[tilespmem:s23], [sflag:$0x2] =	stream.indirect.gather [hbm4b:s4+s12], $0x10, s15, s12, $0xb8;
	[tilespmem:$0x1C20] =	vst v63  }
0xcf: {  	_ = 	snop  }
0xd0: {  	[tilespmem:s24], [sflag:$0x2] =	stream.indirect.gather [hbm4b:s4+s12], $0x10, s17, s12, $0xb8;
	[tilespmem:$0x1C20] =	vst v63  }
0xd1: {  	_ = 	snop  }
0xd2: {  	[tilespmem:s25], [sflag:$0x2] =	stream.indirect.gather [hbm4b:s4+s12], $0x10, s19, s12, $0xb8;
	[tilespmem:$0x1C20] =	vst v63  }
0xd3: {  	_ =	swait.ge [sflag:s26], $0x500  }
0xd4: {  	[sflag:s26] =	ssyncset.done $0x0  }
0xd5: {  	[sflag:s26] =	ssyncadd.s32 $0xFFFFFB00  }
0xd6: {  	_ =	swait.ge [sflag:s26], $0x500  }
0xd7: {  	[sflag:s26] =	ssyncset.done $0x0  }
0xd8: {  	[sflag:s26] =	ssyncadd.s32 $0xFFFFFB00  }
0xd9: {  	_ =	swait.ge [sflag:s26], $0x500  }
0xda: {  	[sflag:s26] =	ssyncset.done $0x0  }
0xdb: {  	[sflag:s26] =	ssyncadd.s32 $0xFFFFFB00  }
0xdc: {  	_ =	swait.ge [sflag:s26], $0x500  }
0xdd: {  	[sflag:s26] =	ssyncset.done $0x0  }
0xde: {  	[sflag:s26] =	ssyncadd.s32 $0xFFFFFB00  }
0xdf: {  	_ =	swait.ge [sflag:s26], $0x500  }
0xe0: {  	[sflag:s26] =	ssyncset.done $0x0  }
0xe1: {  	[sflag:s26] =	ssyncadd.s32 $0xFFFFFB00  }
0xe2: {  	[tilespmem:s21], [sflag:$0x2] =	stream.indirect.gather.add.f32 [hbm:s3], $0x10, s2, s12, $0xb8;
	[tilespmem:$0x1C20] =	vst v63  }
0xe3: {  	_ = 	snop  }
0xe4: {  	[tilespmem:s22], [sflag:$0x2] =	stream.indirect.gather.add.f32 [hbm:s3], $0x10, s12, s12, $0xb8;
	[tilespmem:$0x1C20] =	vst v63  }
0xe5: {  	_ = 	snop  }
0xe6: {  	[tilespmem:s23], [sflag:$0x2] =	stream.indirect.gather.add.f32 [hbm:s3], $0x10, s14, s12, $0xb8;
	[tilespmem:$0x1C20] =	vst v63  }
0xe7: {  	_ = 	snop  }
0xe8: {  	[tilespmem:s24], [sflag:$0x2] =	stream.indirect.gather.add.f32 [hbm:s3], $0x10, s16, s12, $0xb8;
	[tilespmem:$0x1C20] =	vst v63  }
0xe9: {  	_ = 	snop  }
0xea: {  	[tilespmem:s25], [sflag:$0x2] =	stream.indirect.gather.add.f32 [hbm:s3], $0x10, s18, s12, $0xb8;
	[tilespmem:$0x1C20] =	vst v63  }
0xeb: {  	_ =	swait.ge [sflag:s26], $0x500  }
0xec: {  	[sflag:s26] =	ssyncset.done $0x0  }
0xed: {  	[sflag:s26] =	ssyncadd.s32 $0xFFFFFB00  }
0xee: {  	_ =	swait.ge [sflag:s26], $0x500  }
0xef: {  	[sflag:s26] =	ssyncset.done $0x0  }
0xf0: {  	[sflag:s26] =	ssyncadd.s32 $0xFFFFFB00  }
0xf1: {  	_ =	swait.ge [sflag:s26], $0x500  }
0xf2: {  	[sflag:s26] =	ssyncset.done $0x0  }
0xf3: {  	[sflag:s26] =	ssyncadd.s32 $0xFFFFFB00  }
0xf4: {  	_ =	swait.ge [sflag:s26], $0x500  }
0xf5: {  	[sflag:s26] =	ssyncset.done $0x0  }
0xf6: {  	[sflag:s26] =	ssyncadd.s32 $0xFFFFFB00  }
0xf7: {  	_ =	swait.ge [sflag:s26], $0x500  }
0xf8: {  	[sflag:s26] =	ssyncset.done $0x0  }
0xf9: {  	s6 =	sadd.s32 $0x320, s6;
	[sflag:s26] =	ssyncadd.s32 $0xFFFFFB00  }
0xfa: {  	[hbm4b:s6+s2] =	stream.linear.scatter [tilespmem:s21], [sflag:$0x3], $0x500, $0x38;
	[tilespmem:$0x1C20] =	vst v63  }
0xfb: {  	_ = 	snop  }
0xfc: {  	[hbm4b:s31+s2] =	stream.linear.scatter [tilespmem:s22], [sflag:$0x3], $0x500, $0x38;
	[tilespmem:$0x1C20] =	vst v63  }
0xfd: {  	_ = 	snop  }
0xfe: {  	[hbm4b:s30+s2] =	stream.linear.scatter [tilespmem:s23], [sflag:$0x3], $0x500, $0x38;
	[tilespmem:$0x1C20] =	vst v63  }
0xff: {  	_ = 	snop  }
0x100: {  	[hbm4b:s0+s2] =	stream.linear.scatter [tilespmem:s24], [sflag:$0x3], $0x500, $0x38;
	[tilespmem:$0x1C20] =	vst v63  }
0x101: {  	s7 =	sadd.s32 $0x320, s7  }
0x102: {  	[hbm4b:s7+s2] =	stream.linear.scatter [tilespmem:s25], [sflag:$0x3], $0x500, $0x38;
	[tilespmem:$0x1C20] =	vst v63  }
0x103: {  	_ =	swait.ge [sflag:s28], $0x500  }
0x104: {  	[sflag:s28] =	ssyncset.done $0x0  }
0x105: {  	[sflag:s28] =	ssyncadd.s32 $0xFFFFFB00  }
0x106: {  	_ =	swait.ge [sflag:s28], $0x500  }
0x107: {  	[sflag:s28] =	ssyncset.done $0x0  }
0x108: {  	[sflag:s28] =	ssyncadd.s32 $0xFFFFFB00  }
0x109: {  	_ =	swait.ge [sflag:s28], $0x500  }
0x10a: {  	[sflag:s28] =	ssyncset.done $0x0  }
0x10b: {  	p0 =	sne.s32 s1, $0x4B0;
	[sflag:s28] =	ssyncadd.s32 $0xFFFFFB00  }
.Ltmp0:
0x10c: {  	_ =	swait.ge [sflag:s28], $0x500;
	(pc) =	sbr.rel @p0 .LBB2_2-.Ltmp0, $4  }
0x10d: {  	s9 =	smov.u32 s1;
	[sflag:s28] =	ssyncset.done $0x0  }
0x10e: {  	s1 =	sadd.s32 $0x32, s1;
	s5 =	smov.u32 s9;
	[sflag:s28] =	ssyncadd.s32 $0xFFFFFB00  }
0x10f: {  	s31 =	sadd.s32 $0x320, s31;
	s30 =	sadd.s32 $0x320, s30;
	_ =	swait.ge [sflag:s28], $0x500  }
0x110: {  	s0 =	sadd.s32 $0x320, s0;
	s8 =	rddreg [dreg:$0x4];
	[sflag:s28] =	ssyncset.done $0x0  }
0x111: {  	s1 =	rddreg [dreg:$0x3];
	[sflag:s28] =	ssyncadd.s32 $0xFFFFFB00;
	s8 =	sadd.s32 s5, s8  }
0x112: {  	[tilespmem:s2], [sflag:$0x1] =	stream.linear.gather [hbm4b:s8+s2], $0x50, $0x38;
	[tilespmem:$0x1C20] =	vst v63  }
0x113: {  	s29 =	rddreg [dreg:$0xc];
	s1 =	sadd.s32 s5, s1  }
0x114: {  	[tilespmem:s11], [sflag:$0x1] =	stream.linear.gather [hbm4b:s1+s2], $0x50, $0x38;
	[tilespmem:$0x1C20] =	vst v63  }
0x115: {  	s9 =	rddreg [dreg:$0xb];
	s8 =	sadd.s32 s5, s29  }
0x116: {  	[tilespmem:s12], [sflag:$0x1] =	stream.linear.gather [hbm4b:s8+s2], $0x50, $0x38;
	[tilespmem:$0x1C20] =	vst v63  }
0x117: {  	s10 =	rddreg [dreg:$0xa];
	s1 =	sadd.s32 s5, s9  }
0x118: {  	[tilespmem:s13], [sflag:$0x1] =	stream.linear.gather [hbm4b:s1+s2], $0x50, $0x38;
	[tilespmem:$0x1C20] =	vst v63  }
0x119: {  	s29 =	rddreg [dreg:$0x9];
	s8 =	sadd.s32 s5, s10  }
0x11a: {  	[tilespmem:s14], [sflag:$0x1] =	stream.linear.gather [hbm4b:s8+s2], $0x50, $0x38;
	[tilespmem:$0x1C20] =	vst v63  }
0x11b: {  	s9 =	rddreg [dreg:$0x8];
	s1 =	sadd.s32 s5, s29  }
0x11c: {  	[tilespmem:s15], [sflag:$0x1] =	stream.linear.gather [hbm4b:s1+s2], $0x50, $0x38;
	[tilespmem:$0x1C20] =	vst v63  }
0x11d: {  	s10 =	rddreg [dreg:$0x7];
	s8 =	sadd.s32 s5, s9  }
0x11e: {  	[tilespmem:s16], [sflag:$0x1] =	stream.linear.gather [hbm4b:s8+s2], $0x50, $0x38;
	[tilespmem:$0x1C20] =	vst v63  }
0x11f: {  	s29 =	rddreg [dreg:$0x6];
	s1 =	sadd.s32 s5, s10  }
0x120: {  	[tilespmem:s17], [sflag:$0x1] =	stream.linear.gather [hbm4b:s1+s2], $0x50, $0x38;
	[tilespmem:$0x1C20] =	vst v63  }
0x121: {  	s9 =	rddreg [dreg:$0x5];
	s8 =	sadd.s32 s5, s29  }
0x122: {  	[tilespmem:s18], [sflag:$0x1] =	stream.linear.gather [hbm4b:s8+s2], $0x50, $0x38;
	[tilespmem:$0x1C20] =	vst v63  }
0x123: {  	s1 =	sadd.s32 s5, s9  }
0x124: {  	[tilespmem:s19], [sflag:$0x1] =	stream.linear.gather [hbm4b:s1+s2], $0x50, $0x38;
	[tilespmem:$0x1C20] =	vst v63  }
0x125: {  	_ =	swait.ge [sflag:s20], $0x50  }
0x126: {  	[sflag:s20] =	ssyncset.done $0x0  }
0x127: {  	[sflag:s20] =	ssyncadd.s32 $0xFFFFFFB0  }
0x128: {  	_ =	swait.ge [sflag:s20], $0x50  }
0x129: {  	[sflag:s20] =	ssyncset.done $0x0  }
0x12a: {  	[sflag:s20] =	ssyncadd.s32 $0xFFFFFFB0  }
0x12b: {  	_ =	swait.ge [sflag:s20], $0x50  }
0x12c: {  	[sflag:s20] =	ssyncset.done $0x0  }
0x12d: {  	[sflag:s20] =	ssyncadd.s32 $0xFFFFFFB0  }
0x12e: {  	_ =	swait.ge [sflag:s20], $0x50  }
0x12f: {  	[sflag:s20] =	ssyncset.done $0x0  }
0x130: {  	[sflag:s20] =	ssyncadd.s32 $0xFFFFFFB0  }
0x131: {  	_ =	swait.ge [sflag:s20], $0x50  }
0x132: {  	[sflag:s20] =	ssyncset.done $0x0  }
0x133: {  	[sflag:s20] =	ssyncadd.s32 $0xFFFFFFB0  }
0x134: {  	_ =	swait.ge [sflag:s20], $0x50  }
0x135: {  	[sflag:s20] =	ssyncset.done $0x0  }
0x136: {  	[sflag:s20] =	ssyncadd.s32 $0xFFFFFFB0  }
0x137: {  	_ =	swait.ge [sflag:s20], $0x50  }
0x138: {  	[sflag:s20] =	ssyncset.done $0x0  }
0x139: {  	[sflag:s20] =	ssyncadd.s32 $0xFFFFFFB0  }
0x13a: {  	_ =	swait.ge [sflag:s20], $0x50  }
0x13b: {  	[sflag:s20] =	ssyncset.done $0x0  }
0x13c: {  	[sflag:s20] =	ssyncadd.s32 $0xFFFFFFB0  }
0x13d: {  	_ =	swait.ge [sflag:s20], $0x50  }
0x13e: {  	[sflag:s20] =	ssyncset.done $0x0  }
0x13f: {  	[sflag:s20] =	ssyncadd.s32 $0xFFFFFFB0  }
0x140: {  	_ =	swait.ge [sflag:s20], $0x50  }
0x141: {  	[sflag:s20] =	ssyncset.done $0x0  }
0x142: {  	[sflag:s20] =	ssyncadd.s32 $0xFFFFFFB0  }
0x143: {  	[tilespmem:s21], [sflag:$0x2] =	stream.indirect.gather [hbm4b:s4+s12], $0x10, s11, s12, $0xb8;
	[tilespmem:$0x1C20] =	vst v63  }
0x144: {  	_ = 	snop  }
0x145: {  	[tilespmem:s22], [sflag:$0x2] =	stream.indirect.gather [hbm4b:s4+s12], $0x10, s13, s12, $0xb8;
	[tilespmem:$0x1C20] =	vst v63  }
0x146: {  	_ = 	snop  }
0x147: {  	[tilespmem:s23], [sflag:$0x2] =	stream.indirect.gather [hbm4b:s4+s12], $0x10, s15, s12, $0xb8;
	[tilespmem:$0x1C20] =	vst v63  }
0x148: {  	_ = 	snop  }
0x149: {  	[tilespmem:s24], [sflag:$0x2] =	stream.indirect.gather [hbm4b:s4+s12], $0x10, s17, s12, $0xb8;
	[tilespmem:$0x1C20] =	vst v63  }
0x14a: {  	_ = 	snop  }
0x14b: {  	[tilespmem:s25], [sflag:$0x2] =	stream.indirect.gather [hbm4b:s4+s12], $0x10, s19, s12, $0xb8;
	[tilespmem:$0x1C20] =	vst v63  }
0x14c: {  	_ =	swait.ge [sflag:s26], $0x500  }
0x14d: {  	[sflag:s26] =	ssyncset.done $0x0  }
0x14e: {  	[sflag:s26] =	ssyncadd.s32 $0xFFFFFB00  }
0x14f: {  	_ =	swait.ge [sflag:s26], $0x500  }
0x150: {  	[sflag:s26] =	ssyncset.done $0x0  }
0x151: {  	[sflag:s26] =	ssyncadd.s32 $0xFFFFFB00  }
0x152: {  	_ =	swait.ge [sflag:s26], $0x500  }
0x153: {  	[sflag:s26] =	ssyncset.done $0x0  }
0x154: {  	[sflag:s26] =	ssyncadd.s32 $0xFFFFFB00  }
0x155: {  	_ =	swait.ge [sflag:s26], $0x500  }
0x156: {  	[sflag:s26] =	ssyncset.done $0x0  }
0x157: {  	[sflag:s26] =	ssyncadd.s32 $0xFFFFFB00  }
0x158: {  	_ =	swait.ge [sflag:s26], $0x500  }
0x159: {  	[sflag:s26] =	ssyncset.done $0x0  }
0x15a: {  	[sflag:s26] =	ssyncadd.s32 $0xFFFFFB00  }
0x15b: {  	[tilespmem:s21], [sflag:$0x2] =	stream.indirect.gather.add.f32 [hbm:s3], $0x10, s2, s12, $0xb8;
	[tilespmem:$0x1C20] =	vst v63  }
0x15c: {  	_ = 	snop  }
0x15d: {  	[tilespmem:s22], [sflag:$0x2] =	stream.indirect.gather.add.f32 [hbm:s3], $0x10, s12, s12, $0xb8;
	[tilespmem:$0x1C20] =	vst v63  }
0x15e: {  	_ = 	snop  }
0x15f: {  	[tilespmem:s23], [sflag:$0x2] =	stream.indirect.gather.add.f32 [hbm:s3], $0x10, s14, s12, $0xb8;
	[tilespmem:$0x1C20] =	vst v63  }
0x160: {  	_ = 	snop  }
0x161: {  	[tilespmem:s24], [sflag:$0x2] =	stream.indirect.gather.add.f32 [hbm:s3], $0x10, s16, s12, $0xb8;
	[tilespmem:$0x1C20] =	vst v63  }
0x162: {  	_ = 	snop  }
0x163: {  	[tilespmem:s25], [sflag:$0x2] =	stream.indirect.gather.add.f32 [hbm:s3], $0x10, s18, s12, $0xb8;
	[tilespmem:$0x1C20] =	vst v63  }
0x164: {  	_ =	swait.ge [sflag:s26], $0x500  }
0x165: {  	[sflag:s26] =	ssyncset.done $0x0  }
0x166: {  	[sflag:s26] =	ssyncadd.s32 $0xFFFFFB00  }
0x167: {  	_ =	swait.ge [sflag:s26], $0x500  }
0x168: {  	[sflag:s26] =	ssyncset.done $0x0  }
0x169: {  	[sflag:s26] =	ssyncadd.s32 $0xFFFFFB00  }
0x16a: {  	_ =	swait.ge [sflag:s26], $0x500  }
0x16b: {  	[sflag:s26] =	ssyncset.done $0x0  }
0x16c: {  	[sflag:s26] =	ssyncadd.s32 $0xFFFFFB00  }
0x16d: {  	_ =	swait.ge [sflag:s26], $0x500  }
0x16e: {  	[sflag:s26] =	ssyncset.done $0x0  }
0x16f: {  	[sflag:s26] =	ssyncadd.s32 $0xFFFFFB00  }
0x170: {  	_ =	swait.ge [sflag:s26], $0x500  }
0x171: {  	[sflag:s26] =	ssyncset.done $0x0  }
0x172: {  	s10 =	sadd.s32 $0x320, s6;
	[sflag:s26] =	ssyncadd.s32 $0xFFFFFB00  }
0x173: {  	[hbm4b:s10+s2] =	stream.linear.scatter [tilespmem:s21], [sflag:$0x3], $0x500, $0x38;
	[tilespmem:$0x1C20] =	vst v63  }
0x174: {  	_ = 	snop  }
0x175: {  	[hbm4b:s31+s2] =	stream.linear.scatter [tilespmem:s22], [sflag:$0x3], $0x500, $0x38;
	[tilespmem:$0x1C20] =	vst v63  }
0x176: {  	_ = 	snop  }
0x177: {  	[hbm4b:s30+s2] =	stream.linear.scatter [tilespmem:s23], [sflag:$0x3], $0x500, $0x38;
	[tilespmem:$0x1C20] =	vst v63  }
0x178: {  	_ = 	snop  }
0x179: {  	[hbm4b:s0+s2] =	stream.linear.scatter [tilespmem:s24], [sflag:$0x3], $0x500, $0x38;
	[tilespmem:$0x1C20] =	vst v63  }
0x17a: {  	s29 =	sadd.s32 $0x320, s7  }
0x17b: {  	[hbm4b:s29+s2] =	stream.linear.scatter [tilespmem:s25], [sflag:$0x3], $0x500, $0x38;
	[tilespmem:$0x1C20] =	vst v63  }
0x17c: {  	_ =	swait.ge [sflag:s28], $0x500  }
0x17d: {  	[sflag:s28] =	ssyncset.done $0x0  }
0x17e: {  	[sflag:s28] =	ssyncadd.s32 $0xFFFFFB00  }
0x17f: {  	_ =	swait.ge [sflag:s28], $0x500  }
0x180: {  	[sflag:s28] =	ssyncset.done $0x0  }
0x181: {  	[sflag:s28] =	ssyncadd.s32 $0xFFFFFB00  }
0x182: {  	_ =	swait.ge [sflag:s28], $0x500  }
0x183: {  	[sflag:s28] =	ssyncset.done $0x0  }
0x184: {  	[sflag:s28] =	ssyncadd.s32 $0xFFFFFB00  }
0x185: {  	_ =	swait.ge [sflag:s28], $0x500  }
0x186: {  	[sflag:s28] =	ssyncset.done $0x0  }
0x187: {  	[sflag:s28] =	ssyncadd.s32 $0xFFFFFB00  }
0x188: {  	_ =	swait.ge [sflag:s28], $0x500  }
0x189: {  	s30 =	rddreg [dreg:$0x13]  }
0x18a: {  	s31 =	rddreg [dreg:$0xd];
	s1 =	sadd.s32 $0x1, s30  }
0x18b: {  	p0 =	sne.s32 s1, s31  }
.Ltmp1:
0x18c: {  	_ = 	snop;
	(pc) =	sbr.rel @p0 .LBB2_1-.Ltmp1, $3  }
0x18d: {  	_ =	sdelay $0x1  }
0x18e: {  	[sflag:s28] =	ssyncset.done $0x0  }
0x18f: {  	[sflag:s28] =	ssyncadd.s32 $0xFFFFFB00  }
0x190: {  	_ =	sfence.sel $0x180000  }
0x191: {  	[bflag:$0x0] =	sbarrier.arrive $0xFFFF  }
0x192: {  	_ =	strace $0x90000047  }
0x193: {  	s0 =	stileid.u32;
	[bflag:$0x2] =	sbarrier.arrive $0xFFFF  }
0x194: {  	p0 =	sne.s32 s0, $0x0;
	s0 =	rddreg [dreg:$0x2]  }
0x195: {  	s0 =	sadd.s32 @!p0 $0x100000, s0  }
0x196: {  	[sflag:s0] =	ssyncadd.tile.s32 @!p0 $0x1;
	_ =	shalt  }
.Lfunc_end2:
_tile_overlayer_lowered:
.L_overlay_start_2:
0x197: {  	(tag) =	ssettag $0x2  }
0x198: {  	s0 =	rddreg [dreg:$0x0];
	s2 =	stileid.u32  }
0x199: {  	s1 =	rddreg [dreg:$0x1];
	p0 =	sne.s32 s2, $0x0  }
0x19a: {  	s3 =	rddreg [dreg:$0x2];
	[bflag:$0x3] =	sbarrier.arrive $0xFFFF;
	s2 =	simm.s32 @!p0 $0x1C04  }
0x19b: {  	[timem:s3], [sflag:s2] =	dma.local @!p0 [hbm:s0], s1  }
0x19c: {  	s0 =	simm.s32 @!p0 $0x4  }
0x19d: {  	_ =	swait.ge @!p0 [sflag:s0], s1  }
0x19e: {  	s1 =	ssub.s32 @!p0 $0x0, s1;
	[sflag:s0] =	ssyncset.done @!p0 $0x0  }
0x19f: {  	[sflag:s0] =	ssyncadd.s32 @!p0 s1  }
0x1a0: {  	[bflag:$0x3] =	sbarrier.arrive $0xFFFF  }
0x1a1: {  	_ =	shalt  }

</sc_bundles>
